<compile_context>
chip_gen: v7x
topology: tpu7x:2x2x1
jax: 0.10.2.dev20260603
libtpu: 0.0.44.dev20260713+nightly
codegen_flags: <defaults>
</compile_context>

<pallas_src>
import functools

import jax
import jax.numpy as jnp
from jax import lax
from jax.experimental import pallas as pl
from jax.experimental.pallas import tpu as pltpu
from jax.experimental.pallas import tpu_sc as plsc

_NC = 2
_NS = 16
_NW = _NC * _NS
_CB = 128


def _cdiv(a, b):
  return (a + b - 1) // b




def _mm2(x, wl, wr, b, rb):
  m, k = x.shape
  dl, dr = wl.shape[1], wr.shape[1]

  def body(x_ref, wl_ref, wr_ref, b_ref, ol_ref, or_ref):
    xv = x_ref[...]
    ol_ref[...] = jnp.dot(xv, wl_ref[...], preferred_element_type=jnp.float32)
    or_ref[...] = jnp.dot(xv, wr_ref[...],
                          preferred_element_type=jnp.float32) + b_ref[...]

  return pl.pallas_call(
      body,
      grid=(m // rb,),
      in_specs=[
          pl.BlockSpec((rb, k), lambda i: (i, 0)),
          pl.BlockSpec((k, dl), lambda i: (0, 0)),
          pl.BlockSpec((k, dr), lambda i: (0, 0)),
          pl.BlockSpec((1, dr), lambda i: (0, 0)),
      ],
      out_specs=[
          pl.BlockSpec((rb, dl), lambda i: (i, 0)),
          pl.BlockSpec((rb, dr), lambda i: (i, 0)),
      ],
      out_shape=[
          jax.ShapeDtypeStruct((m, dl), jnp.float32),
          jax.ShapeDtypeStruct((m, dr), jnp.float32),
      ],
  )(x, wl, wr, b)


def _combine_proj(agg1, deg, r1b, w2l, w2r, w3, b2l, b3, n_pad, rb):
  dh = r1b.shape[1]
  nb = n_pad // rb
  noff = n_pad // rb

  def body(a0_ref, a1_ref, d0_ref, d1_ref, r_ref, w2l_ref, w2r_ref, w3_ref,
           b2l_ref, b3_ref, pcs_ref, rc_ref, rd_ref):
    rec = 1.0 / jnp.maximum(d0_ref[...] + d1_ref[...], 1.0)
    h = jnp.maximum((a0_ref[...] + a1_ref[...]) * rec[:, :1] + r_ref[...],
                    0.0)
    w3j = w3_ref[...]
    dot = lambda p, q: jnp.dot(p, q, preferred_element_type=jnp.float32)
    ucoef = 1.0 - pl.program_id(0).astype(jnp.float32)
    pcs_ref[0] = dot(h, dot(w2l_ref[...], w3j))
    rc_ref[0] = dot(h, dot(w2r_ref[...], w3j)) + dot(b2l_ref[...],
                                                     w3j) + b3_ref[...] * ucoef
    rd_ref[...] = rec

  out3 = jax.ShapeDtypeStruct((2, n_pad, 16), jnp.float32)
  return pl.pallas_call(
      body,
      grid=(2, nb),
      in_specs=[
          pl.BlockSpec((rb, dh), lambda j, i: (i, 0)),
          pl.BlockSpec((rb, dh), lambda j, i: (i + noff, 0)),
          pl.BlockSpec((rb, 16), lambda j, i: (i, 0)),
          pl.BlockSpec((rb, 16), lambda j, i: (i + noff, 0)),
          pl.BlockSpec((rb, dh), lambda j, i: (i, 0)),
          pl.BlockSpec((dh, 16), lambda j, i: (0, 0)),
          pl.BlockSpec((dh, 16), lambda j, i: (0, 0)),
          pl.BlockSpec((16, 16), lambda j, i: (j, 0)),
          pl.BlockSpec((1, 16), lambda j, i: (0, 0)),
          pl.BlockSpec((1, 16), lambda j, i: (0, 0)),
      ],
      out_specs=[
          pl.BlockSpec((1, rb, 16), lambda j, i: (j, i, 0)),
          pl.BlockSpec((1, rb, 16), lambda j, i: (j, i, 0)),
          pl.BlockSpec((rb, 16), lambda j, i: (i, 0)),
      ],
      out_shape=[out3, out3, jax.ShapeDtypeStruct((n_pad, 16), jnp.float32)],
  )(agg1, agg1, deg, deg, r1b, w2l, w2r, w3, b2l, b3)


def _decode(ccat2, w4t, sel, b4, rb8):
  m8 = ccat2.shape[0] // 2
  nblk = m8 // rb8

  def body(cu_ref, cv_ref, w4_ref, sel_ref, b4_ref, o_ref):
    hid = jnp.maximum(cu_ref[...] + cv_ref[...], 0.0)
    o_ref[...] = jnp.dot(hid * w4_ref[...], sel_ref[...],
                         preferred_element_type=jnp.float32,
                         precision=jax.lax.Precision.HIGHEST) + b4_ref[0, 0]

  return pl.pallas_call(
      body,
      grid=(nblk,),
      in_specs=[
          pl.BlockSpec((rb8, 128), lambda i: (i, 0)),
          pl.BlockSpec((rb8, 128), lambda i: (i + nblk, 0)),
          pl.BlockSpec((1, 128), lambda i: (0, 0)),
          pl.BlockSpec((128, 8), lambda i: (0, 0)),
          pl.BlockSpec((1, 1), lambda i: (0, 0)),
      ],
      out_specs=pl.BlockSpec((rb8, 8), lambda i: (i, 0)),
      out_shape=jax.ShapeDtypeStruct((m8, 8), jnp.float32),
  )(ccat2, ccat2, w4t, sel, b4)




def _zero_rows(buf, rows, d):
  z = jnp.zeros((16,), jnp.float32)

  def zf(i, c):
    for kk in range(d // 16):
      buf[i, pl.ds(kk * 16, 16)] = z
    return c

  lax.fori_loop(0, rows, zf, 0)


def _seg_sum(p, src3, dst3, n_pad, with_deg):
  d = p.shape[1]
  nw, nchunk, cb = src3.shape
  assert nchunk % 2 == 0 and nchunk >= 4
  rpt = n_pad // _NS
  mesh = plsc.VectorSubcoreMesh(core_axis_name="c", subcore_axis_name="s",
                                num_cores=_NC, num_subcores=_NS)

  out_type = [jax.ShapeDtypeStruct((_NC * n_pad, d), jnp.float32)]
  scratch = [
      pltpu.VMEM_SHARED((n_pad, d), jnp.float32),
      pltpu.VMEM((cb, d), jnp.float32),
      pltpu.VMEM((cb, d), jnp.float32),
      pltpu.VMEM((nchunk, cb), jnp.int32),
      pltpu.VMEM((nchunk, cb), jnp.int32),
      pltpu.SemaphoreType.DMA,
      pltpu.SemaphoreType.DMA,
  ]
  if with_deg:
    out_type.append(jax.ShapeDtypeStruct((_NC * n_pad, 16), jnp.float32))
    scratch += [
        pltpu.VMEM_SHARED((n_pad, 16), jnp.float32),
        pltpu.VMEM((cb, 16), jnp.float32),
        pltpu.SemaphoreType.DMA,
    ]

  @functools.partial(
      pl.kernel,
      out_type=out_type,
      mesh=mesh,
      compiler_params=pltpu.CompilerParams(use_tc_tiling_on_sc=False),
      scratch_types=scratch,
  )
  def k(p_hbm, src_hbm, dst_hbm, agg_out, *rest):
    if with_deg:
      (deg_out, agg_sp, g0, g1, sidx, didx, s0, s1, deg_sp, ones, dsem) = rest
    else:
      (agg_sp, g0, g1, sidx, didx, s0, s1) = rest
    c = lax.axis_index("c")
    s = lax.axis_index("s")
    w = s * _NC + c

    _zero_rows(g0, cb, d)
    for kk in range(rpt // cb):
      pltpu.sync_copy(g0, agg_sp.at[pl.ds(s * rpt + kk * cb, cb)])
    if with_deg:
      _zero_rows(ones, cb, 16)
      for kk in range(rpt // cb):
        pltpu.sync_copy(ones, deg_sp.at[pl.ds(s * rpt + kk * cb, cb)])
      one = jnp.ones((16,), jnp.float32)

      def of(i, cacc):
        ones[i, pl.ds(0, 16)] = one
        return cacc

      lax.fori_loop(0, cb, of, 0)

    pltpu.sync_copy(src_hbm.at[w], sidx)
    pltpu.sync_copy(dst_hbm.at[w], didx)
    plsc.subcore_barrier()

    bufs = (g0, g1)
    sems = (s0, s1)

    def start(j, b):
      pltpu.async_copy(p_hbm.at[sidx.at[j]], bufs[b], sems[b])

    def finish(j, b):
      pltpu.make_async_copy(p_hbm.at[sidx.at[j]], bufs[b], sems[b]).wait()
      pltpu.sync_copy(bufs[b], agg_sp.at[didx.at[j]], add=True)
      if with_deg:
        pltpu.async_copy(ones, deg_sp.at[didx.at[j]], dsem, add=True)

    start(0, 0)

    @pl.loop(0, nchunk - 2, step=2)
    def body(j):
      start(j + 1, 1)
      finish(j, 0)
      start(j + 2, 0)
      finish(j + 1, 1)

    start(nchunk - 1, 1)
    finish(nchunk - 2, 0)
    finish(nchunk - 1, 1)

    if with_deg:
      def drain(j, cacc):
        pltpu.make_async_copy(ones, deg_sp.at[didx.at[0]], dsem).wait()
        return cacc

      lax.fori_loop(0, nchunk, drain, 0)

    plsc.subcore_barrier()

    pltpu.sync_copy(agg_sp.at[pl.ds(s * rpt, rpt)],
                    agg_out.at[pl.ds(c * n_pad + s * rpt, rpt)])
    if with_deg:
      pltpu.sync_copy(deg_sp.at[pl.ds(s * rpt, rpt)],
                      deg_out.at[pl.ds(c * n_pad + s * rpt, rpt)])

  return k(p, src3, dst3)


def _fused_uv(pcs, rc2, rd, srcA, dst2, eidx2, n, n_pad):
  _, nchunk, cb = dst2.shape
  assert nchunk % 2 == 0 and nchunk >= 4
  epw = nchunk * cb
  e_pad = _NS * epw
  rpt = n_pad // _NS
  nblk = rpt // cb
  mesh = plsc.VectorSubcoreMesh(core_axis_name="c", subcore_axis_name="s",
                                num_cores=_NC, num_subcores=_NS)

  @functools.partial(
      pl.kernel,
      out_type=[jax.ShapeDtypeStruct((2 * e_pad, 16), jnp.float32)],
      mesh=mesh,
      compiler_params=pltpu.CompilerParams(use_tc_tiling_on_sc=False),
      scratch_types=[
          pltpu.VMEM_SHARED((n_pad, 16), jnp.float32),
          pltpu.VMEM((nchunk, cb), jnp.int32),
          pltpu.VMEM((nchunk, cb), jnp.int32),
          pltpu.VMEM((nchunk, cb), jnp.int32),
          pltpu.VMEM((cb, 16), jnp.float32),
          pltpu.VMEM((cb, 16), jnp.float32),
          pltpu.VMEM((cb, 16), jnp.float32),
          pltpu.VMEM((cb, 16), jnp.float32),
          pltpu.VMEM((cb, 16), jnp.float32),
          pltpu.VMEM((cb, 16), jnp.float32),
          pltpu.SemaphoreType.DMA,
          pltpu.SemaphoreType.DMA,
          pltpu.SemaphoreType.DMA,
          pltpu.SemaphoreType.DMA,
      ],
  )
  def k(pcs_hbm, rc2_hbm, rd_hbm, srcA_hbm, dst2_hbm, eidx_hbm, cc_out,
        tab, sidx, didx, eidx, g0, g1, u0, u1, rcb, rdb,
        s0, s1, w0, w1):
    c = lax.axis_index("c")
    s = lax.axis_index("s")

    _zero_rows(g0, cb, 16)
    for kk in range(nblk):
      pltpu.sync_copy(g0, tab.at[pl.ds(s * rpt + kk * cb, cb)])

    pltpu.sync_copy(srcA_hbm.at[c * _NS + s], sidx)
    pltpu.sync_copy(dst2_hbm.at[s], didx)
    pltpu.sync_copy(eidx_hbm.at[c * _NS + s], eidx)
    plsc.subcore_barrier()

    bufs = (g0, g1)
    sems = (s0, s1)

    def start(j, b):
      pltpu.async_copy(pcs_hbm.at[sidx.at[j]], bufs[b], sems[b])

    def finish(j, b):
      pltpu.make_async_copy(pcs_hbm.at[sidx.at[j]], bufs[b], sems[b]).wait()
      pltpu.sync_copy(bufs[b], tab.at[didx.at[j]], add=True)

    start(0, 0)

    @pl.loop(0, nchunk - 2, step=2)
    def seg_body(j):
      start(j + 1, 1)
      finish(j, 0)
      start(j + 2, 0)
      finish(j + 1, 1)

    start(nchunk - 1, 1)
    finish(nchunk - 2, 0)
    finish(nchunk - 1, 1)
    plsc.subcore_barrier()

    for blk in range(nblk):
      row0 = s * rpt + blk * cb
      pltpu.sync_copy(tab.at[pl.ds(row0, cb)], g0)
      pltpu.sync_copy(rc2_hbm.at[pl.ds(c * n_pad + row0, cb)], rcb)
      pltpu.sync_copy(rd_hbm.at[pl.ds(row0, cb)], rdb)

      def rowf(i, cacc):
        u0[i, pl.ds(0, 16)] = (g0[i, pl.ds(0, 16)] * rdb[i, pl.ds(0, 16)]
                               + rcb[i, pl.ds(0, 16)])
        return cacc

      lax.fori_loop(0, cb, rowf, 0)
      pltpu.sync_copy(u0, tab.at[pl.ds(row0, cb)])
    plsc.subcore_barrier()

    ubufs = (u0, u1)
    gsems = (s0, s1)
    wsems = (w0, w1)

    def start_gather(j, p):
      pltpu.async_copy(tab.at[eidx.at[j]], ubufs[p], gsems[p])

    def wait_gather(j, p):
      pltpu.make_async_copy(tab.at[eidx.at[j]], ubufs[p], gsems[p]).wait()

    def obase(j):
      return c * e_pad + s * epw + j * cb

    def start_write(j, p):
      pltpu.async_copy(ubufs[p], cc_out.at[pl.ds(obase(j), cb)], wsems[p])

    def wait_write(j, p):
      pltpu.make_async_copy(ubufs[p], cc_out.at[pl.ds(obase(j), cb)],
                            wsems[p]).wait()

    start_gather(0, 0)
    start_gather(1, 1)
    wait_gather(0, 0)
    start_write(0, 0)

    @pl.loop(1, nchunk - 1, step=2)
    def body(j):
      wait_write(j - 1, 0)
      start_gather(j + 1, 0)
      wait_gather(j, 1)
      start_write(j, 1)
      wait_write(j, 1)
      start_gather(j + 2, 1)
      wait_gather(j + 1, 0)
      start_write(j + 1, 0)

    wait_write(nchunk - 2, 0)
    wait_gather(nchunk - 1, 1)
    start_write(nchunk - 1, 1)
    wait_write(nchunk - 1, 1)

  return k(pcs, rc2, rd, srcA, dst2, eidx2)[0]




def kernel(x, edge_index, W1l, b1l, W1r, W2l, b2l, W2r, W3, b3, W4, b4):
  n, d_in = x.shape
  e = edge_index.shape[1]
  d_hid = W1l.shape[1]

  e_pad = _cdiv(e, 16384) * 16384
  epw = e_pad // _NW
  n_pad = _cdiv(n + 1, _NS * _CB) * _NS * _CB

  src = edge_index[0]
  dst = edge_index[1]
  pad = e_pad - e
  src_p = jnp.concatenate([src, jnp.zeros((pad,), jnp.int32)])
  dst_p = jnp.concatenate([dst, jnp.full((pad,), n, jnp.int32)])
  src3 = src_p.reshape(_NW, epw // _CB, _CB)
  dst3 = dst_p.reshape(_NW, epw // _CB, _CB)

  eps = e_pad // _NS
  src2 = src_p.reshape(_NS, eps // _CB, _CB)
  dst2 = dst_p.reshape(_NS, eps // _CB, _CB)
  srcA = jnp.concatenate([src2, src2 + n_pad], axis=0)
  eidx2 = jnp.concatenate([src2, dst2], axis=0)

  p1, r1b = _mm2(x, W1l, W1r, b1l.reshape(1, d_hid), rb=2000)
  agg1, deg = _seg_sum(p1, src3, dst3, n_pad, with_deg=True)

  pcs3, rc3, rd = _combine_proj(agg1, deg, r1b, W2l, W2r, W3,
                                b2l.reshape(1, 16), b3.reshape(1, 16),
                                n_pad, rb=2048)

  ccat = _fused_uv(pcs3.reshape(2 * n_pad, 16), rc3.reshape(2 * n_pad, 16),
                   rd, srcA, dst2, eidx2, n, n_pad)
  sel = (jnp.arange(128, dtype=jnp.int32)[:, None] // 16
         == jnp.arange(8, dtype=jnp.int32)[None, :]).astype(jnp.float32)
  out2 = _decode(ccat.reshape(-1, 128),
                 jnp.tile(W4.reshape(-1), 8).reshape(1, 128),
                 sel, b4.reshape(1, 1), rb8=4096)
  return out2.reshape(-1)[:e]

# --- scband reference (transcript-rebuilt; emitter-appended) ---
"""Pipeline reference for scband-team-graph-sage-86577950752953 (READ-ONLY COPY).

The authoritative reference and input builder live on the scoring server;
editing this copy changes nothing except your own understanding.
"""

import jax, jax.numpy as jnp
import numpy as np

N = 10000
E = 320000
D_IN = 128
D_HID = 32
D_OUT = 16


def setup_inputs(seed: int = 0) -> dict:
    key = jax.random.key(seed)
    ks = jax.random.split(key, 12)
    x = jax.random.normal(ks[0], (N, D_IN), dtype=jnp.float32)
    edge_index = jax.random.randint(ks[1], (2, E), 0, N, dtype=jnp.int32)
    # SAGEConv1 params: lin_l (aggregated neighbors, with bias), lin_r (root, no bias)
    W1l = jax.random.normal(ks[2], (D_IN, D_HID), dtype=jnp.float32) / np.sqrt(D_IN)
    b1l = jnp.zeros((D_HID,), dtype=jnp.float32)
    W1r = jax.random.normal(ks[3], (D_IN, D_HID), dtype=jnp.float32) / np.sqrt(D_IN)
    # SAGEConv2 params
    W2l = jax.random.normal(ks[4], (D_HID, D_OUT), dtype=jnp.float32) / np.sqrt(D_HID)
    b2l = jnp.zeros((D_OUT,), dtype=jnp.float32)
    W2r = jax.random.normal(ks[5], (D_HID, D_OUT), dtype=jnp.float32) / np.sqrt(D_HID)
    # edge_pred MLP: Linear(2*D_OUT, 16) -> ReLU -> Linear(16, 1)
    W3 = jax.random.normal(ks[6], (2 * D_OUT, 16), dtype=jnp.float32) / np.sqrt(2 * D_OUT)
    b3 = jnp.zeros((16,), dtype=jnp.float32)
    W4 = jax.random.normal(ks[7], (16, 1), dtype=jnp.float32) / np.sqrt(16)
    b4 = jnp.zeros((1,), dtype=jnp.float32)
    return {"x": x, "edge_index": edge_index, "W1l": W1l, "b1l": b1l, "W1r": W1r,
            "W2l": W2l, "b2l": b2l, "W2r": W2r, "W3": W3, "b3": b3, "W4": W4, "b4": b4}


def _sage_conv(x, src, dst, Wl, bl, Wr, n_nodes):
    # PyG SAGEConv with mean aggregation:
    # out = lin_l(mean_{j in N(i)} x_j) + lin_r(x_i)
    msg = jnp.take(x, src, axis=0)                                    # gather [E, d]
    s = jax.ops.segment_sum(msg, dst, num_segments=n_nodes)           # scatter-add [N, d]
    cnt = jax.ops.segment_sum(jnp.ones((src.shape[0], 1), dtype=x.dtype), dst, num_segments=n_nodes)
    mean = s / jnp.maximum(cnt, 1.0)
    return mean @ Wl + bl + x @ Wr


def reference(x, edge_index, W1l, b1l, W1r, W2l, b2l, W2r, W3, b3, W4, b4):
    src = edge_index[0]
    dst = edge_index[1]
    # encode (eval mode: dropout is identity)
    h = _sage_conv(x, src, dst, W1l, b1l, W1r, N)
    h = jax.nn.relu(h)
    z = _sage_conv(h, src, dst, W2l, b2l, W2r, N)
    # decode: edge-level prediction
    cat = jnp.concatenate([jnp.take(z, src, axis=0), jnp.take(z, dst, axis=0)], axis=-1)
    hid = jax.nn.relu(cat @ W3 + b3)
    out = (hid @ W4 + b4).squeeze(-1)                                  # [E]
    return out


if False:  # reference __main__ guard neutralized (emitter)
    inp = setup_inputs()
    out = reference(**inp)
    print(out.shape, out.dtype)

if __name__ == "__main__":
    import jax
    _d = setup_inputs()
    print(jax.jit(kernel)(*tuple(_d.values())))

</pallas_src>

<mosaic_0001>
#map = affine_map<(d0, d1) -> (0, 0)>
#map1 = affine_map<(d0, d1) -> (0, 0, 0)>
module attributes {stable_mosaic.version = 14 : i64} {
  func.func @k(%arg0: i32, %arg1: i32, %arg2: memref<10000x32xf32, #tpu.memory_space<hbm>>, %arg3: memref<32x80x128xi32, #tpu.memory_space<hbm>>, %arg4: memref<32x80x128xi32, #tpu.memory_space<hbm>>, %arg5: memref<20480x32xf32, #tpu.memory_space<hbm>>, %arg6: memref<20480x16xf32, #tpu.memory_space<hbm>>, %arg7: memref<10240x32xf32, #tpu.memory_space<vmem_shared>>, %arg8: memref<128x32xf32, #tpu.memory_space<vmem>>, %arg9: memref<128x32xf32, #tpu.memory_space<vmem>>, %arg10: memref<80x128xi32, #tpu.memory_space<vmem>>, %arg11: memref<80x128xi32, #tpu.memory_space<vmem>>, %arg12: memref<!tpu.dma_semaphore, #tpu.memory_space<semaphore_mem>>, %arg13: memref<!tpu.dma_semaphore, #tpu.memory_space<semaphore_mem>>, %arg14: memref<10240x16xf32, #tpu.memory_space<vmem_shared>>, %arg15: memref<128x16xf32, #tpu.memory_space<vmem>>, %arg16: memref<!tpu.dma_semaphore, #tpu.memory_space<semaphore_mem>>) attributes {dimension_semantics = [#tpu.dimension_semantics<core_parallel>, #tpu.dimension_semantics<subcore_parallel>], iteration_bounds = array<i64: 2, 16>, scalar_prefetch = 0 : i64, scratch_operands = 10 : i64, tpu.core_type = #tpu.core_type<sc_vector_subcore>, window_params = [{transform_indices = #map}, {transform_indices = #map1}, {transform_indices = #map1}, {transform_indices = #map}, {transform_indices = #map}]} {
    %mul3A = arith.constant 2 : i32
    %mul3A_0 = arith.muli %arg1, %mul3A : i32
    %add3A = arith.addi %mul3A_0, %arg0 : i32
    %broadcast_in_dim3A = arith.constant 0.000000e+00 : f32
    %broadcast_in_dim3A_1 = vector.broadcast %broadcast_in_dim3A : f32 to vector<16xf32>
    %scan3A = arith.constant 0 : i32
    %scan3A_2 = arith.constant 0 : i32
    %scan3A_3 = arith.constant 128 : i32
    %scan3A_4 = arith.addi %scan3A_2, %scan3A_3 : i32
    %scan3A_5 = arith.constant 1 : i32
    scf.for %scan3A_130 = %scan3A_2 to %scan3A_4 step %scan3A_5  : i32 {
      %swap3A = arith.index_cast %scan3A_130 : i32 to index
      %swap3A_131 = arith.constant 0 : index
      %swap3A_132 = tpu.vector_load %arg8[%swap3A, %swap3A_131] {strides = array<i32>} : memref<128x32xf32, #tpu.memory_space<vmem>>, vector<1x16xf32>,
      %swap3A_133 = vector.shape_cast %swap3A_132 : vector<1x16xf32> to vector<16xf32>
      %swap3A_134 = vector.shape_cast %broadcast_in_dim3A_1 : vector<16xf32> to vector<1x16xf32>
      tpu.vector_store %arg8[%swap3A, %swap3A_131], %swap3A_134 {strides = array<i32>} : memref<128x32xf32, #tpu.memory_space<vmem>>, vector<1x16xf32>,
      %swap3A_135 = arith.index_cast %scan3A_130 : i32 to index
      %swap3A_136 = arith.constant 16 : index
      %swap3A_137 = tpu.vector_load %arg8[%swap3A_135, %swap3A_136] {strides = array<i32>} : memref<128x32xf32, #tpu.memory_space<vmem>>, vector<1x16xf32>,
      %swap3A_138 = vector.shape_cast %swap3A_137 : vector<1x16xf32> to vector<16xf32>
      %swap3A_139 = vector.shape_cast %broadcast_in_dim3A_1 : vector<16xf32> to vector<1x16xf32>
      tpu.vector_store %arg8[%swap3A_135, %swap3A_136], %swap3A_139 {strides = array<i32>} : memref<128x32xf32, #tpu.memory_space<vmem>>, vector<1x16xf32>,
    }
    %scan3A_6 = arith.constant 128 : i32
    %mul3A_7 = arith.constant 640 : i32
    %mul3A_8 = arith.muli %arg1, %mul3A_7 : i32
    %add3A_9 = arith.constant 0 : i32
    %add3A_10 = arith.addi %mul3A_8, %add3A_9 : i32
    "tpu.region"() ({
      %run_scoped3A_130 = tpu.sem_alloc : memref<!tpu.dma_semaphore, #tpu.memory_space<semaphore_mem>>
      %dma_start3A_131 = arith.constant 0 : i32
      %dma_start3A_132 = tpu.memref_slice %arg7[%add3A_10, %dma_start3A_131] : memref<10240x32xf32, #tpu.memory_space<vmem_shared>> -> memref<128x32xf32, #tpu.memory_space<vmem_shared>>
      %dma_start3A_133 = arith.constant 0 : i32
      %dma_start3A_134 = tpu.memref_slice %arg7[%add3A_10, %dma_start3A_133] : memref<10240x32xf32, #tpu.memory_space<vmem_shared>> -> memref<128x32xf32, #tpu.memory_space<vmem_shared>>
      tpu.enqueue_dma source(%arg8 : memref<128x32xf32, #tpu.memory_space<vmem>>) target(%dma_start3A_134 : memref<128x32xf32, #tpu.memory_space<vmem_shared>>) target_semaphore(%run_scoped3A_130 : memref<!tpu.dma_semaphore, #tpu.memory_space<semaphore_mem>>)
      %dma_wait3A_135 = arith.constant 0 : i32
      %dma_wait3A_136 = tpu.memref_slice %arg7[%add3A_10, %dma_wait3A_135] : memref<10240x32xf32, #tpu.memory_space<vmem_shared>> -> memref<128x32xf32, #tpu.memory_space<vmem_shared>>
      %dma_wait3A_137 = arith.constant 0 : i32
      %dma_wait3A_138 = tpu.memref_slice %arg7[%add3A_10, %dma_wait3A_137] : memref<10240x32xf32, #tpu.memory_space<vmem_shared>> -> memref<128x32xf32, #tpu.memory_space<vmem_shared>>
      tpu.wait_dma2 semaphore(%run_scoped3A_130 : memref<!tpu.dma_semaphore, #tpu.memory_space<semaphore_mem>>) src(%arg8 : memref<128x32xf32, #tpu.memory_space<vmem>>) dst(%dma_wait3A_138 : memref<128x32xf32, #tpu.memory_space<vmem_shared>>)
      tpu.yield
    }) : () -> ()
    %mul3A_11 = arith.constant 640 : i32
    %mul3A_12 = arith.muli %arg1, %mul3A_11 : i32
    %add3A_13 = arith.constant 128 : i32
    %add3A_14 = arith.addi %mul3A_12, %add3A_13 : i32
    "tpu.region"() ({
      %run_scoped3A_130 = tpu.sem_alloc : memref<!tpu.dma_semaphore, #tpu.memory_space<semaphore_mem>>
      %dma_start3A_131 = arith.constant 0 : i32
      %dma_start3A_132 = tpu.memref_slice %arg7[%add3A_14, %dma_start3A_131] : memref<10240x32xf32, #tpu.memory_space<vmem_shared>> -> memref<128x32xf32, #tpu.memory_space<vmem_shared>>
      %dma_start3A_133 = arith.constant 0 : i32
      %dma_start3A_134 = tpu.memref_slice %arg7[%add3A_14, %dma_start3A_133] : memref<10240x32xf32, #tpu.memory_space<vmem_shared>> -> memref<128x32xf32, #tpu.memory_space<vmem_shared>>
      tpu.enqueue_dma source(%arg8 : memref<128x32xf32, #tpu.memory_space<vmem>>) target(%dma_start3A_134 : memref<128x32xf32, #tpu.memory_space<vmem_shared>>) target_semaphore(%run_scoped3A_130 : memref<!tpu.dma_semaphore, #tpu.memory_space<semaphore_mem>>)
      %dma_wait3A_135 = arith.constant 0 : i32
      %dma_wait3A_136 = tpu.memref_slice %arg7[%add3A_14, %dma_wait3A_135] : memref<10240x32xf32, #tpu.memory_space<vmem_shared>> -> memref<128x32xf32, #tpu.memory_space<vmem_shared>>
      %dma_wait3A_137 = arith.constant 0 : i32
      %dma_wait3A_138 = tpu.memref_slice %arg7[%add3A_14, %dma_wait3A_137] : memref<10240x32xf32, #tpu.memory_space<vmem_shared>> -> memref<128x32xf32, #tpu.memory_space<vmem_shared>>
      tpu.wait_dma2 semaphore(%run_scoped3A_130 : memref<!tpu.dma_semaphore, #tpu.memory_space<semaphore_mem>>) src(%arg8 : memref<128x32xf32, #tpu.memory_space<vmem>>) dst(%dma_wait3A_138 : memref<128x32xf32, #tpu.memory_space<vmem_shared>>)
      tpu.yield
    }) : () -> ()
    %mul3A_15 = arith.constant 640 : i32
    %mul3A_16 = arith.muli %arg1, %mul3A_15 : i32
    %add3A_17 = arith.constant 256 : i32
    %add3A_18 = arith.addi %mul3A_16, %add3A_17 : i32
    "tpu.region"() ({
      %run_scoped3A_130 = tpu.sem_alloc : memref<!tpu.dma_semaphore, #tpu.memory_space<semaphore_mem>>
      %dma_start3A_131 = arith.constant 0 : i32
      %dma_start3A_132 = tpu.memref_slice %arg7[%add3A_18, %dma_start3A_131] : memref<10240x32xf32, #tpu.memory_space<vmem_shared>> -> memref<128x32xf32, #tpu.memory_space<vmem_shared>>
      %dma_start3A_133 = arith.constant 0 : i32
      %dma_start3A_134 = tpu.memref_slice %arg7[%add3A_18, %dma_start3A_133] : memref<10240x32xf32, #tpu.memory_space<vmem_shared>> -> memref<128x32xf32, #tpu.memory_space<vmem_shared>>
      tpu.enqueue_dma source(%arg8 : memref<128x32xf32, #tpu.memory_space<vmem>>) target(%dma_start3A_134 : memref<128x32xf32, #tpu.memory_space<vmem_shared>>) target_semaphore(%run_scoped3A_130 : memref<!tpu.dma_semaphore, #tpu.memory_space<semaphore_mem>>)
      %dma_wait3A_135 = arith.constant 0 : i32
      %dma_wait3A_136 = tpu.memref_slice %arg7[%add3A_18, %dma_wait3A_135] : memref<10240x32xf32, #tpu.memory_space<vmem_shared>> -> memref<128x32xf32, #tpu.memory_space<vmem_shared>>
      %dma_wait3A_137 = arith.constant 0 : i32
      %dma_wait3A_138 = tpu.memref_slice %arg7[%add3A_18, %dma_wait3A_137] : memref<10240x32xf32, #tpu.memory_space<vmem_shared>> -> memref<128x32xf32, #tpu.memory_space<vmem_shared>>
      tpu.wait_dma2 semaphore(%run_scoped3A_130 : memref<!tpu.dma_semaphore, #tpu.memory_space<semaphore_mem>>) src(%arg8 : memref<128x32xf32, #tpu.memory_space<vmem>>) dst(%dma_wait3A_138 : memref<128x32xf32, #tpu.memory_space<vmem_shared>>)
      tpu.yield
    }) : () -> ()
    %mul3A_19 = arith.constant 640 : i32
    %mul3A_20 = arith.muli %arg1, %mul3A_19 : i32
    %add3A_21 = arith.constant 384 : i32
    %add3A_22 = arith.addi %mul3A_20, %add3A_21 : i32
    "tpu.region"() ({
      %run_scoped3A_130 = tpu.sem_alloc : memref<!tpu.dma_semaphore, #tpu.memory_space<semaphore_mem>>
      %dma_start3A_131 = arith.constant 0 : i32
      %dma_start3A_132 = tpu.memref_slice %arg7[%add3A_22, %dma_start3A_131] : memref<10240x32xf32, #tpu.memory_space<vmem_shared>> -> memref<128x32xf32, #tpu.memory_space<vmem_shared>>
      %dma_start3A_133 = arith.constant 0 : i32
      %dma_start3A_134 = tpu.memref_slice %arg7[%add3A_22, %dma_start3A_133] : memref<10240x32xf32, #tpu.memory_space<vmem_shared>> -> memref<128x32xf32, #tpu.memory_space<vmem_shared>>
      tpu.enqueue_dma source(%arg8 : memref<128x32xf32, #tpu.memory_space<vmem>>) target(%dma_start3A_134 : memref<128x32xf32, #tpu.memory_space<vmem_shared>>) target_semaphore(%run_scoped3A_130 : memref<!tpu.dma_semaphore, #tpu.memory_space<semaphore_mem>>)
      %dma_wait3A_135 = arith.constant 0 : i32
      %dma_wait3A_136 = tpu.memref_slice %arg7[%add3A_22, %dma_wait3A_135] : memref<10240x32xf32, #tpu.memory_space<vmem_shared>> -> memref<128x32xf32, #tpu.memory_space<vmem_shared>>
      %dma_wait3A_137 = arith.constant 0 : i32
      %dma_wait3A_138 = tpu.memref_slice %arg7[%add3A_22, %dma_wait3A_137] : memref<10240x32xf32, #tpu.memory_space<vmem_shared>> -> memref<128x32xf32, #tpu.memory_space<vmem_shared>>
      tpu.wait_dma2 semaphore(%run_scoped3A_130 : memref<!tpu.dma_semaphore, #tpu.memory_space<semaphore_mem>>) src(%arg8 : memref<128x32xf32, #tpu.memory_space<vmem>>) dst(%dma_wait3A_138 : memref<128x32xf32, #tpu.memory_space<vmem_shared>>)
      tpu.yield
    }) : () -> ()
    %mul3A_23 = arith.constant 640 : i32
    %mul3A_24 = arith.muli %arg1, %mul3A_23 : i32
    %add3A_25 = arith.constant 512 : i32
    %add3A_26 = arith.addi %mul3A_24, %add3A_25 : i32
    "tpu.region"() ({
      %run_scoped3A_130 = tpu.sem_alloc : memref<!tpu.dma_semaphore, #tpu.memory_space<semaphore_mem>>
      %dma_start3A_131 = arith.constant 0 : i32
      %dma_start3A_132 = tpu.memref_slice %arg7[%add3A_26, %dma_start3A_131] : memref<10240x32xf32, #tpu.memory_space<vmem_shared>> -> memref<128x32xf32, #tpu.memory_space<vmem_shared>>
      %dma_start3A_133 = arith.constant 0 : i32
      %dma_start3A_134 = tpu.memref_slice %arg7[%add3A_26, %dma_start3A_133] : memref<10240x32xf32, #tpu.memory_space<vmem_shared>> -> memref<128x32xf32, #tpu.memory_space<vmem_shared>>
      tpu.enqueue_dma source(%arg8 : memref<128x32xf32, #tpu.memory_space<vmem>>) target(%dma_start3A_134 : memref<128x32xf32, #tpu.memory_space<vmem_shared>>) target_semaphore(%run_scoped3A_130 : memref<!tpu.dma_semaphore, #tpu.memory_space<semaphore_mem>>)
      %dma_wait3A_135 = arith.constant 0 : i32
      %dma_wait3A_136 = tpu.memref_slice %arg7[%add3A_26, %dma_wait3A_135] : memref<10240x32xf32, #tpu.memory_space<vmem_shared>> -> memref<128x32xf32, #tpu.memory_space<vmem_shared>>
      %dma_wait3A_137 = arith.constant 0 : i32
      %dma_wait3A_138 = tpu.memref_slice %arg7[%add3A_26, %dma_wait3A_137] : memref<10240x32xf32, #tpu.memory_space<vmem_shared>> -> memref<128x32xf32, #tpu.memory_space<vmem_shared>>
      tpu.wait_dma2 semaphore(%run_scoped3A_130 : memref<!tpu.dma_semaphore, #tpu.memory_space<semaphore_mem>>) src(%arg8 : memref<128x32xf32, #tpu.memory_space<vmem>>) dst(%dma_wait3A_138 : memref<128x32xf32, #tpu.memory_space<vmem_shared>>)
      tpu.yield
    }) : () -> ()
    %broadcast_in_dim3A_27 = arith.constant 0.000000e+00 : f32
    %broadcast_in_dim3A_28 = vector.broadcast %broadcast_in_dim3A_27 : f32 to vector<16xf32>
    %scan3A_29 = arith.constant 0 : i32
    %scan3A_30 = arith.constant 0 : i32
    %scan3A_31 = arith.constant 128 : i32
    %scan3A_32 = arith.addi %scan3A_30, %scan3A_31 : i32
    %scan3A_33 = arith.constant 1 : i32
    scf.for %scan3A_130 = %scan3A_30 to %scan3A_32 step %scan3A_33  : i32 {
      %swap3A = arith.index_cast %scan3A_130 : i32 to index
      %swap3A_131 = arith.constant 0 : index
      %swap3A_132 = tpu.vector_load %arg15[%swap3A, %swap3A_131] {strides = array<i32>} : memref<128x16xf32, #tpu.memory_space<vmem>>, vector<1x16xf32>,
      %swap3A_133 = vector.shape_cast %swap3A_132 : vector<1x16xf32> to vector<16xf32>
      %swap3A_134 = vector.shape_cast %broadcast_in_dim3A_28 : vector<16xf32> to vector<1x16xf32>
      tpu.vector_store %arg15[%swap3A, %swap3A_131], %swap3A_134 {strides = array<i32>} : memref<128x16xf32, #tpu.memory_space<vmem>>, vector<1x16xf32>,
    }
    %scan3A_34 = arith.constant 128 : i32
    %mul3A_35 = arith.constant 640 : i32
    %mul3A_36 = arith.muli %arg1, %mul3A_35 : i32
    %add3A_37 = arith.constant 0 : i32
    %add3A_38 = arith.addi %mul3A_36, %add3A_37 : i32
    "tpu.region"() ({
      %run_scoped3A_130 = tpu.sem_alloc : memref<!tpu.dma_semaphore, #tpu.memory_space<semaphore_mem>>
      %dma_start3A_131 = arith.constant 0 : i32
      %dma_start3A_132 = tpu.memref_slice %arg14[%add3A_38, %dma_start3A_131] : memref<10240x16xf32, #tpu.memory_space<vmem_shared>> -> memref<128x16xf32, #tpu.memory_space<vmem_shared>>
      %dma_start3A_133 = arith.constant 0 : i32
      %dma_start3A_134 = tpu.memref_slice %arg14[%add3A_38, %dma_start3A_133] : memref<10240x16xf32, #tpu.memory_space<vmem_shared>> -> memref<128x16xf32, #tpu.memory_space<vmem_shared>>
      tpu.enqueue_dma source(%arg15 : memref<128x16xf32, #tpu.memory_space<vmem>>) target(%dma_start3A_134 : memref<128x16xf32, #tpu.memory_space<vmem_shared>>) target_semaphore(%run_scoped3A_130 : memref<!tpu.dma_semaphore, #tpu.memory_space<semaphore_mem>>)
      %dma_wait3A_135 = arith.constant 0 : i32
      %dma_wait3A_136 = tpu.memref_slice %arg14[%add3A_38, %dma_wait3A_135] : memref<10240x16xf32, #tpu.memory_space<vmem_shared>> -> memref<128x16xf32, #tpu.memory_space<vmem_shared>>
      %dma_wait3A_137 = arith.constant 0 : i32
      %dma_wait3A_138 = tpu.memref_slice %arg14[%add3A_38, %dma_wait3A_137] : memref<10240x16xf32, #tpu.memory_space<vmem_shared>> -> memref<128x16xf32, #tpu.memory_space<vmem_shared>>
      tpu.wait_dma2 semaphore(%run_scoped3A_130 : memref<!tpu.dma_semaphore, #tpu.memory_space<semaphore_mem>>) src(%arg15 : memref<128x16xf32, #tpu.memory_space<vmem>>) dst(%dma_wait3A_138 : memref<128x16xf32, #tpu.memory_space<vmem_shared>>)
      tpu.yield
    }) : () -> ()
    %mul3A_39 = arith.constant 640 : i32
    %mul3A_40 = arith.muli %arg1, %mul3A_39 : i32
    %add3A_41 = arith.constant 128 : i32
    %add3A_42 = arith.addi %mul3A_40, %add3A_41 : i32
    "tpu.region"() ({
      %run_scoped3A_130 = tpu.sem_alloc : memref<!tpu.dma_semaphore, #tpu.memory_space<semaphore_mem>>
      %dma_start3A_131 = arith.constant 0 : i32
      %dma_start3A_132 = tpu.memref_slice %arg14[%add3A_42, %dma_start3A_131] : memref<10240x16xf32, #tpu.memory_space<vmem_shared>> -> memref<128x16xf32, #tpu.memory_space<vmem_shared>>
      %dma_start3A_133 = arith.constant 0 : i32
      %dma_start3A_134 = tpu.memref_slice %arg14[%add3A_42, %dma_start3A_133] : memref<10240x16xf32, #tpu.memory_space<vmem_shared>> -> memref<128x16xf32, #tpu.memory_space<vmem_shared>>
      tpu.enqueue_dma source(%arg15 : memref<128x16xf32, #tpu.memory_space<vmem>>) target(%dma_start3A_134 : memref<128x16xf32, #tpu.memory_space<vmem_shared>>) target_semaphore(%run_scoped3A_130 : memref<!tpu.dma_semaphore, #tpu.memory_space<semaphore_mem>>)
      %dma_wait3A_135 = arith.constant 0 : i32
      %dma_wait3A_136 = tpu.memref_slice %arg14[%add3A_42, %dma_wait3A_135] : memref<10240x16xf32, #tpu.memory_space<vmem_shared>> -> memref<128x16xf32, #tpu.memory_space<vmem_shared>>
      %dma_wait3A_137 = arith.constant 0 : i32
      %dma_wait3A_138 = tpu.memref_slice %arg14[%add3A_42, %dma_wait3A_137] : memref<10240x16xf32, #tpu.memory_space<vmem_shared>> -> memref<128x16xf32, #tpu.memory_space<vmem_shared>>
      tpu.wait_dma2 semaphore(%run_scoped3A_130 : memref<!tpu.dma_semaphore, #tpu.memory_space<semaphore_mem>>) src(%arg15 : memref<128x16xf32, #tpu.memory_space<vmem>>) dst(%dma_wait3A_138 : memref<128x16xf32, #tpu.memory_space<vmem_shared>>)
      tpu.yield
    }) : () -> ()
    %mul3A_43 = arith.constant 640 : i32
    %mul3A_44 = arith.muli %arg1, %mul3A_43 : i32
    %add3A_45 = arith.constant 256 : i32
    %add3A_46 = arith.addi %mul3A_44, %add3A_45 : i32
    "tpu.region"() ({
      %run_scoped3A_130 = tpu.sem_alloc : memref<!tpu.dma_semaphore, #tpu.memory_space<semaphore_mem>>
      %dma_start3A_131 = arith.constant 0 : i32
      %dma_start3A_132 = tpu.memref_slice %arg14[%add3A_46, %dma_start3A_131] : memref<10240x16xf32, #tpu.memory_space<vmem_shared>> -> memref<128x16xf32, #tpu.memory_space<vmem_shared>>
      %dma_start3A_133 = arith.constant 0 : i32
      %dma_start3A_134 = tpu.memref_slice %arg14[%add3A_46, %dma_start3A_133] : memref<10240x16xf32, #tpu.memory_space<vmem_shared>> -> memref<128x16xf32, #tpu.memory_space<vmem_shared>>
      tpu.enqueue_dma source(%arg15 : memref<128x16xf32, #tpu.memory_space<vmem>>) target(%dma_start3A_134 : memref<128x16xf32, #tpu.memory_space<vmem_shared>>) target_semaphore(%run_scoped3A_130 : memref<!tpu.dma_semaphore, #tpu.memory_space<semaphore_mem>>)
      %dma_wait3A_135 = arith.constant 0 : i32
      %dma_wait3A_136 = tpu.memref_slice %arg14[%add3A_46, %dma_wait3A_135] : memref<10240x16xf32, #tpu.memory_space<vmem_shared>> -> memref<128x16xf32, #tpu.memory_space<vmem_shared>>
      %dma_wait3A_137 = arith.constant 0 : i32
      %dma_wait3A_138 = tpu.memref_slice %arg14[%add3A_46, %dma_wait3A_137] : memref<10240x16xf32, #tpu.memory_space<vmem_shared>> -> memref<128x16xf32, #tpu.memory_space<vmem_shared>>
      tpu.wait_dma2 semaphore(%run_scoped3A_130 : memref<!tpu.dma_semaphore, #tpu.memory_space<semaphore_mem>>) src(%arg15 : memref<128x16xf32, #tpu.memory_space<vmem>>) dst(%dma_wait3A_138 : memref<128x16xf32, #tpu.memory_space<vmem_shared>>)
      tpu.yield
    }) : () -> ()
    %mul3A_47 = arith.constant 640 : i32
    %mul3A_48 = arith.muli %arg1, %mul3A_47 : i32
    %add3A_49 = arith.constant 384 : i32
    %add3A_50 = arith.addi %mul3A_48, %add3A_49 : i32
    "tpu.region"() ({
      %run_scoped3A_130 = tpu.sem_alloc : memref<!tpu.dma_semaphore, #tpu.memory_space<semaphore_mem>>
      %dma_start3A_131 = arith.constant 0 : i32
      %dma_start3A_132 = tpu.memref_slice %arg14[%add3A_50, %dma_start3A_131] : memref<10240x16xf32, #tpu.memory_space<vmem_shared>> -> memref<128x16xf32, #tpu.memory_space<vmem_shared>>
      %dma_start3A_133 = arith.constant 0 : i32
      %dma_start3A_134 = tpu.memref_slice %arg14[%add3A_50, %dma_start3A_133] : memref<10240x16xf32, #tpu.memory_space<vmem_shared>> -> memref<128x16xf32, #tpu.memory_space<vmem_shared>>
      tpu.enqueue_dma source(%arg15 : memref<128x16xf32, #tpu.memory_space<vmem>>) target(%dma_start3A_134 : memref<128x16xf32, #tpu.memory_space<vmem_shared>>) target_semaphore(%run_scoped3A_130 : memref<!tpu.dma_semaphore, #tpu.memory_space<semaphore_mem>>)
      %dma_wait3A_135 = arith.constant 0 : i32
      %dma_wait3A_136 = tpu.memref_slice %arg14[%add3A_50, %dma_wait3A_135] : memref<10240x16xf32, #tpu.memory_space<vmem_shared>> -> memref<128x16xf32, #tpu.memory_space<vmem_shared>>
      %dma_wait3A_137 = arith.constant 0 : i32
      %dma_wait3A_138 = tpu.memref_slice %arg14[%add3A_50, %dma_wait3A_137] : memref<10240x16xf32, #tpu.memory_space<vmem_shared>> -> memref<128x16xf32, #tpu.memory_space<vmem_shared>>
      tpu.wait_dma2 semaphore(%run_scoped3A_130 : memref<!tpu.dma_semaphore, #tpu.memory_space<semaphore_mem>>) src(%arg15 : memref<128x16xf32, #tpu.memory_space<vmem>>) dst(%dma_wait3A_138 : memref<128x16xf32, #tpu.memory_space<vmem_shared>>)
      tpu.yield
    }) : () -> ()
    %mul3A_51 = arith.constant 640 : i32
    %mul3A_52 = arith.muli %arg1, %mul3A_51 : i32
    %add3A_53 = arith.constant 512 : i32
    %add3A_54 = arith.addi %mul3A_52, %add3A_53 : i32
    "tpu.region"() ({
      %run_scoped3A_130 = tpu.sem_alloc : memref<!tpu.dma_semaphore, #tpu.memory_space<semaphore_mem>>
      %dma_start3A_131 = arith.constant 0 : i32
      %dma_start3A_132 = tpu.memref_slice %arg14[%add3A_54, %dma_start3A_131] : memref<10240x16xf32, #tpu.memory_space<vmem_shared>> -> memref<128x16xf32, #tpu.memory_space<vmem_shared>>
      %dma_start3A_133 = arith.constant 0 : i32
      %dma_start3A_134 = tpu.memref_slice %arg14[%add3A_54, %dma_start3A_133] : memref<10240x16xf32, #tpu.memory_space<vmem_shared>> -> memref<128x16xf32, #tpu.memory_space<vmem_shared>>
      tpu.enqueue_dma source(%arg15 : memref<128x16xf32, #tpu.memory_space<vmem>>) target(%dma_start3A_134 : memref<128x16xf32, #tpu.memory_space<vmem_shared>>) target_semaphore(%run_scoped3A_130 : memref<!tpu.dma_semaphore, #tpu.memory_space<semaphore_mem>>)
      %dma_wait3A_135 = arith.constant 0 : i32
      %dma_wait3A_136 = tpu.memref_slice %arg14[%add3A_54, %dma_wait3A_135] : memref<10240x16xf32, #tpu.memory_space<vmem_shared>> -> memref<128x16xf32, #tpu.memory_space<vmem_shared>>
      %dma_wait3A_137 = arith.constant 0 : i32
      %dma_wait3A_138 = tpu.memref_slice %arg14[%add3A_54, %dma_wait3A_137] : memref<10240x16xf32, #tpu.memory_space<vmem_shared>> -> memref<128x16xf32, #tpu.memory_space<vmem_shared>>
      tpu.wait_dma2 semaphore(%run_scoped3A_130 : memref<!tpu.dma_semaphore, #tpu.memory_space<semaphore_mem>>) src(%arg15 : memref<128x16xf32, #tpu.memory_space<vmem>>) dst(%dma_wait3A_138 : memref<128x16xf32, #tpu.memory_space<vmem_shared>>)
      tpu.yield
    }) : () -> ()
    %broadcast_in_dim3A_55 = arith.constant 1.000000e+00 : f32
    %broadcast_in_dim3A_56 = vector.broadcast %broadcast_in_dim3A_55 : f32 to vector<16xf32>
    %scan3A_57 = arith.constant 0 : i32
    %scan3A_58 = arith.constant 0 : i32
    %scan3A_59 = arith.constant 128 : i32
    %scan3A_60 = arith.addi %scan3A_58, %scan3A_59 : i32
    %scan3A_61 = arith.constant 1 : i32
    scf.for %scan3A_130 = %scan3A_58 to %scan3A_60 step %scan3A_61  : i32 {
      %swap3A = arith.index_cast %scan3A_130 : i32 to index
      %swap3A_131 = arith.constant 0 : index
      %swap3A_132 = tpu.vector_load %arg15[%swap3A, %swap3A_131] {strides = array<i32>} : memref<128x16xf32, #tpu.memory_space<vmem>>, vector<1x16xf32>,
      %swap3A_133 = vector.shape_cast %swap3A_132 : vector<1x16xf32> to vector<16xf32>
      %swap3A_134 = vector.shape_cast %broadcast_in_dim3A_56 : vector<16xf32> to vector<1x16xf32>
      tpu.vector_store %arg15[%swap3A, %swap3A_131], %swap3A_134 {strides = array<i32>} : memref<128x16xf32, #tpu.memory_space<vmem>>, vector<1x16xf32>,
    }
    %scan3A_62 = arith.constant 128 : i32
    "tpu.region"() ({
      %run_scoped3A_130 = tpu.sem_alloc : memref<!tpu.dma_semaphore, #tpu.memory_space<semaphore_mem>>
      %dma_start3A_131 = arith.constant 0 : i32
      %dma_start3A_132 = arith.constant 0 : i32
      %dma_start3A_133 = tpu.memref_slice %arg3[%add3A, %dma_start3A_131, %dma_start3A_132] : memref<32x80x128xi32, #tpu.memory_space<hbm>> -> memref<1x80x128xi32, #tpu.memory_space<hbm>>
      %dma_start3A_134 = tpu.memref_squeeze %dma_start3A_133 : memref<1x80x128xi32, #tpu.memory_space<hbm>> -> memref<80x128xi32, #tpu.memory_space<hbm>>
      %dma_start3A_135 = arith.constant 0 : i32
      %dma_start3A_136 = arith.constant 0 : i32
      %dma_start3A_137 = tpu.memref_slice %arg3[%add3A, %dma_start3A_135, %dma_start3A_136] : memref<32x80x128xi32, #tpu.memory_space<hbm>> -> memref<1x80x128xi32, #tpu.memory_space<hbm>>
      %dma_start3A_138 = tpu.memref_squeeze %dma_start3A_137 : memref<1x80x128xi32, #tpu.memory_space<hbm>> -> memref<80x128xi32, #tpu.memory_space<hbm>>
      tpu.enqueue_dma source(%dma_start3A_138 : memref<80x128xi32, #tpu.memory_space<hbm>>) target(%arg10 : memref<80x128xi32, #tpu.memory_space<vmem>>) target_semaphore(%run_scoped3A_130 : memref<!tpu.dma_semaphore, #tpu.memory_space<semaphore_mem>>)
      %dma_wait3A_139 = arith.constant 0 : i32
      %dma_wait3A_140 = arith.constant 0 : i32
      %dma_wait3A_141 = tpu.memref_slice %arg3[%add3A, %dma_wait3A_139, %dma_wait3A_140] : memref<32x80x128xi32, #tpu.memory_space<hbm>> -> memref<1x80x128xi32, #tpu.memory_space<hbm>>
      %dma_wait3A_142 = tpu.memref_squeeze %dma_wait3A_141 : memref<1x80x128xi32, #tpu.memory_space<hbm>> -> memref<80x128xi32, #tpu.memory_space<hbm>>
      %dma_wait3A_143 = arith.constant 0 : i32
      %dma_wait3A_144 = arith.constant 0 : i32
      %dma_wait3A_145 = tpu.memref_slice %arg3[%add3A, %dma_wait3A_143, %dma_wait3A_144] : memref<32x80x128xi32, #tpu.memory_space<hbm>> -> memref<1x80x128xi32, #tpu.memory_space<hbm>>
      %dma_wait3A_146 = tpu.memref_squeeze %dma_wait3A_145 : memref<1x80x128xi32, #tpu.memory_space<hbm>> -> memref<80x128xi32, #tpu.memory_space<hbm>>
      tpu.wait_dma2 semaphore(%run_scoped3A_130 : memref<!tpu.dma_semaphore, #tpu.memory_space<semaphore_mem>>) src(%dma_wait3A_146 : memref<80x128xi32, #tpu.memory_space<hbm>>) dst(%arg10 : memref<80x128xi32, #tpu.memory_space<vmem>>)
      tpu.yield
    }) : () -> ()
    "tpu.region"() ({
      %run_scoped3A_130 = tpu.sem_alloc : memref<!tpu.dma_semaphore, #tpu.memory_space<semaphore_mem>>
      %dma_start3A_131 = arith.constant 0 : i32
      %dma_start3A_132 = arith.constant 0 : i32
      %dma_start3A_133 = tpu.memref_slice %arg4[%add3A, %dma_start3A_131, %dma_start3A_132] : memref<32x80x128xi32, #tpu.memory_space<hbm>> -> memref<1x80x128xi32, #tpu.memory_space<hbm>>
      %dma_start3A_134 = tpu.memref_squeeze %dma_start3A_133 : memref<1x80x128xi32, #tpu.memory_space<hbm>> -> memref<80x128xi32, #tpu.memory_space<hbm>>
      %dma_start3A_135 = arith.constant 0 : i32
      %dma_start3A_136 = arith.constant 0 : i32
      %dma_start3A_137 = tpu.memref_slice %arg4[%add3A, %dma_start3A_135, %dma_start3A_136] : memref<32x80x128xi32, #tpu.memory_space<hbm>> -> memref<1x80x128xi32, #tpu.memory_space<hbm>>
      %dma_start3A_138 = tpu.memref_squeeze %dma_start3A_137 : memref<1x80x128xi32, #tpu.memory_space<hbm>> -> memref<80x128xi32, #tpu.memory_space<hbm>>
      tpu.enqueue_dma source(%dma_start3A_138 : memref<80x128xi32, #tpu.memory_space<hbm>>) target(%arg11 : memref<80x128xi32, #tpu.memory_space<vmem>>) target_semaphore(%run_scoped3A_130 : memref<!tpu.dma_semaphore, #tpu.memory_space<semaphore_mem>>)
      %dma_wait3A_139 = arith.constant 0 : i32
      %dma_wait3A_140 = arith.constant 0 : i32
      %dma_wait3A_141 = tpu.memref_slice %arg4[%add3A, %dma_wait3A_139, %dma_wait3A_140] : memref<32x80x128xi32, #tpu.memory_space<hbm>> -> memref<1x80x128xi32, #tpu.memory_space<hbm>>
      %dma_wait3A_142 = tpu.memref_squeeze %dma_wait3A_141 : memref<1x80x128xi32, #tpu.memory_space<hbm>> -> memref<80x128xi32, #tpu.memory_space<hbm>>
      %dma_wait3A_143 = arith.constant 0 : i32
      %dma_wait3A_144 = arith.constant 0 : i32
      %dma_wait3A_145 = tpu.memref_slice %arg4[%add3A, %dma_wait3A_143, %dma_wait3A_144] : memref<32x80x128xi32, #tpu.memory_space<hbm>> -> memref<1x80x128xi32, #tpu.memory_space<hbm>>
      %dma_wait3A_146 = tpu.memref_squeeze %dma_wait3A_145 : memref<1x80x128xi32, #tpu.memory_space<hbm>> -> memref<80x128xi32, #tpu.memory_space<hbm>>
      tpu.wait_dma2 semaphore(%run_scoped3A_130 : memref<!tpu.dma_semaphore, #tpu.memory_space<semaphore_mem>>) src(%dma_wait3A_146 : memref<80x128xi32, #tpu.memory_space<hbm>>) dst(%arg11 : memref<80x128xi32, #tpu.memory_space<vmem>>)
      tpu.yield
    }) : () -> ()
    %barrier3A = arith.constant 0 : index
    tpu.barrier barrier_id(%barrier3A)
    %dma_start3A = arith.constant 0 : i32
    %dma_start3A_63 = arith.constant 0 : i32
    %dma_start3A_64 = tpu.memref_slice %arg10[%dma_start3A, %dma_start3A_63] : memref<80x128xi32, #tpu.memory_space<vmem>> -> memref<1x128xi32, #tpu.memory_space<vmem>>
    %dma_start3A_65 = tpu.memref_squeeze %dma_start3A_64 : memref<1x128xi32, #tpu.memory_space<vmem>> -> memref<128xi32, #tpu.memory_space<vmem>>
    %dma_start3A_66 = arith.constant 0 : i32
    %dma_start3A_67 = arith.constant 0 : i32
    %dma_start3A_68 = tpu.memref_slice %arg2[%dma_start3A_66, %dma_start3A_67] : memref<10000x32xf32, #tpu.memory_space<hbm>> -> memref<10000x32xf32, #tpu.memory_space<hbm>>
    tpu.enqueue_indirect_dma source(%dma_start3A_68 : memref<10000x32xf32, #tpu.memory_space<hbm>>) target(%arg8 : memref<128x32xf32, #tpu.memory_space<vmem>>) offsets(%dma_start3A_65 : memref<128xi32, #tpu.memory_space<vmem>>) semaphore(%arg12 : memref<!tpu.dma_semaphore, #tpu.memory_space<semaphore_mem>>)
    %scan3A_69 = arith.constant 0 : i32
    %scan3A_70 = arith.constant 39 : i32
    %scan3A_71 = arith.addi %scan3A_69, %scan3A_70 : i32
    %scan3A_72 = arith.constant 1 : i32
    scf.for %scan3A_130 = %scan3A_69 to %scan3A_71 step %scan3A_72  : i32 {
      %mul3A_131 = arith.constant 2 : i32
      %mul3A_132 = arith.muli %scan3A_130, %mul3A_131 : i32
      %add3A_133 = arith.constant 0 : i32
      %add3A_134 = arith.addi %add3A_133, %mul3A_132 : i32
      %add3A_135 = arith.constant 1 : i32
      %add3A_136 = arith.addi %add3A_134, %add3A_135 : i32
      %dma_start3A_137 = arith.constant 0 : i32
      %dma_start3A_138 = tpu.memref_slice %arg10[%add3A_136, %dma_start3A_137] : memref<80x128xi32, #tpu.memory_space<vmem>> -> memref<1x128xi32, #tpu.memory_space<vmem>>
      %dma_start3A_139 = tpu.memref_squeeze %dma_start3A_138 : memref<1x128xi32, #tpu.memory_space<vmem>> -> memref<128xi32, #tpu.memory_space<vmem>>
      %dma_start3A_140 = arith.constant 0 : i32
      %dma_start3A_141 = arith.constant 0 : i32
      %dma_start3A_142 = tpu.memref_slice %arg2[%dma_start3A_140, %dma_start3A_141] : memref<10000x32xf32, #tpu.memory_space<hbm>> -> memref<10000x32xf32, #tpu.memory_space<hbm>>
      tpu.enqueue_indirect_dma source(%dma_start3A_142 : memref<10000x32xf32, #tpu.memory_space<hbm>>) target(%arg9 : memref<128x32xf32, #tpu.memory_space<vmem>>) offsets(%dma_start3A_139 : memref<128xi32, #tpu.memory_space<vmem>>) semaphore(%arg13 : memref<!tpu.dma_semaphore, #tpu.memory_space<semaphore_mem>>)
      %dma_wait3A_143 = arith.constant 0 : i32
      %dma_wait3A_144 = tpu.memref_slice %arg10[%add3A_134, %dma_wait3A_143] : memref<80x128xi32, #tpu.memory_space<vmem>> -> memref<1x128xi32, #tpu.memory_space<vmem>>
      %dma_wait3A_145 = tpu.memref_squeeze %dma_wait3A_144 : memref<1x128xi32, #tpu.memory_space<vmem>> -> memref<128xi32, #tpu.memory_space<vmem>>
      %dma_wait3A_146 = arith.constant 0 : i32
      %dma_wait3A_147 = arith.constant 0 : i32
      %dma_wait3A_148 = tpu.memref_slice %arg2[%dma_wait3A_146, %dma_wait3A_147] : memref<10000x32xf32, #tpu.memory_space<hbm>> -> memref<10000x32xf32, #tpu.memory_space<hbm>>
      tpu.wait_indirect_dma semaphore(%arg12 : memref<!tpu.dma_semaphore, #tpu.memory_space<semaphore_mem>>) src(%dma_wait3A_148 : memref<10000x32xf32, #tpu.memory_space<hbm>>) dst(%arg8 : memref<128x32xf32, #tpu.memory_space<vmem>>)
      "tpu.region"() ({
        %run_scoped3A_177 = tpu.sem_alloc : memref<!tpu.dma_semaphore, #tpu.memory_space<semaphore_mem>>
        %dma_start3A_178 = arith.constant 0 : i32
        %dma_start3A_179 = tpu.memref_slice %arg11[%add3A_134, %dma_start3A_178] : memref<80x128xi32, #tpu.memory_space<vmem>> -> memref<1x128xi32, #tpu.memory_space<vmem>>
        %dma_start3A_180 = tpu.memref_squeeze %dma_start3A_179 : memref<1x128xi32, #tpu.memory_space<vmem>> -> memref<128xi32, #tpu.memory_space<vmem>>
        %dma_start3A_181 = arith.constant 0 : i32
        %dma_start3A_182 = arith.constant 0 : i32
        %dma_start3A_183 = tpu.memref_slice %arg7[%dma_start3A_181, %dma_start3A_182] : memref<10240x32xf32, #tpu.memory_space<vmem_shared>> -> memref<10240x32xf32, #tpu.memory_space<vmem_shared>>
        tpu.enqueue_indirect_dma source(%arg8 : memref<128x32xf32, #tpu.memory_space<vmem>>) target(%dma_start3A_183 : memref<10240x32xf32, #tpu.memory_space<vmem_shared>>) offsets(%dma_start3A_180 : memref<128xi32, #tpu.memory_space<vmem>>) semaphore(%run_scoped3A_177 : memref<!tpu.dma_semaphore, #tpu.memory_space<semaphore_mem>>) {add = true}
        %dma_wait3A_184 = arith.constant 0 : i32
        %dma_wait3A_185 = tpu.memref_slice %arg11[%add3A_134, %dma_wait3A_184] : memref<80x128xi32, #tpu.memory_space<vmem>> -> memref<1x128xi32, #tpu.memory_space<vmem>>
        %dma_wait3A_186 = tpu.memref_squeeze %dma_wait3A_185 : memref<1x128xi32, #tpu.memory_space<vmem>> -> memref<128xi32, #tpu.memory_space<vmem>>
        %dma_wait3A_187 = arith.constant 0 : i32
        %dma_wait3A_188 = arith.constant 0 : i32
        %dma_wait3A_189 = tpu.memref_slice %arg7[%dma_wait3A_187, %dma_wait3A_188] : memref<10240x32xf32, #tpu.memory_space<vmem_shared>> -> memref<10240x32xf32, #tpu.memory_space<vmem_shared>>
        tpu.wait_indirect_dma semaphore(%run_scoped3A_177 : memref<!tpu.dma_semaphore, #tpu.memory_space<semaphore_mem>>) src(%arg8 : memref<128x32xf32, #tpu.memory_space<vmem>>) dst(%dma_wait3A_189 : memref<10240x32xf32, #tpu.memory_space<vmem_shared>>)
        tpu.yield
      }) : () -> ()
      %dma_start3A_149 = arith.constant 0 : i32
      %dma_start3A_150 = tpu.memref_slice %arg11[%add3A_134, %dma_start3A_149] : memref<80x128xi32, #tpu.memory_space<vmem>> -> memref<1x128xi32, #tpu.memory_space<vmem>>
      %dma_start3A_151 = tpu.memref_squeeze %dma_start3A_150 : memref<1x128xi32, #tpu.memory_space<vmem>> -> memref<128xi32, #tpu.memory_space<vmem>>
      %dma_start3A_152 = arith.constant 0 : i32
      %dma_start3A_153 = arith.constant 0 : i32
      %dma_start3A_154 = tpu.memref_slice %arg14[%dma_start3A_152, %dma_start3A_153] : memref<10240x16xf32, #tpu.memory_space<vmem_shared>> -> memref<10240x16xf32, #tpu.memory_space<vmem_shared>>
      tpu.enqueue_indirect_dma source(%arg15 : memref<128x16xf32, #tpu.memory_space<vmem>>) target(%dma_start3A_154 : memref<10240x16xf32, #tpu.memory_space<vmem_shared>>) offsets(%dma_start3A_151 : memref<128xi32, #tpu.memory_space<vmem>>) semaphore(%arg16 : memref<!tpu.dma_semaphore, #tpu.memory_space<semaphore_mem>>) {add = true}
      %add3A_155 = arith.constant 2 : i32
      %add3A_156 = arith.addi %add3A_134, %add3A_155 : i32
      %dma_start3A_157 = arith.constant 0 : i32
      %dma_start3A_158 = tpu.memref_slice %arg10[%add3A_156, %dma_start3A_157] : memref<80x128xi32, #tpu.memory_space<vmem>> -> memref<1x128xi32, #tpu.memory_space<vmem>>
      %dma_start3A_159 = tpu.memref_squeeze %dma_start3A_158 : memref<1x128xi32, #tpu.memory_space<vmem>> -> memref<128xi32, #tpu.memory_space<vmem>>
      %dma_start3A_160 = arith.constant 0 : i32
      %dma_start3A_161 = arith.constant 0 : i32
      %dma_start3A_162 = tpu.memref_slice %arg2[%dma_start3A_160, %dma_start3A_161] : memref<10000x32xf32, #tpu.memory_space<hbm>> -> memref<10000x32xf32, #tpu.memory_space<hbm>>
      tpu.enqueue_indirect_dma source(%dma_start3A_162 : memref<10000x32xf32, #tpu.memory_space<hbm>>) target(%arg8 : memref<128x32xf32, #tpu.memory_space<vmem>>) offsets(%dma_start3A_159 : memref<128xi32, #tpu.memory_space<vmem>>) semaphore(%arg12 : memref<!tpu.dma_semaphore, #tpu.memory_space<semaphore_mem>>)
      %add3A_163 = arith.constant 1 : i32
      %add3A_164 = arith.addi %add3A_134, %add3A_163 : i32
      %dma_wait3A_165 = arith.constant 0 : i32
      %dma_wait3A_166 = tpu.memref_slice %arg10[%add3A_164, %dma_wait3A_165] : memref<80x128xi32, #tpu.memory_space<vmem>> -> memref<1x128xi32, #tpu.memory_space<vmem>>
      %dma_wait3A_167 = tpu.memref_squeeze %dma_wait3A_166 : memref<1x128xi32, #tpu.memory_space<vmem>> -> memref<128xi32, #tpu.memory_space<vmem>>
      %dma_wait3A_168 = arith.constant 0 : i32
      %dma_wait3A_169 = arith.constant 0 : i32
      %dma_wait3A_170 = tpu.memref_slice %arg2[%dma_wait3A_168, %dma_wait3A_169] : memref<10000x32xf32, #tpu.memory_space<hbm>> -> memref<10000x32xf32, #tpu.memory_space<hbm>>
      tpu.wait_indirect_dma semaphore(%arg13 : memref<!tpu.dma_semaphore, #tpu.memory_space<semaphore_mem>>) src(%dma_wait3A_170 : memref<10000x32xf32, #tpu.memory_space<hbm>>) dst(%arg9 : memref<128x32xf32, #tpu.memory_space<vmem>>)
      "tpu.region"() ({
        %run_scoped3A_177 = tpu.sem_alloc : memref<!tpu.dma_semaphore, #tpu.memory_space<semaphore_mem>>
        %dma_start3A_178 = arith.constant 0 : i32
        %dma_start3A_179 = tpu.memref_slice %arg11[%add3A_164, %dma_start3A_178] : memref<80x128xi32, #tpu.memory_space<vmem>> -> memref<1x128xi32, #tpu.memory_space<vmem>>
        %dma_start3A_180 = tpu.memref_squeeze %dma_start3A_179 : memref<1x128xi32, #tpu.memory_space<vmem>> -> memref<128xi32, #tpu.memory_space<vmem>>
        %dma_start3A_181 = arith.constant 0 : i32
        %dma_start3A_182 = arith.constant 0 : i32
        %dma_start3A_183 = tpu.memref_slice %arg7[%dma_start3A_181, %dma_start3A_182] : memref<10240x32xf32, #tpu.memory_space<vmem_shared>> -> memref<10240x32xf32, #tpu.memory_space<vmem_shared>>
        tpu.enqueue_indirect_dma source(%arg9 : memref<128x32xf32, #tpu.memory_space<vmem>>) target(%dma_start3A_183 : memref<10240x32xf32, #tpu.memory_space<vmem_shared>>) offsets(%dma_start3A_180 : memref<128xi32, #tpu.memory_space<vmem>>) semaphore(%run_scoped3A_177 : memref<!tpu.dma_semaphore, #tpu.memory_space<semaphore_mem>>) {add = true}
        %dma_wait3A_184 = arith.constant 0 : i32
        %dma_wait3A_185 = tpu.memref_slice %arg11[%add3A_164, %dma_wait3A_184] : memref<80x128xi32, #tpu.memory_space<vmem>> -> memref<1x128xi32, #tpu.memory_space<vmem>>
        %dma_wait3A_186 = tpu.memref_squeeze %dma_wait3A_185 : memref<1x128xi32, #tpu.memory_space<vmem>> -> memref<128xi32, #tpu.memory_space<vmem>>
        %dma_wait3A_187 = arith.constant 0 : i32
        %dma_wait3A_188 = arith.constant 0 : i32
        %dma_wait3A_189 = tpu.memref_slice %arg7[%dma_wait3A_187, %dma_wait3A_188] : memref<10240x32xf32, #tpu.memory_space<vmem_shared>> -> memref<10240x32xf32, #tpu.memory_space<vmem_shared>>
        tpu.wait_indirect_dma semaphore(%run_scoped3A_177 : memref<!tpu.dma_semaphore, #tpu.memory_space<semaphore_mem>>) src(%arg9 : memref<128x32xf32, #tpu.memory_space<vmem>>) dst(%dma_wait3A_189 : memref<10240x32xf32, #tpu.memory_space<vmem_shared>>)
        tpu.yield
      }) : () -> ()
      %dma_start3A_171 = arith.constant 0 : i32
      %dma_start3A_172 = tpu.memref_slice %arg11[%add3A_164, %dma_start3A_171] : memref<80x128xi32, #tpu.memory_space<vmem>> -> memref<1x128xi32, #tpu.memory_space<vmem>>
      %dma_start3A_173 = tpu.memref_squeeze %dma_start3A_172 : memref<1x128xi32, #tpu.memory_space<vmem>> -> memref<128xi32, #tpu.memory_space<vmem>>
      %dma_start3A_174 = arith.constant 0 : i32
      %dma_start3A_175 = arith.constant 0 : i32
      %dma_start3A_176 = tpu.memref_slice %arg14[%dma_start3A_174, %dma_start3A_175] : memref<10240x16xf32, #tpu.memory_space<vmem_shared>> -> memref<10240x16xf32, #tpu.memory_space<vmem_shared>>
      tpu.enqueue_indirect_dma source(%arg15 : memref<128x16xf32, #tpu.memory_space<vmem>>) target(%dma_start3A_176 : memref<10240x16xf32, #tpu.memory_space<vmem_shared>>) offsets(%dma_start3A_173 : memref<128xi32, #tpu.memory_space<vmem>>) semaphore(%arg16 : memref<!tpu.dma_semaphore, #tpu.memory_space<semaphore_mem>>) {add = true}
    }
    %scan3A_73 = arith.constant 39 : i32
    %dma_start3A_74 = arith.constant 79 : i32
    %dma_start3A_75 = arith.constant 0 : i32
    %dma_start3A_76 = tpu.memref_slice %arg10[%dma_start3A_74, %dma_start3A_75] : memref<80x128xi32, #tpu.memory_space<vmem>> -> memref<1x128xi32, #tpu.memory_space<vmem>>
    %dma_start3A_77 = tpu.memref_squeeze %dma_start3A_76 : memref<1x128xi32, #tpu.memory_space<vmem>> -> memref<128xi32, #tpu.memory_space<vmem>>
    %dma_start3A_78 = arith.constant 0 : i32
    %dma_start3A_79 = arith.constant 0 : i32
    %dma_start3A_80 = tpu.memref_slice %arg2[%dma_start3A_78, %dma_start3A_79] : memref<10000x32xf32, #tpu.memory_space<hbm>> -> memref<10000x32xf32, #tpu.memory_space<hbm>>
    tpu.enqueue_indirect_dma source(%dma_start3A_80 : memref<10000x32xf32, #tpu.memory_space<hbm>>) target(%arg9 : memref<128x32xf32, #tpu.memory_space<vmem>>) offsets(%dma_start3A_77 : memref<128xi32, #tpu.memory_space<vmem>>) semaphore(%arg13 : memref<!tpu.dma_semaphore, #tpu.memory_space<semaphore_mem>>)
    %dma_wait3A = arith.constant 78 : i32
    %dma_wait3A_81 = arith.constant 0 : i32
    %dma_wait3A_82 = tpu.memref_slice %arg10[%dma_wait3A, %dma_wait3A_81] : memref<80x128xi32, #tpu.memory_space<vmem>> -> memref<1x128xi32, #tpu.memory_space<vmem>>
    %dma_wait3A_83 = tpu.memref_squeeze %dma_wait3A_82 : memref<1x128xi32, #tpu.memory_space<vmem>> -> memref<128xi32, #tpu.memory_space<vmem>>
    %dma_wait3A_84 = arith.constant 0 : i32
    %dma_wait3A_85 = arith.constant 0 : i32
    %dma_wait3A_86 = tpu.memref_slice %arg2[%dma_wait3A_84, %dma_wait3A_85] : memref<10000x32xf32, #tpu.memory_space<hbm>> -> memref<10000x32xf32, #tpu.memory_space<hbm>>
    tpu.wait_indirect_dma semaphore(%arg12 : memref<!tpu.dma_semaphore, #tpu.memory_space<semaphore_mem>>) src(%dma_wait3A_86 : memref<10000x32xf32, #tpu.memory_space<hbm>>) dst(%arg8 : memref<128x32xf32, #tpu.memory_space<vmem>>)
    %run_scoped3A = arith.constant 78 : i32
    "tpu.region"() ({
      %run_scoped3A_130 = tpu.sem_alloc : memref<!tpu.dma_semaphore, #tpu.memory_space<semaphore_mem>>
      %dma_start3A_131 = arith.constant 0 : i32
      %dma_start3A_132 = tpu.memref_slice %arg11[%run_scoped3A, %dma_start3A_131] : memref<80x128xi32, #tpu.memory_space<vmem>> -> memref<1x128xi32, #tpu.memory_space<vmem>>
      %dma_start3A_133 = tpu.memref_squeeze %dma_start3A_132 : memref<1x128xi32, #tpu.memory_space<vmem>> -> memref<128xi32, #tpu.memory_space<vmem>>
      %dma_start3A_134 = arith.constant 0 : i32
      %dma_start3A_135 = arith.constant 0 : i32
      %dma_start3A_136 = tpu.memref_slice %arg7[%dma_start3A_134, %dma_start3A_135] : memref<10240x32xf32, #tpu.memory_space<vmem_shared>> -> memref<10240x32xf32, #tpu.memory_space<vmem_shared>>
      tpu.enqueue_indirect_dma source(%arg8 : memref<128x32xf32, #tpu.memory_space<vmem>>) target(%dma_start3A_136 : memref<10240x32xf32, #tpu.memory_space<vmem_shared>>) offsets(%dma_start3A_133 : memref<128xi32, #tpu.memory_space<vmem>>) semaphore(%run_scoped3A_130 : memref<!tpu.dma_semaphore, #tpu.memory_space<semaphore_mem>>) {add = true}
      %dma_wait3A_137 = arith.constant 0 : i32
      %dma_wait3A_138 = tpu.memref_slice %arg11[%run_scoped3A, %dma_wait3A_137] : memref<80x128xi32, #tpu.memory_space<vmem>> -> memref<1x128xi32, #tpu.memory_space<vmem>>
      %dma_wait3A_139 = tpu.memref_squeeze %dma_wait3A_138 : memref<1x128xi32, #tpu.memory_space<vmem>> -> memref<128xi32, #tpu.memory_space<vmem>>
      %dma_wait3A_140 = arith.constant 0 : i32
      %dma_wait3A_141 = arith.constant 0 : i32
      %dma_wait3A_142 = tpu.memref_slice %arg7[%dma_wait3A_140, %dma_wait3A_141] : memref<10240x32xf32, #tpu.memory_space<vmem_shared>> -> memref<10240x32xf32, #tpu.memory_space<vmem_shared>>
      tpu.wait_indirect_dma semaphore(%run_scoped3A_130 : memref<!tpu.dma_semaphore, #tpu.memory_space<semaphore_mem>>) src(%arg8 : memref<128x32xf32, #tpu.memory_space<vmem>>) dst(%dma_wait3A_142 : memref<10240x32xf32, #tpu.memory_space<vmem_shared>>)
      tpu.yield
    }) : () -> ()
    %dma_start3A_87 = arith.constant 78 : i32
    %dma_start3A_88 = arith.constant 0 : i32
    %dma_start3A_89 = tpu.memref_slice %arg11[%dma_start3A_87, %dma_start3A_88] : memref<80x128xi32, #tpu.memory_space<vmem>> -> memref<1x128xi32, #tpu.memory_space<vmem>>
    %dma_start3A_90 = tpu.memref_squeeze %dma_start3A_89 : memref<1x128xi32, #tpu.memory_space<vmem>> -> memref<128xi32, #tpu.memory_space<vmem>>
    %dma_start3A_91 = arith.constant 0 : i32
    %dma_start3A_92 = arith.constant 0 : i32
    %dma_start3A_93 = tpu.memref_slice %arg14[%dma_start3A_91, %dma_start3A_92] : memref<10240x16xf32, #tpu.memory_space<vmem_shared>> -> memref<10240x16xf32, #tpu.memory_space<vmem_shared>>
    tpu.enqueue_indirect_dma source(%arg15 : memref<128x16xf32, #tpu.memory_space<vmem>>) target(%dma_start3A_93 : memref<10240x16xf32, #tpu.memory_space<vmem_shared>>) offsets(%dma_start3A_90 : memref<128xi32, #tpu.memory_space<vmem>>) semaphore(%arg16 : memref<!tpu.dma_semaphore, #tpu.memory_space<semaphore_mem>>) {add = true}
    %dma_wait3A_94 = arith.constant 79 : i32
    %dma_wait3A_95 = arith.constant 0 : i32
    %dma_wait3A_96 = tpu.memref_slice %arg10[%dma_wait3A_94, %dma_wait3A_95] : memref<80x128xi32, #tpu.memory_space<vmem>> -> memref<1x128xi32, #tpu.memory_space<vmem>>
    %dma_wait3A_97 = tpu.memref_squeeze %dma_wait3A_96 : memref<1x128xi32, #tpu.memory_space<vmem>> -> memref<128xi32, #tpu.memory_space<vmem>>
    %dma_wait3A_98 = arith.constant 0 : i32
    %dma_wait3A_99 = arith.constant 0 : i32
    %dma_wait3A_100 = tpu.memref_slice %arg2[%dma_wait3A_98, %dma_wait3A_99] : memref<10000x32xf32, #tpu.memory_space<hbm>> -> memref<10000x32xf32, #tpu.memory_space<hbm>>
    tpu.wait_indirect_dma semaphore(%arg13 : memref<!tpu.dma_semaphore, #tpu.memory_space<semaphore_mem>>) src(%dma_wait3A_100 : memref<10000x32xf32, #tpu.memory_space<hbm>>) dst(%arg9 : memref<128x32xf32, #tpu.memory_space<vmem>>)
    %run_scoped3A_101 = arith.constant 79 : i32
    "tpu.region"() ({
      %run_scoped3A_130 = tpu.sem_alloc : memref<!tpu.dma_semaphore, #tpu.memory_space<semaphore_mem>>
      %dma_start3A_131 = arith.constant 0 : i32
      %dma_start3A_132 = tpu.memref_slice %arg11[%run_scoped3A_101, %dma_start3A_131] : memref<80x128xi32, #tpu.memory_space<vmem>> -> memref<1x128xi32, #tpu.memory_space<vmem>>
      %dma_start3A_133 = tpu.memref_squeeze %dma_start3A_132 : memref<1x128xi32, #tpu.memory_space<vmem>> -> memref<128xi32, #tpu.memory_space<vmem>>
      %dma_start3A_134 = arith.constant 0 : i32
      %dma_start3A_135 = arith.constant 0 : i32
      %dma_start3A_136 = tpu.memref_slice %arg7[%dma_start3A_134, %dma_start3A_135] : memref<10240x32xf32, #tpu.memory_space<vmem_shared>> -> memref<10240x32xf32, #tpu.memory_space<vmem_shared>>
      tpu.enqueue_indirect_dma source(%arg9 : memref<128x32xf32, #tpu.memory_space<vmem>>) target(%dma_start3A_136 : memref<10240x32xf32, #tpu.memory_space<vmem_shared>>) offsets(%dma_start3A_133 : memref<128xi32, #tpu.memory_space<vmem>>) semaphore(%run_scoped3A_130 : memref<!tpu.dma_semaphore, #tpu.memory_space<semaphore_mem>>) {add = true}
      %dma_wait3A_137 = arith.constant 0 : i32
      %dma_wait3A_138 = tpu.memref_slice %arg11[%run_scoped3A_101, %dma_wait3A_137] : memref<80x128xi32, #tpu.memory_space<vmem>> -> memref<1x128xi32, #tpu.memory_space<vmem>>
      %dma_wait3A_139 = tpu.memref_squeeze %dma_wait3A_138 : memref<1x128xi32, #tpu.memory_space<vmem>> -> memref<128xi32, #tpu.memory_space<vmem>>
      %dma_wait3A_140 = arith.constant 0 : i32
      %dma_wait3A_141 = arith.constant 0 : i32
      %dma_wait3A_142 = tpu.memref_slice %arg7[%dma_wait3A_140, %dma_wait3A_141] : memref<10240x32xf32, #tpu.memory_space<vmem_shared>> -> memref<10240x32xf32, #tpu.memory_space<vmem_shared>>
      tpu.wait_indirect_dma semaphore(%run_scoped3A_130 : memref<!tpu.dma_semaphore, #tpu.memory_space<semaphore_mem>>) src(%arg9 : memref<128x32xf32, #tpu.memory_space<vmem>>) dst(%dma_wait3A_142 : memref<10240x32xf32, #tpu.memory_space<vmem_shared>>)
      tpu.yield
    }) : () -> ()
    %dma_start3A_102 = arith.constant 79 : i32
    %dma_start3A_103 = arith.constant 0 : i32
    %dma_start3A_104 = tpu.memref_slice %arg11[%dma_start3A_102, %dma_start3A_103] : memref<80x128xi32, #tpu.memory_space<vmem>> -> memref<1x128xi32, #tpu.memory_space<vmem>>
    %dma_start3A_105 = tpu.memref_squeeze %dma_start3A_104 : memref<1x128xi32, #tpu.memory_space<vmem>> -> memref<128xi32, #tpu.memory_space<vmem>>
    %dma_start3A_106 = arith.constant 0 : i32
    %dma_start3A_107 = arith.constant 0 : i32
    %dma_start3A_108 = tpu.memref_slice %arg14[%dma_start3A_106, %dma_start3A_107] : memref<10240x16xf32, #tpu.memory_space<vmem_shared>> -> memref<10240x16xf32, #tpu.memory_space<vmem_shared>>
    tpu.enqueue_indirect_dma source(%arg15 : memref<128x16xf32, #tpu.memory_space<vmem>>) target(%dma_start3A_108 : memref<10240x16xf32, #tpu.memory_space<vmem_shared>>) offsets(%dma_start3A_105 : memref<128xi32, #tpu.memory_space<vmem>>) semaphore(%arg16 : memref<!tpu.dma_semaphore, #tpu.memory_space<semaphore_mem>>) {add = true}
    %scan3A_109 = arith.constant 0 : i32
    %scan3A_110 = arith.constant 0 : i32
    %scan3A_111 = arith.constant 80 : i32
    %scan3A_112 = arith.addi %scan3A_110, %scan3A_111 : i32
    %scan3A_113 = arith.constant 1 : i32
    scf.for %scan3A_130 = %scan3A_110 to %scan3A_112 step %scan3A_113  : i32 {
      %dma_wait3A_131 = arith.constant 0 : i32
      %dma_wait3A_132 = arith.constant 0 : i32
      %dma_wait3A_133 = tpu.memref_slice %arg11[%dma_wait3A_131, %dma_wait3A_132] : memref<80x128xi32, #tpu.memory_space<vmem>> -> memref<1x128xi32, #tpu.memory_space<vmem>>
      %dma_wait3A_134 = tpu.memref_squeeze %dma_wait3A_133 : memref<1x128xi32, #tpu.memory_space<vmem>> -> memref<128xi32, #tpu.memory_space<vmem>>
      %dma_wait3A_135 = arith.constant 0 : i32
      %dma_wait3A_136 = arith.constant 0 : i32
      %dma_wait3A_137 = tpu.memref_slice %arg14[%dma_wait3A_135, %dma_wait3A_136] : memref<10240x16xf32, #tpu.memory_space<vmem_shared>> -> memref<10240x16xf32, #tpu.memory_space<vmem_shared>>
      tpu.wait_indirect_dma semaphore(%arg16 : memref<!tpu.dma_semaphore, #tpu.memory_space<semaphore_mem>>) src(%arg15 : memref<128x16xf32, #tpu.memory_space<vmem>>) dst(%dma_wait3A_137 : memref<10240x16xf32, #tpu.memory_space<vmem_shared>>)
    }
    %scan3A_114 = arith.constant 80 : i32
    %barrier3A_115 = arith.constant 0 : index
    tpu.barrier barrier_id(%barrier3A_115)
    %mul3A_116 = arith.constant 640 : i32
    %mul3A_117 = arith.muli %arg1, %mul3A_116 : i32
    %mul3A_118 = arith.constant 10240 : i32
    %mul3A_119 = arith.muli %arg0, %mul3A_118 : i32
    %mul3A_120 = arith.constant 640 : i32
    %mul3A_121 = arith.muli %arg1, %mul3A_120 : i32
    %add3A_122 = arith.addi %mul3A_119, %mul3A_121 : i32
    "tpu.region"() ({
      %run_scoped3A_130 = tpu.sem_alloc : memref<!tpu.dma_semaphore, #tpu.memory_space<semaphore_mem>>
      %dma_start3A_131 = arith.constant 0 : i32
      %dma_start3A_132 = tpu.memref_slice %arg5[%add3A_122, %dma_start3A_131] : memref<20480x32xf32, #tpu.memory_space<hbm>> -> memref<640x32xf32, #tpu.memory_space<hbm>>
      %dma_start3A_133 = arith.constant 0 : i32
      %dma_start3A_134 = tpu.memref_slice %arg7[%mul3A_117, %dma_start3A_133] : memref<10240x32xf32, #tpu.memory_space<vmem_shared>> -> memref<640x32xf32, #tpu.memory_space<vmem_shared>>
      tpu.enqueue_dma source(%dma_start3A_134 : memref<640x32xf32, #tpu.memory_space<vmem_shared>>) target(%dma_start3A_132 : memref<640x32xf32, #tpu.memory_space<hbm>>) target_semaphore(%run_scoped3A_130 : memref<!tpu.dma_semaphore, #tpu.memory_space<semaphore_mem>>)
      %dma_wait3A_135 = arith.constant 0 : i32
      %dma_wait3A_136 = tpu.memref_slice %arg5[%add3A_122, %dma_wait3A_135] : memref<20480x32xf32, #tpu.memory_space<hbm>> -> memref<640x32xf32, #tpu.memory_space<hbm>>
      %dma_wait3A_137 = arith.constant 0 : i32
      %dma_wait3A_138 = tpu.memref_slice %arg7[%mul3A_117, %dma_wait3A_137] : memref<10240x32xf32, #tpu.memory_space<vmem_shared>> -> memref<640x32xf32, #tpu.memory_space<vmem_shared>>
      tpu.wait_dma2 semaphore(%run_scoped3A_130 : memref<!tpu.dma_semaphore, #tpu.memory_space<semaphore_mem>>) src(%dma_wait3A_138 : memref<640x32xf32, #tpu.memory_space<vmem_shared>>) dst(%dma_wait3A_136 : memref<640x32xf32, #tpu.memory_space<hbm>>)
      tpu.yield
    }) : () -> ()
    %mul3A_123 = arith.constant 640 : i32
    %mul3A_124 = arith.muli %arg1, %mul3A_123 : i32
    %mul3A_125 = arith.constant 10240 : i32
    %mul3A_126 = arith.muli %arg0, %mul3A_125 : i32
    %mul3A_127 = arith.constant 640 : i32
    %mul3A_128 = arith.muli %arg1, %mul3A_127 : i32
    %add3A_129 = arith.addi %mul3A_126, %mul3A_128 : i32
    "tpu.region"() ({
      %run_scoped3A_130 = tpu.sem_alloc : memref<!tpu.dma_semaphore, #tpu.memory_space<semaphore_mem>>
      %dma_start3A_131 = arith.constant 0 : i32
      %dma_start3A_132 = tpu.memref_slice %arg6[%add3A_129, %dma_start3A_131] : memref<20480x16xf32, #tpu.memory_space<hbm>> -> memref<640x16xf32, #tpu.memory_space<hbm>>
      %dma_start3A_133 = arith.constant 0 : i32
      %dma_start3A_134 = tpu.memref_slice %arg14[%mul3A_124, %dma_start3A_133] : memref<10240x16xf32, #tpu.memory_space<vmem_shared>> -> memref<640x16xf32, #tpu.memory_space<vmem_shared>>
      tpu.enqueue_dma source(%dma_start3A_134 : memref<640x16xf32, #tpu.memory_space<vmem_shared>>) target(%dma_start3A_132 : memref<640x16xf32, #tpu.memory_space<hbm>>) target_semaphore(%run_scoped3A_130 : memref<!tpu.dma_semaphore, #tpu.memory_space<semaphore_mem>>)
      %dma_wait3A_135 = arith.constant 0 : i32
      %dma_wait3A_136 = tpu.memref_slice %arg6[%add3A_129, %dma_wait3A_135] : memref<20480x16xf32, #tpu.memory_space<hbm>> -> memref<640x16xf32, #tpu.memory_space<hbm>>
      %dma_wait3A_137 = arith.constant 0 : i32
      %dma_wait3A_138 = tpu.memref_slice %arg14[%mul3A_124, %dma_wait3A_137] : memref<10240x16xf32, #tpu.memory_space<vmem_shared>> -> memref<640x16xf32, #tpu.memory_space<vmem_shared>>
      tpu.wait_dma2 semaphore(%run_scoped3A_130 : memref<!tpu.dma_semaphore, #tpu.memory_space<semaphore_mem>>) src(%dma_wait3A_138 : memref<640x16xf32, #tpu.memory_space<vmem_shared>>) dst(%dma_wait3A_136 : memref<640x16xf32, #tpu.memory_space<hbm>>)
      tpu.yield
    }) : () -> ()
    return
  }
}

#map = affine_map<(d0, d1) -> (0, 0)>
#map1 = affine_map<(d0, d1) -> (0, 0, 0)>
module attributes {stable_mosaic.version = 14 : i64} {
  func.func @k(%arg0: i32, %arg1: i32, %arg2: memref<20480x16xf32, #tpu.memory_space<hbm>>, %arg3: memref<20480x16xf32, #tpu.memory_space<hbm>>, %arg4: memref<10240x16xf32, #tpu.memory_space<hbm>>, %arg5: memref<32x160x128xi32, #tpu.memory_space<hbm>>, %arg6: memref<16x160x128xi32, #tpu.memory_space<hbm>>, %arg7: memref<32x160x128xi32, #tpu.memory_space<hbm>>, %arg8: memref<655360x16xf32, #tpu.memory_space<hbm>>, %arg9: memref<10240x16xf32, #tpu.memory_space<vmem_shared>>, %arg10: memref<160x128xi32, #tpu.memory_space<vmem>>, %arg11: memref<160x128xi32, #tpu.memory_space<vmem>>, %arg12: memref<160x128xi32, #tpu.memory_space<vmem>>, %arg13: memref<128x16xf32, #tpu.memory_space<vmem>>, %arg14: memref<128x16xf32, #tpu.memory_space<vmem>>, %arg15: memref<128x16xf32, #tpu.memory_space<vmem>>, %arg16: memref<128x16xf32, #tpu.memory_space<vmem>>, %arg17: memref<128x16xf32, #tpu.memory_space<vmem>>, %arg18: memref<128x16xf32, #tpu.memory_space<vmem>>, %arg19: memref<!tpu.dma_semaphore, #tpu.memory_space<semaphore_mem>>, %arg20: memref<!tpu.dma_semaphore, #tpu.memory_space<semaphore_mem>>, %arg21: memref<!tpu.dma_semaphore, #tpu.memory_space<semaphore_mem>>, %arg22: memref<!tpu.dma_semaphore, #tpu.memory_space<semaphore_mem>>) attributes {dimension_semantics = [#tpu.dimension_semantics<core_parallel>, #tpu.dimension_semantics<subcore_parallel>], iteration_bounds = array<i64: 2, 16>, scalar_prefetch = 0 : i64, scratch_operands = 14 : i64, tpu.core_type = #tpu.core_type<sc_vector_subcore>, window_params = [{transform_indices = #map}, {transform_indices = #map}, {transform_indices = #map}, {transform_indices = #map1}, {transform_indices = #map1}, {transform_indices = #map1}, {transform_indices = #map}]} {
    %broadcast_in_dim3A = arith.constant 0.000000e+00 : f32
    %broadcast_in_dim3A_0 = vector.broadcast %broadcast_in_dim3A : f32 to vector<16xf32>
    %scan3A = arith.constant 0 : i32
    %scan3A_1 = arith.constant 0 : i32
    %scan3A_2 = arith.constant 128 : i32
    %scan3A_3 = arith.addi %scan3A_1, %scan3A_2 : i32
    %scan3A_4 = arith.constant 1 : i32
    scf.for %scan3A_206 = %scan3A_1 to %scan3A_3 step %scan3A_4  : i32 {
      %swap3A = arith.index_cast %scan3A_206 : i32 to index
      %swap3A_207 = arith.constant 0 : index
      %swap3A_208 = tpu.vector_load %arg13[%swap3A, %swap3A_207] {strides = array<i32>} : memref<128x16xf32, #tpu.memory_space<vmem>>, vector<1x16xf32>,
      %swap3A_209 = vector.shape_cast %swap3A_208 : vector<1x16xf32> to vector<16xf32>
      %swap3A_210 = vector.shape_cast %broadcast_in_dim3A_0 : vector<16xf32> to vector<1x16xf32>
      tpu.vector_store %arg13[%swap3A, %swap3A_207], %swap3A_210 {strides = array<i32>} : memref<128x16xf32, #tpu.memory_space<vmem>>, vector<1x16xf32>,
    }
    %scan3A_5 = arith.constant 128 : i32
    %mul3A = arith.constant 640 : i32
    %mul3A_6 = arith.muli %arg1, %mul3A : i32
    %add3A = arith.constant 0 : i32
    %add3A_7 = arith.addi %mul3A_6, %add3A : i32
    "tpu.region"() ({
      %run_scoped3A_206 = tpu.sem_alloc : memref<!tpu.dma_semaphore, #tpu.memory_space<semaphore_mem>>
      %dma_start3A_207 = arith.constant 0 : i32
      %dma_start3A_208 = tpu.memref_slice %arg9[%add3A_7, %dma_start3A_207] : memref<10240x16xf32, #tpu.memory_space<vmem_shared>> -> memref<128x16xf32, #tpu.memory_space<vmem_shared>>
      %dma_start3A_209 = arith.constant 0 : i32
      %dma_start3A_210 = tpu.memref_slice %arg9[%add3A_7, %dma_start3A_209] : memref<10240x16xf32, #tpu.memory_space<vmem_shared>> -> memref<128x16xf32, #tpu.memory_space<vmem_shared>>
      tpu.enqueue_dma source(%arg13 : memref<128x16xf32, #tpu.memory_space<vmem>>) target(%dma_start3A_210 : memref<128x16xf32, #tpu.memory_space<vmem_shared>>) target_semaphore(%run_scoped3A_206 : memref<!tpu.dma_semaphore, #tpu.memory_space<semaphore_mem>>)
      %dma_wait3A_211 = arith.constant 0 : i32
      %dma_wait3A_212 = tpu.memref_slice %arg9[%add3A_7, %dma_wait3A_211] : memref<10240x16xf32, #tpu.memory_space<vmem_shared>> -> memref<128x16xf32, #tpu.memory_space<vmem_shared>>
      %dma_wait3A_213 = arith.constant 0 : i32
      %dma_wait3A_214 = tpu.memref_slice %arg9[%add3A_7, %dma_wait3A_213] : memref<10240x16xf32, #tpu.memory_space<vmem_shared>> -> memref<128x16xf32, #tpu.memory_space<vmem_shared>>
      tpu.wait_dma2 semaphore(%run_scoped3A_206 : memref<!tpu.dma_semaphore, #tpu.memory_space<semaphore_mem>>) src(%arg13 : memref<128x16xf32, #tpu.memory_space<vmem>>) dst(%dma_wait3A_214 : memref<128x16xf32, #tpu.memory_space<vmem_shared>>)
      tpu.yield
    }) : () -> ()
    %mul3A_8 = arith.constant 640 : i32
    %mul3A_9 = arith.muli %arg1, %mul3A_8 : i32
    %add3A_10 = arith.constant 128 : i32
    %add3A_11 = arith.addi %mul3A_9, %add3A_10 : i32
    "tpu.region"() ({
      %run_scoped3A_206 = tpu.sem_alloc : memref<!tpu.dma_semaphore, #tpu.memory_space<semaphore_mem>>
      %dma_start3A_207 = arith.constant 0 : i32
      %dma_start3A_208 = tpu.memref_slice %arg9[%add3A_11, %dma_start3A_207] : memref<10240x16xf32, #tpu.memory_space<vmem_shared>> -> memref<128x16xf32, #tpu.memory_space<vmem_shared>>
      %dma_start3A_209 = arith.constant 0 : i32
      %dma_start3A_210 = tpu.memref_slice %arg9[%add3A_11, %dma_start3A_209] : memref<10240x16xf32, #tpu.memory_space<vmem_shared>> -> memref<128x16xf32, #tpu.memory_space<vmem_shared>>
      tpu.enqueue_dma source(%arg13 : memref<128x16xf32, #tpu.memory_space<vmem>>) target(%dma_start3A_210 : memref<128x16xf32, #tpu.memory_space<vmem_shared>>) target_semaphore(%run_scoped3A_206 : memref<!tpu.dma_semaphore, #tpu.memory_space<semaphore_mem>>)
      %dma_wait3A_211 = arith.constant 0 : i32
      %dma_wait3A_212 = tpu.memref_slice %arg9[%add3A_11, %dma_wait3A_211] : memref<10240x16xf32, #tpu.memory_space<vmem_shared>> -> memref<128x16xf32, #tpu.memory_space<vmem_shared>>
      %dma_wait3A_213 = arith.constant 0 : i32
      %dma_wait3A_214 = tpu.memref_slice %arg9[%add3A_11, %dma_wait3A_213] : memref<10240x16xf32, #tpu.memory_space<vmem_shared>> -> memref<128x16xf32, #tpu.memory_space<vmem_shared>>
      tpu.wait_dma2 semaphore(%run_scoped3A_206 : memref<!tpu.dma_semaphore, #tpu.memory_space<semaphore_mem>>) src(%arg13 : memref<128x16xf32, #tpu.memory_space<vmem>>) dst(%dma_wait3A_214 : memref<128x16xf32, #tpu.memory_space<vmem_shared>>)
      tpu.yield
    }) : () -> ()
    %mul3A_12 = arith.constant 640 : i32
    %mul3A_13 = arith.muli %arg1, %mul3A_12 : i32
    %add3A_14 = arith.constant 256 : i32
    %add3A_15 = arith.addi %mul3A_13, %add3A_14 : i32
    "tpu.region"() ({
      %run_scoped3A_206 = tpu.sem_alloc : memref<!tpu.dma_semaphore, #tpu.memory_space<semaphore_mem>>
      %dma_start3A_207 = arith.constant 0 : i32
      %dma_start3A_208 = tpu.memref_slice %arg9[%add3A_15, %dma_start3A_207] : memref<10240x16xf32, #tpu.memory_space<vmem_shared>> -> memref<128x16xf32, #tpu.memory_space<vmem_shared>>
      %dma_start3A_209 = arith.constant 0 : i32
      %dma_start3A_210 = tpu.memref_slice %arg9[%add3A_15, %dma_start3A_209] : memref<10240x16xf32, #tpu.memory_space<vmem_shared>> -> memref<128x16xf32, #tpu.memory_space<vmem_shared>>
      tpu.enqueue_dma source(%arg13 : memref<128x16xf32, #tpu.memory_space<vmem>>) target(%dma_start3A_210 : memref<128x16xf32, #tpu.memory_space<vmem_shared>>) target_semaphore(%run_scoped3A_206 : memref<!tpu.dma_semaphore, #tpu.memory_space<semaphore_mem>>)
      %dma_wait3A_211 = arith.constant 0 : i32
      %dma_wait3A_212 = tpu.memref_slice %arg9[%add3A_15, %dma_wait3A_211] : memref<10240x16xf32, #tpu.memory_space<vmem_shared>> -> memref<128x16xf32, #tpu.memory_space<vmem_shared>>
      %dma_wait3A_213 = arith.constant 0 : i32
      %dma_wait3A_214 = tpu.memref_slice %arg9[%add3A_15, %dma_wait3A_213] : memref<10240x16xf32, #tpu.memory_space<vmem_shared>> -> memref<128x16xf32, #tpu.memory_space<vmem_shared>>
      tpu.wait_dma2 semaphore(%run_scoped3A_206 : memref<!tpu.dma_semaphore, #tpu.memory_space<semaphore_mem>>) src(%arg13 : memref<128x16xf32, #tpu.memory_space<vmem>>) dst(%dma_wait3A_214 : memref<128x16xf32, #tpu.memory_space<vmem_shared>>)
      tpu.yield
    }) : () -> ()
    %mul3A_16 = arith.constant 640 : i32
    %mul3A_17 = arith.muli %arg1, %mul3A_16 : i32
    %add3A_18 = arith.constant 384 : i32
    %add3A_19 = arith.addi %mul3A_17, %add3A_18 : i32
    "tpu.region"() ({
      %run_scoped3A_206 = tpu.sem_alloc : memref<!tpu.dma_semaphore, #tpu.memory_space<semaphore_mem>>
      %dma_start3A_207 = arith.constant 0 : i32
      %dma_start3A_208 = tpu.memref_slice %arg9[%add3A_19, %dma_start3A_207] : memref<10240x16xf32, #tpu.memory_space<vmem_shared>> -> memref<128x16xf32, #tpu.memory_space<vmem_shared>>
      %dma_start3A_209 = arith.constant 0 : i32
      %dma_start3A_210 = tpu.memref_slice %arg9[%add3A_19, %dma_start3A_209] : memref<10240x16xf32, #tpu.memory_space<vmem_shared>> -> memref<128x16xf32, #tpu.memory_space<vmem_shared>>
      tpu.enqueue_dma source(%arg13 : memref<128x16xf32, #tpu.memory_space<vmem>>) target(%dma_start3A_210 : memref<128x16xf32, #tpu.memory_space<vmem_shared>>) target_semaphore(%run_scoped3A_206 : memref<!tpu.dma_semaphore, #tpu.memory_space<semaphore_mem>>)
      %dma_wait3A_211 = arith.constant 0 : i32
      %dma_wait3A_212 = tpu.memref_slice %arg9[%add3A_19, %dma_wait3A_211] : memref<10240x16xf32, #tpu.memory_space<vmem_shared>> -> memref<128x16xf32, #tpu.memory_space<vmem_shared>>
      %dma_wait3A_213 = arith.constant 0 : i32
      %dma_wait3A_214 = tpu.memref_slice %arg9[%add3A_19, %dma_wait3A_213] : memref<10240x16xf32, #tpu.memory_space<vmem_shared>> -> memref<128x16xf32, #tpu.memory_space<vmem_shared>>
      tpu.wait_dma2 semaphore(%run_scoped3A_206 : memref<!tpu.dma_semaphore, #tpu.memory_space<semaphore_mem>>) src(%arg13 : memref<128x16xf32, #tpu.memory_space<vmem>>) dst(%dma_wait3A_214 : memref<128x16xf32, #tpu.memory_space<vmem_shared>>)
      tpu.yield
    }) : () -> ()
    %mul3A_20 = arith.constant 640 : i32
    %mul3A_21 = arith.muli %arg1, %mul3A_20 : i32
    %add3A_22 = arith.constant 512 : i32
    %add3A_23 = arith.addi %mul3A_21, %add3A_22 : i32
    "tpu.region"() ({
      %run_scoped3A_206 = tpu.sem_alloc : memref<!tpu.dma_semaphore, #tpu.memory_space<semaphore_mem>>
      %dma_start3A_207 = arith.constant 0 : i32
      %dma_start3A_208 = tpu.memref_slice %arg9[%add3A_23, %dma_start3A_207] : memref<10240x16xf32, #tpu.memory_space<vmem_shared>> -> memref<128x16xf32, #tpu.memory_space<vmem_shared>>
      %dma_start3A_209 = arith.constant 0 : i32
      %dma_start3A_210 = tpu.memref_slice %arg9[%add3A_23, %dma_start3A_209] : memref<10240x16xf32, #tpu.memory_space<vmem_shared>> -> memref<128x16xf32, #tpu.memory_space<vmem_shared>>
      tpu.enqueue_dma source(%arg13 : memref<128x16xf32, #tpu.memory_space<vmem>>) target(%dma_start3A_210 : memref<128x16xf32, #tpu.memory_space<vmem_shared>>) target_semaphore(%run_scoped3A_206 : memref<!tpu.dma_semaphore, #tpu.memory_space<semaphore_mem>>)
      %dma_wait3A_211 = arith.constant 0 : i32
      %dma_wait3A_212 = tpu.memref_slice %arg9[%add3A_23, %dma_wait3A_211] : memref<10240x16xf32, #tpu.memory_space<vmem_shared>> -> memref<128x16xf32, #tpu.memory_space<vmem_shared>>
      %dma_wait3A_213 = arith.constant 0 : i32
      %dma_wait3A_214 = tpu.memref_slice %arg9[%add3A_23, %dma_wait3A_213] : memref<10240x16xf32, #tpu.memory_space<vmem_shared>> -> memref<128x16xf32, #tpu.memory_space<vmem_shared>>
      tpu.wait_dma2 semaphore(%run_scoped3A_206 : memref<!tpu.dma_semaphore, #tpu.memory_space<semaphore_mem>>) src(%arg13 : memref<128x16xf32, #tpu.memory_space<vmem>>) dst(%dma_wait3A_214 : memref<128x16xf32, #tpu.memory_space<vmem_shared>>)
      tpu.yield
    }) : () -> ()
    %mul3A_24 = arith.constant 16 : i32
    %mul3A_25 = arith.muli %arg0, %mul3A_24 : i32
    %add3A_26 = arith.addi %mul3A_25, %arg1 : i32
    "tpu.region"() ({
      %run_scoped3A_206 = tpu.sem_alloc : memref<!tpu.dma_semaphore, #tpu.memory_space<semaphore_mem>>
      %dma_start3A_207 = arith.constant 0 : i32
      %dma_start3A_208 = arith.constant 0 : i32
      %dma_start3A_209 = tpu.memref_slice %arg5[%add3A_26, %dma_start3A_207, %dma_start3A_208] : memref<32x160x128xi32, #tpu.memory_space<hbm>> -> memref<1x160x128xi32, #tpu.memory_space<hbm>>
      %dma_start3A_210 = tpu.memref_squeeze %dma_start3A_209 : memref<1x160x128xi32, #tpu.memory_space<hbm>> -> memref<160x128xi32, #tpu.memory_space<hbm>>
      %dma_start3A_211 = arith.constant 0 : i32
      %dma_start3A_212 = arith.constant 0 : i32
      %dma_start3A_213 = tpu.memref_slice %arg5[%add3A_26, %dma_start3A_211, %dma_start3A_212] : memref<32x160x128xi32, #tpu.memory_space<hbm>> -> memref<1x160x128xi32, #tpu.memory_space<hbm>>
      %dma_start3A_214 = tpu.memref_squeeze %dma_start3A_213 : memref<1x160x128xi32, #tpu.memory_space<hbm>> -> memref<160x128xi32, #tpu.memory_space<hbm>>
      tpu.enqueue_dma source(%dma_start3A_214 : memref<160x128xi32, #tpu.memory_space<hbm>>) target(%arg10 : memref<160x128xi32, #tpu.memory_space<vmem>>) target_semaphore(%run_scoped3A_206 : memref<!tpu.dma_semaphore, #tpu.memory_space<semaphore_mem>>)
      %dma_wait3A_215 = arith.constant 0 : i32
      %dma_wait3A_216 = arith.constant 0 : i32
      %dma_wait3A_217 = tpu.memref_slice %arg5[%add3A_26, %dma_wait3A_215, %dma_wait3A_216] : memref<32x160x128xi32, #tpu.memory_space<hbm>> -> memref<1x160x128xi32, #tpu.memory_space<hbm>>
      %dma_wait3A_218 = tpu.memref_squeeze %dma_wait3A_217 : memref<1x160x128xi32, #tpu.memory_space<hbm>> -> memref<160x128xi32, #tpu.memory_space<hbm>>
      %dma_wait3A_219 = arith.constant 0 : i32
      %dma_wait3A_220 = arith.constant 0 : i32
      %dma_wait3A_221 = tpu.memref_slice %arg5[%add3A_26, %dma_wait3A_219, %dma_wait3A_220] : memref<32x160x128xi32, #tpu.memory_space<hbm>> -> memref<1x160x128xi32, #tpu.memory_space<hbm>>
      %dma_wait3A_222 = tpu.memref_squeeze %dma_wait3A_221 : memref<1x160x128xi32, #tpu.memory_space<hbm>> -> memref<160x128xi32, #tpu.memory_space<hbm>>
      tpu.wait_dma2 semaphore(%run_scoped3A_206 : memref<!tpu.dma_semaphore, #tpu.memory_space<semaphore_mem>>) src(%dma_wait3A_222 : memref<160x128xi32, #tpu.memory_space<hbm>>) dst(%arg10 : memref<160x128xi32, #tpu.memory_space<vmem>>)
      tpu.yield
    }) : () -> ()
    "tpu.region"() ({
      %run_scoped3A_206 = tpu.sem_alloc : memref<!tpu.dma_semaphore, #tpu.memory_space<semaphore_mem>>
      %dma_start3A_207 = arith.constant 0 : i32
      %dma_start3A_208 = arith.constant 0 : i32
      %dma_start3A_209 = tpu.memref_slice %arg6[%arg1, %dma_start3A_207, %dma_start3A_208] : memref<16x160x128xi32, #tpu.memory_space<hbm>> -> memref<1x160x128xi32, #tpu.memory_space<hbm>>
      %dma_start3A_210 = tpu.memref_squeeze %dma_start3A_209 : memref<1x160x128xi32, #tpu.memory_space<hbm>> -> memref<160x128xi32, #tpu.memory_space<hbm>>
      %dma_start3A_211 = arith.constant 0 : i32
      %dma_start3A_212 = arith.constant 0 : i32
      %dma_start3A_213 = tpu.memref_slice %arg6[%arg1, %dma_start3A_211, %dma_start3A_212] : memref<16x160x128xi32, #tpu.memory_space<hbm>> -> memref<1x160x128xi32, #tpu.memory_space<hbm>>
      %dma_start3A_214 = tpu.memref_squeeze %dma_start3A_213 : memref<1x160x128xi32, #tpu.memory_space<hbm>> -> memref<160x128xi32, #tpu.memory_space<hbm>>
      tpu.enqueue_dma source(%dma_start3A_214 : memref<160x128xi32, #tpu.memory_space<hbm>>) target(%arg11 : memref<160x128xi32, #tpu.memory_space<vmem>>) target_semaphore(%run_scoped3A_206 : memref<!tpu.dma_semaphore, #tpu.memory_space<semaphore_mem>>)
      %dma_wait3A_215 = arith.constant 0 : i32
      %dma_wait3A_216 = arith.constant 0 : i32
      %dma_wait3A_217 = tpu.memref_slice %arg6[%arg1, %dma_wait3A_215, %dma_wait3A_216] : memref<16x160x128xi32, #tpu.memory_space<hbm>> -> memref<1x160x128xi32, #tpu.memory_space<hbm>>
      %dma_wait3A_218 = tpu.memref_squeeze %dma_wait3A_217 : memref<1x160x128xi32, #tpu.memory_space<hbm>> -> memref<160x128xi32, #tpu.memory_space<hbm>>
      %dma_wait3A_219 = arith.constant 0 : i32
      %dma_wait3A_220 = arith.constant 0 : i32
      %dma_wait3A_221 = tpu.memref_slice %arg6[%arg1, %dma_wait3A_219, %dma_wait3A_220] : memref<16x160x128xi32, #tpu.memory_space<hbm>> -> memref<1x160x128xi32, #tpu.memory_space<hbm>>
      %dma_wait3A_222 = tpu.memref_squeeze %dma_wait3A_221 : memref<1x160x128xi32, #tpu.memory_space<hbm>> -> memref<160x128xi32, #tpu.memory_space<hbm>>
      tpu.wait_dma2 semaphore(%run_scoped3A_206 : memref<!tpu.dma_semaphore, #tpu.memory_space<semaphore_mem>>) src(%dma_wait3A_222 : memref<160x128xi32, #tpu.memory_space<hbm>>) dst(%arg11 : memref<160x128xi32, #tpu.memory_space<vmem>>)
      tpu.yield
    }) : () -> ()
    %mul3A_27 = arith.constant 16 : i32
    %mul3A_28 = arith.muli %arg0, %mul3A_27 : i32
    %add3A_29 = arith.addi %mul3A_28, %arg1 : i32
    "tpu.region"() ({
      %run_scoped3A_206 = tpu.sem_alloc : memref<!tpu.dma_semaphore, #tpu.memory_space<semaphore_mem>>
      %dma_start3A_207 = arith.constant 0 : i32
      %dma_start3A_208 = arith.constant 0 : i32
      %dma_start3A_209 = tpu.memref_slice %arg7[%add3A_29, %dma_start3A_207, %dma_start3A_208] : memref<32x160x128xi32, #tpu.memory_space<hbm>> -> memref<1x160x128xi32, #tpu.memory_space<hbm>>
      %dma_start3A_210 = tpu.memref_squeeze %dma_start3A_209 : memref<1x160x128xi32, #tpu.memory_space<hbm>> -> memref<160x128xi32, #tpu.memory_space<hbm>>
      %dma_start3A_211 = arith.constant 0 : i32
      %dma_start3A_212 = arith.constant 0 : i32
      %dma_start3A_213 = tpu.memref_slice %arg7[%add3A_29, %dma_start3A_211, %dma_start3A_212] : memref<32x160x128xi32, #tpu.memory_space<hbm>> -> memref<1x160x128xi32, #tpu.memory_space<hbm>>
      %dma_start3A_214 = tpu.memref_squeeze %dma_start3A_213 : memref<1x160x128xi32, #tpu.memory_space<hbm>> -> memref<160x128xi32, #tpu.memory_space<hbm>>
      tpu.enqueue_dma source(%dma_start3A_214 : memref<160x128xi32, #tpu.memory_space<hbm>>) target(%arg12 : memref<160x128xi32, #tpu.memory_space<vmem>>) target_semaphore(%run_scoped3A_206 : memref<!tpu.dma_semaphore, #tpu.memory_space<semaphore_mem>>)
      %dma_wait3A_215 = arith.constant 0 : i32
      %dma_wait3A_216 = arith.constant 0 : i32
      %dma_wait3A_217 = tpu.memref_slice %arg7[%add3A_29, %dma_wait3A_215, %dma_wait3A_216] : memref<32x160x128xi32, #tpu.memory_space<hbm>> -> memref<1x160x128xi32, #tpu.memory_space<hbm>>
      %dma_wait3A_218 = tpu.memref_squeeze %dma_wait3A_217 : memref<1x160x128xi32, #tpu.memory_space<hbm>> -> memref<160x128xi32, #tpu.memory_space<hbm>>
      %dma_wait3A_219 = arith.constant 0 : i32
      %dma_wait3A_220 = arith.constant 0 : i32
      %dma_wait3A_221 = tpu.memref_slice %arg7[%add3A_29, %dma_wait3A_219, %dma_wait3A_220] : memref<32x160x128xi32, #tpu.memory_space<hbm>> -> memref<1x160x128xi32, #tpu.memory_space<hbm>>
      %dma_wait3A_222 = tpu.memref_squeeze %dma_wait3A_221 : memref<1x160x128xi32, #tpu.memory_space<hbm>> -> memref<160x128xi32, #tpu.memory_space<hbm>>
      tpu.wait_dma2 semaphore(%run_scoped3A_206 : memref<!tpu.dma_semaphore, #tpu.memory_space<semaphore_mem>>) src(%dma_wait3A_222 : memref<160x128xi32, #tpu.memory_space<hbm>>) dst(%arg12 : memref<160x128xi32, #tpu.memory_space<vmem>>)
      tpu.yield
    }) : () -> ()
    %barrier3A = arith.constant 0 : index
    tpu.barrier barrier_id(%barrier3A)
    %dma_start3A = arith.constant 0 : i32
    %dma_start3A_30 = arith.constant 0 : i32
    %dma_start3A_31 = tpu.memref_slice %arg10[%dma_start3A, %dma_start3A_30] : memref<160x128xi32, #tpu.memory_space<vmem>> -> memref<1x128xi32, #tpu.memory_space<vmem>>
    %dma_start3A_32 = tpu.memref_squeeze %dma_start3A_31 : memref<1x128xi32, #tpu.memory_space<vmem>> -> memref<128xi32, #tpu.memory_space<vmem>>
    %dma_start3A_33 = arith.constant 0 : i32
    %dma_start3A_34 = arith.constant 0 : i32
    %dma_start3A_35 = tpu.memref_slice %arg2[%dma_start3A_33, %dma_start3A_34] : memref<20480x16xf32, #tpu.memory_space<hbm>> -> memref<20480x16xf32, #tpu.memory_space<hbm>>
    tpu.enqueue_indirect_dma source(%dma_start3A_35 : memref<20480x16xf32, #tpu.memory_space<hbm>>) target(%arg13 : memref<128x16xf32, #tpu.memory_space<vmem>>) offsets(%dma_start3A_32 : memref<128xi32, #tpu.memory_space<vmem>>) semaphore(%arg19 : memref<!tpu.dma_semaphore, #tpu.memory_space<semaphore_mem>>)
    %scan3A_36 = arith.constant 0 : i32
    %scan3A_37 = arith.constant 79 : i32
    %scan3A_38 = arith.addi %scan3A_36, %scan3A_37 : i32
    %scan3A_39 = arith.constant 1 : i32
    scf.for %scan3A_206 = %scan3A_36 to %scan3A_38 step %scan3A_39  : i32 {
      %mul3A_207 = arith.constant 2 : i32
      %mul3A_208 = arith.muli %scan3A_206, %mul3A_207 : i32
      %add3A_209 = arith.constant 0 : i32
      %add3A_210 = arith.addi %add3A_209, %mul3A_208 : i32
      %add3A_211 = arith.constant 1 : i32
      %add3A_212 = arith.addi %add3A_210, %add3A_211 : i32
      %dma_start3A_213 = arith.constant 0 : i32
      %dma_start3A_214 = tpu.memref_slice %arg10[%add3A_212, %dma_start3A_213] : memref<160x128xi32, #tpu.memory_space<vmem>> -> memref<1x128xi32, #tpu.memory_space<vmem>>
      %dma_start3A_215 = tpu.memref_squeeze %dma_start3A_214 : memref<1x128xi32, #tpu.memory_space<vmem>> -> memref<128xi32, #tpu.memory_space<vmem>>
      %dma_start3A_216 = arith.constant 0 : i32
      %dma_start3A_217 = arith.constant 0 : i32
      %dma_start3A_218 = tpu.memref_slice %arg2[%dma_start3A_216, %dma_start3A_217] : memref<20480x16xf32, #tpu.memory_space<hbm>> -> memref<20480x16xf32, #tpu.memory_space<hbm>>
      tpu.enqueue_indirect_dma source(%dma_start3A_218 : memref<20480x16xf32, #tpu.memory_space<hbm>>) target(%arg14 : memref<128x16xf32, #tpu.memory_space<vmem>>) offsets(%dma_start3A_215 : memref<128xi32, #tpu.memory_space<vmem>>) semaphore(%arg20 : memref<!tpu.dma_semaphore, #tpu.memory_space<semaphore_mem>>)
      %dma_wait3A_219 = arith.constant 0 : i32
      %dma_wait3A_220 = tpu.memref_slice %arg10[%add3A_210, %dma_wait3A_219] : memref<160x128xi32, #tpu.memory_space<vmem>> -> memref<1x128xi32, #tpu.memory_space<vmem>>
      %dma_wait3A_221 = tpu.memref_squeeze %dma_wait3A_220 : memref<1x128xi32, #tpu.memory_space<vmem>> -> memref<128xi32, #tpu.memory_space<vmem>>
      %dma_wait3A_222 = arith.constant 0 : i32
      %dma_wait3A_223 = arith.constant 0 : i32
      %dma_wait3A_224 = tpu.memref_slice %arg2[%dma_wait3A_222, %dma_wait3A_223] : memref<20480x16xf32, #tpu.memory_space<hbm>> -> memref<20480x16xf32, #tpu.memory_space<hbm>>
      tpu.wait_indirect_dma semaphore(%arg19 : memref<!tpu.dma_semaphore, #tpu.memory_space<semaphore_mem>>) src(%dma_wait3A_224 : memref<20480x16xf32, #tpu.memory_space<hbm>>) dst(%arg13 : memref<128x16xf32, #tpu.memory_space<vmem>>)
      "tpu.region"() ({
        %run_scoped3A_241 = tpu.sem_alloc : memref<!tpu.dma_semaphore, #tpu.memory_space<semaphore_mem>>
        %dma_start3A_242 = arith.constant 0 : i32
        %dma_start3A_243 = tpu.memref_slice %arg11[%add3A_210, %dma_start3A_242] : memref<160x128xi32, #tpu.memory_space<vmem>> -> memref<1x128xi32, #tpu.memory_space<vmem>>
        %dma_start3A_244 = tpu.memref_squeeze %dma_start3A_243 : memref<1x128xi32, #tpu.memory_space<vmem>> -> memref<128xi32, #tpu.memory_space<vmem>>
        %dma_start3A_245 = arith.constant 0 : i32
        %dma_start3A_246 = arith.constant 0 : i32
        %dma_start3A_247 = tpu.memref_slice %arg9[%dma_start3A_245, %dma_start3A_246] : memref<10240x16xf32, #tpu.memory_space<vmem_shared>> -> memref<10240x16xf32, #tpu.memory_space<vmem_shared>>
        tpu.enqueue_indirect_dma source(%arg13 : memref<128x16xf32, #tpu.memory_space<vmem>>) target(%dma_start3A_247 : memref<10240x16xf32, #tpu.memory_space<vmem_shared>>) offsets(%dma_start3A_244 : memref<128xi32, #tpu.memory_space<vmem>>) semaphore(%run_scoped3A_241 : memref<!tpu.dma_semaphore, #tpu.memory_space<semaphore_mem>>) {add = true}
        %dma_wait3A_248 = arith.constant 0 : i32
        %dma_wait3A_249 = tpu.memref_slice %arg11[%add3A_210, %dma_wait3A_248] : memref<160x128xi32, #tpu.memory_space<vmem>> -> memref<1x128xi32, #tpu.memory_space<vmem>>
        %dma_wait3A_250 = tpu.memref_squeeze %dma_wait3A_249 : memref<1x128xi32, #tpu.memory_space<vmem>> -> memref<128xi32, #tpu.memory_space<vmem>>
        %dma_wait3A_251 = arith.constant 0 : i32
        %dma_wait3A_252 = arith.constant 0 : i32
        %dma_wait3A_253 = tpu.memref_slice %arg9[%dma_wait3A_251, %dma_wait3A_252] : memref<10240x16xf32, #tpu.memory_space<vmem_shared>> -> memref<10240x16xf32, #tpu.memory_space<vmem_shared>>
        tpu.wait_indirect_dma semaphore(%run_scoped3A_241 : memref<!tpu.dma_semaphore, #tpu.memory_space<semaphore_mem>>) src(%arg13 : memref<128x16xf32, #tpu.memory_space<vmem>>) dst(%dma_wait3A_253 : memref<10240x16xf32, #tpu.memory_space<vmem_shared>>)
        tpu.yield
      }) : () -> ()
      %add3A_225 = arith.constant 2 : i32
      %add3A_226 = arith.addi %add3A_210, %add3A_225 : i32
      %dma_start3A_227 = arith.constant 0 : i32
      %dma_start3A_228 = tpu.memref_slice %arg10[%add3A_226, %dma_start3A_227] : memref<160x128xi32, #tpu.memory_space<vmem>> -> memref<1x128xi32, #tpu.memory_space<vmem>>
      %dma_start3A_229 = tpu.memref_squeeze %dma_start3A_228 : memref<1x128xi32, #tpu.memory_space<vmem>> -> memref<128xi32, #tpu.memory_space<vmem>>
      %dma_start3A_230 = arith.constant 0 : i32
      %dma_start3A_231 = arith.constant 0 : i32
      %dma_start3A_232 = tpu.memref_slice %arg2[%dma_start3A_230, %dma_start3A_231] : memref<20480x16xf32, #tpu.memory_space<hbm>> -> memref<20480x16xf32, #tpu.memory_space<hbm>>
      tpu.enqueue_indirect_dma source(%dma_start3A_232 : memref<20480x16xf32, #tpu.memory_space<hbm>>) target(%arg13 : memref<128x16xf32, #tpu.memory_space<vmem>>) offsets(%dma_start3A_229 : memref<128xi32, #tpu.memory_space<vmem>>) semaphore(%arg19 : memref<!tpu.dma_semaphore, #tpu.memory_space<semaphore_mem>>)
      %add3A_233 = arith.constant 1 : i32
      %add3A_234 = arith.addi %add3A_210, %add3A_233 : i32
      %dma_wait3A_235 = arith.constant 0 : i32
      %dma_wait3A_236 = tpu.memref_slice %arg10[%add3A_234, %dma_wait3A_235] : memref<160x128xi32, #tpu.memory_space<vmem>> -> memref<1x128xi32, #tpu.memory_space<vmem>>
      %dma_wait3A_237 = tpu.memref_squeeze %dma_wait3A_236 : memref<1x128xi32, #tpu.memory_space<vmem>> -> memref<128xi32, #tpu.memory_space<vmem>>
      %dma_wait3A_238 = arith.constant 0 : i32
      %dma_wait3A_239 = arith.constant 0 : i32
      %dma_wait3A_240 = tpu.memref_slice %arg2[%dma_wait3A_238, %dma_wait3A_239] : memref<20480x16xf32, #tpu.memory_space<hbm>> -> memref<20480x16xf32, #tpu.memory_space<hbm>>
      tpu.wait_indirect_dma semaphore(%arg20 : memref<!tpu.dma_semaphore, #tpu.memory_space<semaphore_mem>>) src(%dma_wait3A_240 : memref<20480x16xf32, #tpu.memory_space<hbm>>) dst(%arg14 : memref<128x16xf32, #tpu.memory_space<vmem>>)
      "tpu.region"() ({
        %run_scoped3A_241 = tpu.sem_alloc : memref<!tpu.dma_semaphore, #tpu.memory_space<semaphore_mem>>
        %dma_start3A_242 = arith.constant 0 : i32
        %dma_start3A_243 = tpu.memref_slice %arg11[%add3A_234, %dma_start3A_242] : memref<160x128xi32, #tpu.memory_space<vmem>> -> memref<1x128xi32, #tpu.memory_space<vmem>>
        %dma_start3A_244 = tpu.memref_squeeze %dma_start3A_243 : memref<1x128xi32, #tpu.memory_space<vmem>> -> memref<128xi32, #tpu.memory_space<vmem>>
        %dma_start3A_245 = arith.constant 0 : i32
        %dma_start3A_246 = arith.constant 0 : i32
        %dma_start3A_247 = tpu.memref_slice %arg9[%dma_start3A_245, %dma_start3A_246] : memref<10240x16xf32, #tpu.memory_space<vmem_shared>> -> memref<10240x16xf32, #tpu.memory_space<vmem_shared>>
        tpu.enqueue_indirect_dma source(%arg14 : memref<128x16xf32, #tpu.memory_space<vmem>>) target(%dma_start3A_247 : memref<10240x16xf32, #tpu.memory_space<vmem_shared>>) offsets(%dma_start3A_244 : memref<128xi32, #tpu.memory_space<vmem>>) semaphore(%run_scoped3A_241 : memref<!tpu.dma_semaphore, #tpu.memory_space<semaphore_mem>>) {add = true}
        %dma_wait3A_248 = arith.constant 0 : i32
        %dma_wait3A_249 = tpu.memref_slice %arg11[%add3A_234, %dma_wait3A_248] : memref<160x128xi32, #tpu.memory_space<vmem>> -> memref<1x128xi32, #tpu.memory_space<vmem>>
        %dma_wait3A_250 = tpu.memref_squeeze %dma_wait3A_249 : memref<1x128xi32, #tpu.memory_space<vmem>> -> memref<128xi32, #tpu.memory_space<vmem>>
        %dma_wait3A_251 = arith.constant 0 : i32
        %dma_wait3A_252 = arith.constant 0 : i32
        %dma_wait3A_253 = tpu.memref_slice %arg9[%dma_wait3A_251, %dma_wait3A_252] : memref<10240x16xf32, #tpu.memory_space<vmem_shared>> -> memref<10240x16xf32, #tpu.memory_space<vmem_shared>>
        tpu.wait_indirect_dma semaphore(%run_scoped3A_241 : memref<!tpu.dma_semaphore, #tpu.memory_space<semaphore_mem>>) src(%arg14 : memref<128x16xf32, #tpu.memory_space<vmem>>) dst(%dma_wait3A_253 : memref<10240x16xf32, #tpu.memory_space<vmem_shared>>)
        tpu.yield
      }) : () -> ()
    }
    %scan3A_40 = arith.constant 79 : i32
    %dma_start3A_41 = arith.constant 159 : i32
    %dma_start3A_42 = arith.constant 0 : i32
    %dma_start3A_43 = tpu.memref_slice %arg10[%dma_start3A_41, %dma_start3A_42] : memref<160x128xi32, #tpu.memory_space<vmem>> -> memref<1x128xi32, #tpu.memory_space<vmem>>
    %dma_start3A_44 = tpu.memref_squeeze %dma_start3A_43 : memref<1x128xi32, #tpu.memory_space<vmem>> -> memref<128xi32, #tpu.memory_space<vmem>>
    %dma_start3A_45 = arith.constant 0 : i32
    %dma_start3A_46 = arith.constant 0 : i32
    %dma_start3A_47 = tpu.memref_slice %arg2[%dma_start3A_45, %dma_start3A_46] : memref<20480x16xf32, #tpu.memory_space<hbm>> -> memref<20480x16xf32, #tpu.memory_space<hbm>>
    tpu.enqueue_indirect_dma source(%dma_start3A_47 : memref<20480x16xf32, #tpu.memory_space<hbm>>) target(%arg14 : memref<128x16xf32, #tpu.memory_space<vmem>>) offsets(%dma_start3A_44 : memref<128xi32, #tpu.memory_space<vmem>>) semaphore(%arg20 : memref<!tpu.dma_semaphore, #tpu.memory_space<semaphore_mem>>)
    %dma_wait3A = arith.constant 158 : i32
    %dma_wait3A_48 = arith.constant 0 : i32
    %dma_wait3A_49 = tpu.memref_slice %arg10[%dma_wait3A, %dma_wait3A_48] : memref<160x128xi32, #tpu.memory_space<vmem>> -> memref<1x128xi32, #tpu.memory_space<vmem>>
    %dma_wait3A_50 = tpu.memref_squeeze %dma_wait3A_49 : memref<1x128xi32, #tpu.memory_space<vmem>> -> memref<128xi32, #tpu.memory_space<vmem>>
    %dma_wait3A_51 = arith.constant 0 : i32
    %dma_wait3A_52 = arith.constant 0 : i32
    %dma_wait3A_53 = tpu.memref_slice %arg2[%dma_wait3A_51, %dma_wait3A_52] : memref<20480x16xf32, #tpu.memory_space<hbm>> -> memref<20480x16xf32, #tpu.memory_space<hbm>>
    tpu.wait_indirect_dma semaphore(%arg19 : memref<!tpu.dma_semaphore, #tpu.memory_space<semaphore_mem>>) src(%dma_wait3A_53 : memref<20480x16xf32, #tpu.memory_space<hbm>>) dst(%arg13 : memref<128x16xf32, #tpu.memory_space<vmem>>)
    %run_scoped3A = arith.constant 158 : i32
    "tpu.region"() ({
      %run_scoped3A_206 = tpu.sem_alloc : memref<!tpu.dma_semaphore, #tpu.memory_space<semaphore_mem>>
      %dma_start3A_207 = arith.constant 0 : i32
      %dma_start3A_208 = tpu.memref_slice %arg11[%run_scoped3A, %dma_start3A_207] : memref<160x128xi32, #tpu.memory_space<vmem>> -> memref<1x128xi32, #tpu.memory_space<vmem>>
      %dma_start3A_209 = tpu.memref_squeeze %dma_start3A_208 : memref<1x128xi32, #tpu.memory_space<vmem>> -> memref<128xi32, #tpu.memory_space<vmem>>
      %dma_start3A_210 = arith.constant 0 : i32
      %dma_start3A_211 = arith.constant 0 : i32
      %dma_start3A_212 = tpu.memref_slice %arg9[%dma_start3A_210, %dma_start3A_211] : memref<10240x16xf32, #tpu.memory_space<vmem_shared>> -> memref<10240x16xf32, #tpu.memory_space<vmem_shared>>
      tpu.enqueue_indirect_dma source(%arg13 : memref<128x16xf32, #tpu.memory_space<vmem>>) target(%dma_start3A_212 : memref<10240x16xf32, #tpu.memory_space<vmem_shared>>) offsets(%dma_start3A_209 : memref<128xi32, #tpu.memory_space<vmem>>) semaphore(%run_scoped3A_206 : memref<!tpu.dma_semaphore, #tpu.memory_space<semaphore_mem>>) {add = true}
      %dma_wait3A_213 = arith.constant 0 : i32
      %dma_wait3A_214 = tpu.memref_slice %arg11[%run_scoped3A, %dma_wait3A_213] : memref<160x128xi32, #tpu.memory_space<vmem>> -> memref<1x128xi32, #tpu.memory_space<vmem>>
      %dma_wait3A_215 = tpu.memref_squeeze %dma_wait3A_214 : memref<1x128xi32, #tpu.memory_space<vmem>> -> memref<128xi32, #tpu.memory_space<vmem>>
      %dma_wait3A_216 = arith.constant 0 : i32
      %dma_wait3A_217 = arith.constant 0 : i32
      %dma_wait3A_218 = tpu.memref_slice %arg9[%dma_wait3A_216, %dma_wait3A_217] : memref<10240x16xf32, #tpu.memory_space<vmem_shared>> -> memref<10240x16xf32, #tpu.memory_space<vmem_shared>>
      tpu.wait_indirect_dma semaphore(%run_scoped3A_206 : memref<!tpu.dma_semaphore, #tpu.memory_space<semaphore_mem>>) src(%arg13 : memref<128x16xf32, #tpu.memory_space<vmem>>) dst(%dma_wait3A_218 : memref<10240x16xf32, #tpu.memory_space<vmem_shared>>)
      tpu.yield
    }) : () -> ()
    %dma_wait3A_54 = arith.constant 159 : i32
    %dma_wait3A_55 = arith.constant 0 : i32
    %dma_wait3A_56 = tpu.memref_slice %arg10[%dma_wait3A_54, %dma_wait3A_55] : memref<160x128xi32, #tpu.memory_space<vmem>> -> memref<1x128xi32, #tpu.memory_space<vmem>>
    %dma_wait3A_57 = tpu.memref_squeeze %dma_wait3A_56 : memref<1x128xi32, #tpu.memory_space<vmem>> -> memref<128xi32, #tpu.memory_space<vmem>>
    %dma_wait3A_58 = arith.constant 0 : i32
    %dma_wait3A_59 = arith.constant 0 : i32
    %dma_wait3A_60 = tpu.memref_slice %arg2[%dma_wait3A_58, %dma_wait3A_59] : memref<20480x16xf32, #tpu.memory_space<hbm>> -> memref<20480x16xf32, #tpu.memory_space<hbm>>
    tpu.wait_indirect_dma semaphore(%arg20 : memref<!tpu.dma_semaphore, #tpu.memory_space<semaphore_mem>>) src(%dma_wait3A_60 : memref<20480x16xf32, #tpu.memory_space<hbm>>) dst(%arg14 : memref<128x16xf32, #tpu.memory_space<vmem>>)
    %run_scoped3A_61 = arith.constant 159 : i32
    "tpu.region"() ({
      %run_scoped3A_206 = tpu.sem_alloc : memref<!tpu.dma_semaphore, #tpu.memory_space<semaphore_mem>>
      %dma_start3A_207 = arith.constant 0 : i32
      %dma_start3A_208 = tpu.memref_slice %arg11[%run_scoped3A_61, %dma_start3A_207] : memref<160x128xi32, #tpu.memory_space<vmem>> -> memref<1x128xi32, #tpu.memory_space<vmem>>
      %dma_start3A_209 = tpu.memref_squeeze %dma_start3A_208 : memref<1x128xi32, #tpu.memory_space<vmem>> -> memref<128xi32, #tpu.memory_space<vmem>>
      %dma_start3A_210 = arith.constant 0 : i32
      %dma_start3A_211 = arith.constant 0 : i32
      %dma_start3A_212 = tpu.memref_slice %arg9[%dma_start3A_210, %dma_start3A_211] : memref<10240x16xf32, #tpu.memory_space<vmem_shared>> -> memref<10240x16xf32, #tpu.memory_space<vmem_shared>>
      tpu.enqueue_indirect_dma source(%arg14 : memref<128x16xf32, #tpu.memory_space<vmem>>) target(%dma_start3A_212 : memref<10240x16xf32, #tpu.memory_space<vmem_shared>>) offsets(%dma_start3A_209 : memref<128xi32, #tpu.memory_space<vmem>>) semaphore(%run_scoped3A_206 : memref<!tpu.dma_semaphore, #tpu.memory_space<semaphore_mem>>) {add = true}
      %dma_wait3A_213 = arith.constant 0 : i32
      %dma_wait3A_214 = tpu.memref_slice %arg11[%run_scoped3A_61, %dma_wait3A_213] : memref<160x128xi32, #tpu.memory_space<vmem>> -> memref<1x128xi32, #tpu.memory_space<vmem>>
      %dma_wait3A_215 = tpu.memref_squeeze %dma_wait3A_214 : memref<1x128xi32, #tpu.memory_space<vmem>> -> memref<128xi32, #tpu.memory_space<vmem>>
      %dma_wait3A_216 = arith.constant 0 : i32
      %dma_wait3A_217 = arith.constant 0 : i32
      %dma_wait3A_218 = tpu.memref_slice %arg9[%dma_wait3A_216, %dma_wait3A_217] : memref<10240x16xf32, #tpu.memory_space<vmem_shared>> -> memref<10240x16xf32, #tpu.memory_space<vmem_shared>>
      tpu.wait_indirect_dma semaphore(%run_scoped3A_206 : memref<!tpu.dma_semaphore, #tpu.memory_space<semaphore_mem>>) src(%arg14 : memref<128x16xf32, #tpu.memory_space<vmem>>) dst(%dma_wait3A_218 : memref<10240x16xf32, #tpu.memory_space<vmem_shared>>)
      tpu.yield
    }) : () -> ()
    %barrier3A_62 = arith.constant 0 : index
    tpu.barrier barrier_id(%barrier3A_62)
    %mul3A_63 = arith.constant 640 : i32
    %mul3A_64 = arith.muli %arg1, %mul3A_63 : i32
    %add3A_65 = arith.constant 0 : i32
    %add3A_66 = arith.addi %mul3A_64, %add3A_65 : i32
    "tpu.region"() ({
      %run_scoped3A_206 = tpu.sem_alloc : memref<!tpu.dma_semaphore, #tpu.memory_space<semaphore_mem>>
      %dma_start3A_207 = arith.constant 0 : i32
      %dma_start3A_208 = tpu.memref_slice %arg9[%add3A_66, %dma_start3A_207] : memref<10240x16xf32, #tpu.memory_space<vmem_shared>> -> memref<128x16xf32, #tpu.memory_space<vmem_shared>>
      %dma_start3A_209 = arith.constant 0 : i32
      %dma_start3A_210 = tpu.memref_slice %arg9[%add3A_66, %dma_start3A_209] : memref<10240x16xf32, #tpu.memory_space<vmem_shared>> -> memref<128x16xf32, #tpu.memory_space<vmem_shared>>
      tpu.enqueue_dma source(%dma_start3A_210 : memref<128x16xf32, #tpu.memory_space<vmem_shared>>) target(%arg13 : memref<128x16xf32, #tpu.memory_space<vmem>>) target_semaphore(%run_scoped3A_206 : memref<!tpu.dma_semaphore, #tpu.memory_space<semaphore_mem>>)
      %dma_wait3A_211 = arith.constant 0 : i32
      %dma_wait3A_212 = tpu.memref_slice %arg9[%add3A_66, %dma_wait3A_211] : memref<10240x16xf32, #tpu.memory_space<vmem_shared>> -> memref<128x16xf32, #tpu.memory_space<vmem_shared>>
      %dma_wait3A_213 = arith.constant 0 : i32
      %dma_wait3A_214 = tpu.memref_slice %arg9[%add3A_66, %dma_wait3A_213] : memref<10240x16xf32, #tpu.memory_space<vmem_shared>> -> memref<128x16xf32, #tpu.memory_space<vmem_shared>>
      tpu.wait_dma2 semaphore(%run_scoped3A_206 : memref<!tpu.dma_semaphore, #tpu.memory_space<semaphore_mem>>) src(%dma_wait3A_214 : memref<128x16xf32, #tpu.memory_space<vmem_shared>>) dst(%arg13 : memref<128x16xf32, #tpu.memory_space<vmem>>)
      tpu.yield
    }) : () -> ()
    %mul3A_67 = arith.constant 10240 : i32
    %mul3A_68 = arith.muli %arg0, %mul3A_67 : i32
    %add3A_69 = arith.addi %mul3A_68, %add3A_66 : i32
    "tpu.region"() ({
      %run_scoped3A_206 = tpu.sem_alloc : memref<!tpu.dma_semaphore, #tpu.memory_space<semaphore_mem>>
      %dma_start3A_207 = arith.constant 0 : i32
      %dma_start3A_208 = tpu.memref_slice %arg3[%add3A_69, %dma_start3A_207] : memref<20480x16xf32, #tpu.memory_space<hbm>> -> memref<128x16xf32, #tpu.memory_space<hbm>>
      %dma_start3A_209 = arith.constant 0 : i32
      %dma_start3A_210 = tpu.memref_slice %arg3[%add3A_69, %dma_start3A_209] : memref<20480x16xf32, #tpu.memory_space<hbm>> -> memref<128x16xf32, #tpu.memory_space<hbm>>
      tpu.enqueue_dma source(%dma_start3A_210 : memref<128x16xf32, #tpu.memory_space<hbm>>) target(%arg17 : memref<128x16xf32, #tpu.memory_space<vmem>>) target_semaphore(%run_scoped3A_206 : memref<!tpu.dma_semaphore, #tpu.memory_space<semaphore_mem>>)
      %dma_wait3A_211 = arith.constant 0 : i32
      %dma_wait3A_212 = tpu.memref_slice %arg3[%add3A_69, %dma_wait3A_211] : memref<20480x16xf32, #tpu.memory_space<hbm>> -> memref<128x16xf32, #tpu.memory_space<hbm>>
      %dma_wait3A_213 = arith.constant 0 : i32
      %dma_wait3A_214 = tpu.memref_slice %arg3[%add3A_69, %dma_wait3A_213] : memref<20480x16xf32, #tpu.memory_space<hbm>> -> memref<128x16xf32, #tpu.memory_space<hbm>>
      tpu.wait_dma2 semaphore(%run_scoped3A_206 : memref<!tpu.dma_semaphore, #tpu.memory_space<semaphore_mem>>) src(%dma_wait3A_214 : memref<128x16xf32, #tpu.memory_space<hbm>>) dst(%arg17 : memref<128x16xf32, #tpu.memory_space<vmem>>)
      tpu.yield
    }) : () -> ()
    "tpu.region"() ({
      %run_scoped3A_206 = tpu.sem_alloc : memref<!tpu.dma_semaphore, #tpu.memory_space<semaphore_mem>>
      %dma_start3A_207 = arith.constant 0 : i32
      %dma_start3A_208 = tpu.memref_slice %arg4[%add3A_66, %dma_start3A_207] : memref<10240x16xf32, #tpu.memory_space<hbm>> -> memref<128x16xf32, #tpu.memory_space<hbm>>
      %dma_start3A_209 = arith.constant 0 : i32
      %dma_start3A_210 = tpu.memref_slice %arg4[%add3A_66, %dma_start3A_209] : memref<10240x16xf32, #tpu.memory_space<hbm>> -> memref<128x16xf32, #tpu.memory_space<hbm>>
      tpu.enqueue_dma source(%dma_start3A_210 : memref<128x16xf32, #tpu.memory_space<hbm>>) target(%arg18 : memref<128x16xf32, #tpu.memory_space<vmem>>) target_semaphore(%run_scoped3A_206 : memref<!tpu.dma_semaphore, #tpu.memory_space<semaphore_mem>>)
      %dma_wait3A_211 = arith.constant 0 : i32
      %dma_wait3A_212 = tpu.memref_slice %arg4[%add3A_66, %dma_wait3A_211] : memref<10240x16xf32, #tpu.memory_space<hbm>> -> memref<128x16xf32, #tpu.memory_space<hbm>>
      %dma_wait3A_213 = arith.constant 0 : i32
      %dma_wait3A_214 = tpu.memref_slice %arg4[%add3A_66, %dma_wait3A_213] : memref<10240x16xf32, #tpu.memory_space<hbm>> -> memref<128x16xf32, #tpu.memory_space<hbm>>
      tpu.wait_dma2 semaphore(%run_scoped3A_206 : memref<!tpu.dma_semaphore, #tpu.memory_space<semaphore_mem>>) src(%dma_wait3A_214 : memref<128x16xf32, #tpu.memory_space<hbm>>) dst(%arg18 : memref<128x16xf32, #tpu.memory_space<vmem>>)
      tpu.yield
    }) : () -> ()
    %scan3A_70 = arith.constant 0 : i32
    %scan3A_71 = arith.constant 0 : i32
    %scan3A_72 = arith.constant 128 : i32
    %scan3A_73 = arith.addi %scan3A_71, %scan3A_72 : i32
    %scan3A_74 = arith.constant 1 : i32
    scf.for %scan3A_206 = %scan3A_71 to %scan3A_73 step %scan3A_74  : i32 {
      %get3A = arith.index_cast %scan3A_206 : i32 to index
      %get3A_207 = arith.constant 0 : index
      %get3A_208 = tpu.vector_load %arg13[%get3A, %get3A_207] {strides = array<i32>} : memref<128x16xf32, #tpu.memory_space<vmem>>, vector<1x16xf32>,
      %get3A_209 = vector.shape_cast %get3A_208 : vector<1x16xf32> to vector<16xf32>
      %get3A_210 = arith.index_cast %scan3A_206 : i32 to index
      %get3A_211 = arith.constant 0 : index
      %get3A_212 = tpu.vector_load %arg18[%get3A_210, %get3A_211] {strides = array<i32>} : memref<128x16xf32, #tpu.memory_space<vmem>>, vector<1x16xf32>,
      %get3A_213 = vector.shape_cast %get3A_212 : vector<1x16xf32> to vector<16xf32>
      %mul3A_214 = arith.mulf %get3A_209, %get3A_213 : vector<16xf32>
      %get3A_215 = arith.index_cast %scan3A_206 : i32 to index
      %get3A_216 = arith.constant 0 : index
      %get3A_217 = tpu.vector_load %arg17[%get3A_215, %get3A_216] {strides = array<i32>} : memref<128x16xf32, #tpu.memory_space<vmem>>, vector<1x16xf32>,
      %get3A_218 = vector.shape_cast %get3A_217 : vector<1x16xf32> to vector<16xf32>
      %add3A_219 = arith.addf %mul3A_214, %get3A_218 : vector<16xf32>
      %swap3A = arith.index_cast %scan3A_206 : i32 to index
      %swap3A_220 = arith.constant 0 : index
      %swap3A_221 = tpu.vector_load %arg15[%swap3A, %swap3A_220] {strides = array<i32>} : memref<128x16xf32, #tpu.memory_space<vmem>>, vector<1x16xf32>,
      %swap3A_222 = vector.shape_cast %swap3A_221 : vector<1x16xf32> to vector<16xf32>
      %swap3A_223 = vector.shape_cast %add3A_219 : vector<16xf32> to vector<1x16xf32>
      tpu.vector_store %arg15[%swap3A, %swap3A_220], %swap3A_223 {strides = array<i32>} : memref<128x16xf32, #tpu.memory_space<vmem>>, vector<1x16xf32>,
    }
    %scan3A_75 = arith.constant 128 : i32
    "tpu.region"() ({
      %run_scoped3A_206 = tpu.sem_alloc : memref<!tpu.dma_semaphore, #tpu.memory_space<semaphore_mem>>
      %dma_start3A_207 = arith.constant 0 : i32
      %dma_start3A_208 = tpu.memref_slice %arg9[%add3A_66, %dma_start3A_207] : memref<10240x16xf32, #tpu.memory_space<vmem_shared>> -> memref<128x16xf32, #tpu.memory_space<vmem_shared>>
      %dma_start3A_209 = arith.constant 0 : i32
      %dma_start3A_210 = tpu.memref_slice %arg9[%add3A_66, %dma_start3A_209] : memref<10240x16xf32, #tpu.memory_space<vmem_shared>> -> memref<128x16xf32, #tpu.memory_space<vmem_shared>>
      tpu.enqueue_dma source(%arg15 : memref<128x16xf32, #tpu.memory_space<vmem>>) target(%dma_start3A_210 : memref<128x16xf32, #tpu.memory_space<vmem_shared>>) target_semaphore(%run_scoped3A_206 : memref<!tpu.dma_semaphore, #tpu.memory_space<semaphore_mem>>)
      %dma_wait3A_211 = arith.constant 0 : i32
      %dma_wait3A_212 = tpu.memref_slice %arg9[%add3A_66, %dma_wait3A_211] : memref<10240x16xf32, #tpu.memory_space<vmem_shared>> -> memref<128x16xf32, #tpu.memory_space<vmem_shared>>
      %dma_wait3A_213 = arith.constant 0 : i32
      %dma_wait3A_214 = tpu.memref_slice %arg9[%add3A_66, %dma_wait3A_213] : memref<10240x16xf32, #tpu.memory_space<vmem_shared>> -> memref<128x16xf32, #tpu.memory_space<vmem_shared>>
      tpu.wait_dma2 semaphore(%run_scoped3A_206 : memref<!tpu.dma_semaphore, #tpu.memory_space<semaphore_mem>>) src(%arg15 : memref<128x16xf32, #tpu.memory_space<vmem>>) dst(%dma_wait3A_214 : memref<128x16xf32, #tpu.memory_space<vmem_shared>>)
      tpu.yield
    }) : () -> ()
    %mul3A_76 = arith.constant 640 : i32
    %mul3A_77 = arith.muli %arg1, %mul3A_76 : i32
    %add3A_78 = arith.constant 128 : i32
    %add3A_79 = arith.addi %mul3A_77, %add3A_78 : i32
    "tpu.region"() ({
      %run_scoped3A_206 = tpu.sem_alloc : memref<!tpu.dma_semaphore, #tpu.memory_space<semaphore_mem>>
      %dma_start3A_207 = arith.constant 0 : i32
      %dma_start3A_208 = tpu.memref_slice %arg9[%add3A_79, %dma_start3A_207] : memref<10240x16xf32, #tpu.memory_space<vmem_shared>> -> memref<128x16xf32, #tpu.memory_space<vmem_shared>>
      %dma_start3A_209 = arith.constant 0 : i32
      %dma_start3A_210 = tpu.memref_slice %arg9[%add3A_79, %dma_start3A_209] : memref<10240x16xf32, #tpu.memory_space<vmem_shared>> -> memref<128x16xf32, #tpu.memory_space<vmem_shared>>
      tpu.enqueue_dma source(%dma_start3A_210 : memref<128x16xf32, #tpu.memory_space<vmem_shared>>) target(%arg13 : memref<128x16xf32, #tpu.memory_space<vmem>>) target_semaphore(%run_scoped3A_206 : memref<!tpu.dma_semaphore, #tpu.memory_space<semaphore_mem>>)
      %dma_wait3A_211 = arith.constant 0 : i32
      %dma_wait3A_212 = tpu.memref_slice %arg9[%add3A_79, %dma_wait3A_211] : memref<10240x16xf32, #tpu.memory_space<vmem_shared>> -> memref<128x16xf32, #tpu.memory_space<vmem_shared>>
      %dma_wait3A_213 = arith.constant 0 : i32
      %dma_wait3A_214 = tpu.memref_slice %arg9[%add3A_79, %dma_wait3A_213] : memref<10240x16xf32, #tpu.memory_space<vmem_shared>> -> memref<128x16xf32, #tpu.memory_space<vmem_shared>>
      tpu.wait_dma2 semaphore(%run_scoped3A_206 : memref<!tpu.dma_semaphore, #tpu.memory_space<semaphore_mem>>) src(%dma_wait3A_214 : memref<128x16xf32, #tpu.memory_space<vmem_shared>>) dst(%arg13 : memref<128x16xf32, #tpu.memory_space<vmem>>)
      tpu.yield
    }) : () -> ()
    %mul3A_80 = arith.constant 10240 : i32
    %mul3A_81 = arith.muli %arg0, %mul3A_80 : i32
    %add3A_82 = arith.addi %mul3A_81, %add3A_79 : i32
    "tpu.region"() ({
      %run_scoped3A_206 = tpu.sem_alloc : memref<!tpu.dma_semaphore, #tpu.memory_space<semaphore_mem>>
      %dma_start3A_207 = arith.constant 0 : i32
      %dma_start3A_208 = tpu.memref_slice %arg3[%add3A_82, %dma_start3A_207] : memref<20480x16xf32, #tpu.memory_space<hbm>> -> memref<128x16xf32, #tpu.memory_space<hbm>>
      %dma_start3A_209 = arith.constant 0 : i32
      %dma_start3A_210 = tpu.memref_slice %arg3[%add3A_82, %dma_start3A_209] : memref<20480x16xf32, #tpu.memory_space<hbm>> -> memref<128x16xf32, #tpu.memory_space<hbm>>
      tpu.enqueue_dma source(%dma_start3A_210 : memref<128x16xf32, #tpu.memory_space<hbm>>) target(%arg17 : memref<128x16xf32, #tpu.memory_space<vmem>>) target_semaphore(%run_scoped3A_206 : memref<!tpu.dma_semaphore, #tpu.memory_space<semaphore_mem>>)
      %dma_wait3A_211 = arith.constant 0 : i32
      %dma_wait3A_212 = tpu.memref_slice %arg3[%add3A_82, %dma_wait3A_211] : memref<20480x16xf32, #tpu.memory_space<hbm>> -> memref<128x16xf32, #tpu.memory_space<hbm>>
      %dma_wait3A_213 = arith.constant 0 : i32
      %dma_wait3A_214 = tpu.memref_slice %arg3[%add3A_82, %dma_wait3A_213] : memref<20480x16xf32, #tpu.memory_space<hbm>> -> memref<128x16xf32, #tpu.memory_space<hbm>>
      tpu.wait_dma2 semaphore(%run_scoped3A_206 : memref<!tpu.dma_semaphore, #tpu.memory_space<semaphore_mem>>) src(%dma_wait3A_214 : memref<128x16xf32, #tpu.memory_space<hbm>>) dst(%arg17 : memref<128x16xf32, #tpu.memory_space<vmem>>)
      tpu.yield
    }) : () -> ()
    "tpu.region"() ({
      %run_scoped3A_206 = tpu.sem_alloc : memref<!tpu.dma_semaphore, #tpu.memory_space<semaphore_mem>>
      %dma_start3A_207 = arith.constant 0 : i32
      %dma_start3A_208 = tpu.memref_slice %arg4[%add3A_79, %dma_start3A_207] : memref<10240x16xf32, #tpu.memory_space<hbm>> -> memref<128x16xf32, #tpu.memory_space<hbm>>
      %dma_start3A_209 = arith.constant 0 : i32
      %dma_start3A_210 = tpu.memref_slice %arg4[%add3A_79, %dma_start3A_209] : memref<10240x16xf32, #tpu.memory_space<hbm>> -> memref<128x16xf32, #tpu.memory_space<hbm>>
      tpu.enqueue_dma source(%dma_start3A_210 : memref<128x16xf32, #tpu.memory_space<hbm>>) target(%arg18 : memref<128x16xf32, #tpu.memory_space<vmem>>) target_semaphore(%run_scoped3A_206 : memref<!tpu.dma_semaphore, #tpu.memory_space<semaphore_mem>>)
      %dma_wait3A_211 = arith.constant 0 : i32
      %dma_wait3A_212 = tpu.memref_slice %arg4[%add3A_79, %dma_wait3A_211] : memref<10240x16xf32, #tpu.memory_space<hbm>> -> memref<128x16xf32, #tpu.memory_space<hbm>>
      %dma_wait3A_213 = arith.constant 0 : i32
      %dma_wait3A_214 = tpu.memref_slice %arg4[%add3A_79, %dma_wait3A_213] : memref<10240x16xf32, #tpu.memory_space<hbm>> -> memref<128x16xf32, #tpu.memory_space<hbm>>
      tpu.wait_dma2 semaphore(%run_scoped3A_206 : memref<!tpu.dma_semaphore, #tpu.memory_space<semaphore_mem>>) src(%dma_wait3A_214 : memref<128x16xf32, #tpu.memory_space<hbm>>) dst(%arg18 : memref<128x16xf32, #tpu.memory_space<vmem>>)
      tpu.yield
    }) : () -> ()
    %scan3A_83 = arith.constant 0 : i32
    %scan3A_84 = arith.constant 0 : i32
    %scan3A_85 = arith.constant 128 : i32
    %scan3A_86 = arith.addi %scan3A_84, %scan3A_85 : i32
    %scan3A_87 = arith.constant 1 : i32
    scf.for %scan3A_206 = %scan3A_84 to %scan3A_86 step %scan3A_87  : i32 {
      %get3A = arith.index_cast %scan3A_206 : i32 to index
      %get3A_207 = arith.constant 0 : index
      %get3A_208 = tpu.vector_load %arg13[%get3A, %get3A_207] {strides = array<i32>} : memref<128x16xf32, #tpu.memory_space<vmem>>, vector<1x16xf32>,
      %get3A_209 = vector.shape_cast %get3A_208 : vector<1x16xf32> to vector<16xf32>
      %get3A_210 = arith.index_cast %scan3A_206 : i32 to index
      %get3A_211 = arith.constant 0 : index
      %get3A_212 = tpu.vector_load %arg18[%get3A_210, %get3A_211] {strides = array<i32>} : memref<128x16xf32, #tpu.memory_space<vmem>>, vector<1x16xf32>,
      %get3A_213 = vector.shape_cast %get3A_212 : vector<1x16xf32> to vector<16xf32>
      %mul3A_214 = arith.mulf %get3A_209, %get3A_213 : vector<16xf32>
      %get3A_215 = arith.index_cast %scan3A_206 : i32 to index
      %get3A_216 = arith.constant 0 : index
      %get3A_217 = tpu.vector_load %arg17[%get3A_215, %get3A_216] {strides = array<i32>} : memref<128x16xf32, #tpu.memory_space<vmem>>, vector<1x16xf32>,
      %get3A_218 = vector.shape_cast %get3A_217 : vector<1x16xf32> to vector<16xf32>
      %add3A_219 = arith.addf %mul3A_214, %get3A_218 : vector<16xf32>
      %swap3A = arith.index_cast %scan3A_206 : i32 to index
      %swap3A_220 = arith.constant 0 : index
      %swap3A_221 = tpu.vector_load %arg15[%swap3A, %swap3A_220] {strides = array<i32>} : memref<128x16xf32, #tpu.memory_space<vmem>>, vector<1x16xf32>,
      %swap3A_222 = vector.shape_cast %swap3A_221 : vector<1x16xf32> to vector<16xf32>
      %swap3A_223 = vector.shape_cast %add3A_219 : vector<16xf32> to vector<1x16xf32>
      tpu.vector_store %arg15[%swap3A, %swap3A_220], %swap3A_223 {strides = array<i32>} : memref<128x16xf32, #tpu.memory_space<vmem>>, vector<1x16xf32>,
    }
    %scan3A_88 = arith.constant 128 : i32
    "tpu.region"() ({
      %run_scoped3A_206 = tpu.sem_alloc : memref<!tpu.dma_semaphore, #tpu.memory_space<semaphore_mem>>
      %dma_start3A_207 = arith.constant 0 : i32
      %dma_start3A_208 = tpu.memref_slice %arg9[%add3A_79, %dma_start3A_207] : memref<10240x16xf32, #tpu.memory_space<vmem_shared>> -> memref<128x16xf32, #tpu.memory_space<vmem_shared>>
      %dma_start3A_209 = arith.constant 0 : i32
      %dma_start3A_210 = tpu.memref_slice %arg9[%add3A_79, %dma_start3A_209] : memref<10240x16xf32, #tpu.memory_space<vmem_shared>> -> memref<128x16xf32, #tpu.memory_space<vmem_shared>>
      tpu.enqueue_dma source(%arg15 : memref<128x16xf32, #tpu.memory_space<vmem>>) target(%dma_start3A_210 : memref<128x16xf32, #tpu.memory_space<vmem_shared>>) target_semaphore(%run_scoped3A_206 : memref<!tpu.dma_semaphore, #tpu.memory_space<semaphore_mem>>)
      %dma_wait3A_211 = arith.constant 0 : i32
      %dma_wait3A_212 = tpu.memref_slice %arg9[%add3A_79, %dma_wait3A_211] : memref<10240x16xf32, #tpu.memory_space<vmem_shared>> -> memref<128x16xf32, #tpu.memory_space<vmem_shared>>
      %dma_wait3A_213 = arith.constant 0 : i32
      %dma_wait3A_214 = tpu.memref_slice %arg9[%add3A_79, %dma_wait3A_213] : memref<10240x16xf32, #tpu.memory_space<vmem_shared>> -> memref<128x16xf32, #tpu.memory_space<vmem_shared>>
      tpu.wait_dma2 semaphore(%run_scoped3A_206 : memref<!tpu.dma_semaphore, #tpu.memory_space<semaphore_mem>>) src(%arg15 : memref<128x16xf32, #tpu.memory_space<vmem>>) dst(%dma_wait3A_214 : memref<128x16xf32, #tpu.memory_space<vmem_shared>>)
      tpu.yield
    }) : () -> ()
    %mul3A_89 = arith.constant 640 : i32
    %mul3A_90 = arith.muli %arg1, %mul3A_89 : i32
    %add3A_91 = arith.constant 256 : i32
    %add3A_92 = arith.addi %mul3A_90, %add3A_91 : i32
    "tpu.region"() ({
      %run_scoped3A_206 = tpu.sem_alloc : memref<!tpu.dma_semaphore, #tpu.memory_space<semaphore_mem>>
      %dma_start3A_207 = arith.constant 0 : i32
      %dma_start3A_208 = tpu.memref_slice %arg9[%add3A_92, %dma_start3A_207] : memref<10240x16xf32, #tpu.memory_space<vmem_shared>> -> memref<128x16xf32, #tpu.memory_space<vmem_shared>>
      %dma_start3A_209 = arith.constant 0 : i32
      %dma_start3A_210 = tpu.memref_slice %arg9[%add3A_92, %dma_start3A_209] : memref<10240x16xf32, #tpu.memory_space<vmem_shared>> -> memref<128x16xf32, #tpu.memory_space<vmem_shared>>
      tpu.enqueue_dma source(%dma_start3A_210 : memref<128x16xf32, #tpu.memory_space<vmem_shared>>) target(%arg13 : memref<128x16xf32, #tpu.memory_space<vmem>>) target_semaphore(%run_scoped3A_206 : memref<!tpu.dma_semaphore, #tpu.memory_space<semaphore_mem>>)
      %dma_wait3A_211 = arith.constant 0 : i32
      %dma_wait3A_212 = tpu.memref_slice %arg9[%add3A_92, %dma_wait3A_211] : memref<10240x16xf32, #tpu.memory_space<vmem_shared>> -> memref<128x16xf32, #tpu.memory_space<vmem_shared>>
      %dma_wait3A_213 = arith.constant 0 : i32
      %dma_wait3A_214 = tpu.memref_slice %arg9[%add3A_92, %dma_wait3A_213] : memref<10240x16xf32, #tpu.memory_space<vmem_shared>> -> memref<128x16xf32, #tpu.memory_space<vmem_shared>>
      tpu.wait_dma2 semaphore(%run_scoped3A_206 : memref<!tpu.dma_semaphore, #tpu.memory_space<semaphore_mem>>) src(%dma_wait3A_214 : memref<128x16xf32, #tpu.memory_space<vmem_shared>>) dst(%arg13 : memref<128x16xf32, #tpu.memory_space<vmem>>)
      tpu.yield
    }) : () -> ()
    %mul3A_93 = arith.constant 10240 : i32
    %mul3A_94 = arith.muli %arg0, %mul3A_93 : i32
    %add3A_95 = arith.addi %mul3A_94, %add3A_92 : i32
    "tpu.region"() ({
      %run_scoped3A_206 = tpu.sem_alloc : memref<!tpu.dma_semaphore, #tpu.memory_space<semaphore_mem>>
      %dma_start3A_207 = arith.constant 0 : i32
      %dma_start3A_208 = tpu.memref_slice %arg3[%add3A_95, %dma_start3A_207] : memref<20480x16xf32, #tpu.memory_space<hbm>> -> memref<128x16xf32, #tpu.memory_space<hbm>>
      %dma_start3A_209 = arith.constant 0 : i32
      %dma_start3A_210 = tpu.memref_slice %arg3[%add3A_95, %dma_start3A_209] : memref<20480x16xf32, #tpu.memory_space<hbm>> -> memref<128x16xf32, #tpu.memory_space<hbm>>
      tpu.enqueue_dma source(%dma_start3A_210 : memref<128x16xf32, #tpu.memory_space<hbm>>) target(%arg17 : memref<128x16xf32, #tpu.memory_space<vmem>>) target_semaphore(%run_scoped3A_206 : memref<!tpu.dma_semaphore, #tpu.memory_space<semaphore_mem>>)
      %dma_wait3A_211 = arith.constant 0 : i32
      %dma_wait3A_212 = tpu.memref_slice %arg3[%add3A_95, %dma_wait3A_211] : memref<20480x16xf32, #tpu.memory_space<hbm>> -> memref<128x16xf32, #tpu.memory_space<hbm>>
      %dma_wait3A_213 = arith.constant 0 : i32
      %dma_wait3A_214 = tpu.memref_slice %arg3[%add3A_95, %dma_wait3A_213] : memref<20480x16xf32, #tpu.memory_space<hbm>> -> memref<128x16xf32, #tpu.memory_space<hbm>>
      tpu.wait_dma2 semaphore(%run_scoped3A_206 : memref<!tpu.dma_semaphore, #tpu.memory_space<semaphore_mem>>) src(%dma_wait3A_214 : memref<128x16xf32, #tpu.memory_space<hbm>>) dst(%arg17 : memref<128x16xf32, #tpu.memory_space<vmem>>)
      tpu.yield
    }) : () -> ()
    "tpu.region"() ({
      %run_scoped3A_206 = tpu.sem_alloc : memref<!tpu.dma_semaphore, #tpu.memory_space<semaphore_mem>>
      %dma_start3A_207 = arith.constant 0 : i32
      %dma_start3A_208 = tpu.memref_slice %arg4[%add3A_92, %dma_start3A_207] : memref<10240x16xf32, #tpu.memory_space<hbm>> -> memref<128x16xf32, #tpu.memory_space<hbm>>
      %dma_start3A_209 = arith.constant 0 : i32
      %dma_start3A_210 = tpu.memref_slice %arg4[%add3A_92, %dma_start3A_209] : memref<10240x16xf32, #tpu.memory_space<hbm>> -> memref<128x16xf32, #tpu.memory_space<hbm>>
      tpu.enqueue_dma source(%dma_start3A_210 : memref<128x16xf32, #tpu.memory_space<hbm>>) target(%arg18 : memref<128x16xf32, #tpu.memory_space<vmem>>) target_semaphore(%run_scoped3A_206 : memref<!tpu.dma_semaphore, #tpu.memory_space<semaphore_mem>>)
      %dma_wait3A_211 = arith.constant 0 : i32
      %dma_wait3A_212 = tpu.memref_slice %arg4[%add3A_92, %dma_wait3A_211] : memref<10240x16xf32, #tpu.memory_space<hbm>> -> memref<128x16xf32, #tpu.memory_space<hbm>>
      %dma_wait3A_213 = arith.constant 0 : i32
      %dma_wait3A_214 = tpu.memref_slice %arg4[%add3A_92, %dma_wait3A_213] : memref<10240x16xf32, #tpu.memory_space<hbm>> -> memref<128x16xf32, #tpu.memory_space<hbm>>
      tpu.wait_dma2 semaphore(%run_scoped3A_206 : memref<!tpu.dma_semaphore, #tpu.memory_space<semaphore_mem>>) src(%dma_wait3A_214 : memref<128x16xf32, #tpu.memory_space<hbm>>) dst(%arg18 : memref<128x16xf32, #tpu.memory_space<vmem>>)
      tpu.yield
    }) : () -> ()
    %scan3A_96 = arith.constant 0 : i32
    %scan3A_97 = arith.constant 0 : i32
    %scan3A_98 = arith.constant 128 : i32
    %scan3A_99 = arith.addi %scan3A_97, %scan3A_98 : i32
    %scan3A_100 = arith.constant 1 : i32
    scf.for %scan3A_206 = %scan3A_97 to %scan3A_99 step %scan3A_100  : i32 {
      %get3A = arith.index_cast %scan3A_206 : i32 to index
      %get3A_207 = arith.constant 0 : index
      %get3A_208 = tpu.vector_load %arg13[%get3A, %get3A_207] {strides = array<i32>} : memref<128x16xf32, #tpu.memory_space<vmem>>, vector<1x16xf32>,
      %get3A_209 = vector.shape_cast %get3A_208 : vector<1x16xf32> to vector<16xf32>
      %get3A_210 = arith.index_cast %scan3A_206 : i32 to index
      %get3A_211 = arith.constant 0 : index
      %get3A_212 = tpu.vector_load %arg18[%get3A_210, %get3A_211] {strides = array<i32>} : memref<128x16xf32, #tpu.memory_space<vmem>>, vector<1x16xf32>,
      %get3A_213 = vector.shape_cast %get3A_212 : vector<1x16xf32> to vector<16xf32>
      %mul3A_214 = arith.mulf %get3A_209, %get3A_213 : vector<16xf32>
      %get3A_215 = arith.index_cast %scan3A_206 : i32 to index
      %get3A_216 = arith.constant 0 : index
      %get3A_217 = tpu.vector_load %arg17[%get3A_215, %get3A_216] {strides = array<i32>} : memref<128x16xf32, #tpu.memory_space<vmem>>, vector<1x16xf32>,
      %get3A_218 = vector.shape_cast %get3A_217 : vector<1x16xf32> to vector<16xf32>
      %add3A_219 = arith.addf %mul3A_214, %get3A_218 : vector<16xf32>
      %swap3A = arith.index_cast %scan3A_206 : i32 to index
      %swap3A_220 = arith.constant 0 : index
      %swap3A_221 = tpu.vector_load %arg15[%swap3A, %swap3A_220] {strides = array<i32>} : memref<128x16xf32, #tpu.memory_space<vmem>>, vector<1x16xf32>,
      %swap3A_222 = vector.shape_cast %swap3A_221 : vector<1x16xf32> to vector<16xf32>
      %swap3A_223 = vector.shape_cast %add3A_219 : vector<16xf32> to vector<1x16xf32>
      tpu.vector_store %arg15[%swap3A, %swap3A_220], %swap3A_223 {strides = array<i32>} : memref<128x16xf32, #tpu.memory_space<vmem>>, vector<1x16xf32>,
    }
    %scan3A_101 = arith.constant 128 : i32
    "tpu.region"() ({
      %run_scoped3A_206 = tpu.sem_alloc : memref<!tpu.dma_semaphore, #tpu.memory_space<semaphore_mem>>
      %dma_start3A_207 = arith.constant 0 : i32
      %dma_start3A_208 = tpu.memref_slice %arg9[%add3A_92, %dma_start3A_207] : memref<10240x16xf32, #tpu.memory_space<vmem_shared>> -> memref<128x16xf32, #tpu.memory_space<vmem_shared>>
      %dma_start3A_209 = arith.constant 0 : i32
      %dma_start3A_210 = tpu.memref_slice %arg9[%add3A_92, %dma_start3A_209] : memref<10240x16xf32, #tpu.memory_space<vmem_shared>> -> memref<128x16xf32, #tpu.memory_space<vmem_shared>>
      tpu.enqueue_dma source(%arg15 : memref<128x16xf32, #tpu.memory_space<vmem>>) target(%dma_start3A_210 : memref<128x16xf32, #tpu.memory_space<vmem_shared>>) target_semaphore(%run_scoped3A_206 : memref<!tpu.dma_semaphore, #tpu.memory_space<semaphore_mem>>)
      %dma_wait3A_211 = arith.constant 0 : i32
      %dma_wait3A_212 = tpu.memref_slice %arg9[%add3A_92, %dma_wait3A_211] : memref<10240x16xf32, #tpu.memory_space<vmem_shared>> -> memref<128x16xf32, #tpu.memory_space<vmem_shared>>
      %dma_wait3A_213 = arith.constant 0 : i32
      %dma_wait3A_214 = tpu.memref_slice %arg9[%add3A_92, %dma_wait3A_213] : memref<10240x16xf32, #tpu.memory_space<vmem_shared>> -> memref<128x16xf32, #tpu.memory_space<vmem_shared>>
      tpu.wait_dma2 semaphore(%run_scoped3A_206 : memref<!tpu.dma_semaphore, #tpu.memory_space<semaphore_mem>>) src(%arg15 : memref<128x16xf32, #tpu.memory_space<vmem>>) dst(%dma_wait3A_214 : memref<128x16xf32, #tpu.memory_space<vmem_shared>>)
      tpu.yield
    }) : () -> ()
    %mul3A_102 = arith.constant 640 : i32
    %mul3A_103 = arith.muli %arg1, %mul3A_102 : i32
    %add3A_104 = arith.constant 384 : i32
    %add3A_105 = arith.addi %mul3A_103, %add3A_104 : i32
    "tpu.region"() ({
      %run_scoped3A_206 = tpu.sem_alloc : memref<!tpu.dma_semaphore, #tpu.memory_space<semaphore_mem>>
      %dma_start3A_207 = arith.constant 0 : i32
      %dma_start3A_208 = tpu.memref_slice %arg9[%add3A_105, %dma_start3A_207] : memref<10240x16xf32, #tpu.memory_space<vmem_shared>> -> memref<128x16xf32, #tpu.memory_space<vmem_shared>>
      %dma_start3A_209 = arith.constant 0 : i32
      %dma_start3A_210 = tpu.memref_slice %arg9[%add3A_105, %dma_start3A_209] : memref<10240x16xf32, #tpu.memory_space<vmem_shared>> -> memref<128x16xf32, #tpu.memory_space<vmem_shared>>
      tpu.enqueue_dma source(%dma_start3A_210 : memref<128x16xf32, #tpu.memory_space<vmem_shared>>) target(%arg13 : memref<128x16xf32, #tpu.memory_space<vmem>>) target_semaphore(%run_scoped3A_206 : memref<!tpu.dma_semaphore, #tpu.memory_space<semaphore_mem>>)
      %dma_wait3A_211 = arith.constant 0 : i32
      %dma_wait3A_212 = tpu.memref_slice %arg9[%add3A_105, %dma_wait3A_211] : memref<10240x16xf32, #tpu.memory_space<vmem_shared>> -> memref<128x16xf32, #tpu.memory_space<vmem_shared>>
      %dma_wait3A_213 = arith.constant 0 : i32
      %dma_wait3A_214 = tpu.memref_slice %arg9[%add3A_105, %dma_wait3A_213] : memref<10240x16xf32, #tpu.memory_space<vmem_shared>> -> memref<128x16xf32, #tpu.memory_space<vmem_shared>>
      tpu.wait_dma2 semaphore(%run_scoped3A_206 : memref<!tpu.dma_semaphore, #tpu.memory_space<semaphore_mem>>) src(%dma_wait3A_214 : memref<128x16xf32, #tpu.memory_space<vmem_shared>>) dst(%arg13 : memref<128x16xf32, #tpu.memory_space<vmem>>)
      tpu.yield
    }) : () -> ()
    %mul3A_106 = arith.constant 10240 : i32
    %mul3A_107 = arith.muli %arg0, %mul3A_106 : i32
    %add3A_108 = arith.addi %mul3A_107, %add3A_105 : i32
    "tpu.region"() ({
      %run_scoped3A_206 = tpu.sem_alloc : memref<!tpu.dma_semaphore, #tpu.memory_space<semaphore_mem>>
      %dma_start3A_207 = arith.constant 0 : i32
      %dma_start3A_208 = tpu.memref_slice %arg3[%add3A_108, %dma_start3A_207] : memref<20480x16xf32, #tpu.memory_space<hbm>> -> memref<128x16xf32, #tpu.memory_space<hbm>>
      %dma_start3A_209 = arith.constant 0 : i32
      %dma_start3A_210 = tpu.memref_slice %arg3[%add3A_108, %dma_start3A_209] : memref<20480x16xf32, #tpu.memory_space<hbm>> -> memref<128x16xf32, #tpu.memory_space<hbm>>
      tpu.enqueue_dma source(%dma_start3A_210 : memref<128x16xf32, #tpu.memory_space<hbm>>) target(%arg17 : memref<128x16xf32, #tpu.memory_space<vmem>>) target_semaphore(%run_scoped3A_206 : memref<!tpu.dma_semaphore, #tpu.memory_space<semaphore_mem>>)
      %dma_wait3A_211 = arith.constant 0 : i32
      %dma_wait3A_212 = tpu.memref_slice %arg3[%add3A_108, %dma_wait3A_211] : memref<20480x16xf32, #tpu.memory_space<hbm>> -> memref<128x16xf32, #tpu.memory_space<hbm>>
      %dma_wait3A_213 = arith.constant 0 : i32
      %dma_wait3A_214 = tpu.memref_slice %arg3[%add3A_108, %dma_wait3A_213] : memref<20480x16xf32, #tpu.memory_space<hbm>> -> memref<128x16xf32, #tpu.memory_space<hbm>>
      tpu.wait_dma2 semaphore(%run_scoped3A_206 : memref<!tpu.dma_semaphore, #tpu.memory_space<semaphore_mem>>) src(%dma_wait3A_214 : memref<128x16xf32, #tpu.memory_space<hbm>>) dst(%arg17 : memref<128x16xf32, #tpu.memory_space<vmem>>)
      tpu.yield
    }) : () -> ()
    "tpu.region"() ({
      %run_scoped3A_206 = tpu.sem_alloc : memref<!tpu.dma_semaphore, #tpu.memory_space<semaphore_mem>>
      %dma_start3A_207 = arith.constant 0 : i32
      %dma_start3A_208 = tpu.memref_slice %arg4[%add3A_105, %dma_start3A_207] : memref<10240x16xf32, #tpu.memory_space<hbm>> -> memref<128x16xf32, #tpu.memory_space<hbm>>
      %dma_start3A_209 = arith.constant 0 : i32
      %dma_start3A_210 = tpu.memref_slice %arg4[%add3A_105, %dma_start3A_209] : memref<10240x16xf32, #tpu.memory_space<hbm>> -> memref<128x16xf32, #tpu.memory_space<hbm>>
      tpu.enqueue_dma source(%dma_start3A_210 : memref<128x16xf32, #tpu.memory_space<hbm>>) target(%arg18 : memref<128x16xf32, #tpu.memory_space<vmem>>) target_semaphore(%run_scoped3A_206 : memref<!tpu.dma_semaphore, #tpu.memory_space<semaphore_mem>>)
      %dma_wait3A_211 = arith.constant 0 : i32
      %dma_wait3A_212 = tpu.memref_slice %arg4[%add3A_105, %dma_wait3A_211] : memref<10240x16xf32, #tpu.memory_space<hbm>> -> memref<128x16xf32, #tpu.memory_space<hbm>>
      %dma_wait3A_213 = arith.constant 0 : i32
      %dma_wait3A_214 = tpu.memref_slice %arg4[%add3A_105, %dma_wait3A_213] : memref<10240x16xf32, #tpu.memory_space<hbm>> -> memref<128x16xf32, #tpu.memory_space<hbm>>
      tpu.wait_dma2 semaphore(%run_scoped3A_206 : memref<!tpu.dma_semaphore, #tpu.memory_space<semaphore_mem>>) src(%dma_wait3A_214 : memref<128x16xf32, #tpu.memory_space<hbm>>) dst(%arg18 : memref<128x16xf32, #tpu.memory_space<vmem>>)
      tpu.yield
    }) : () -> ()
    %scan3A_109 = arith.constant 0 : i32
    %scan3A_110 = arith.constant 0 : i32
    %scan3A_111 = arith.constant 128 : i32
    %scan3A_112 = arith.addi %scan3A_110, %scan3A_111 : i32
    %scan3A_113 = arith.constant 1 : i32
    scf.for %scan3A_206 = %scan3A_110 to %scan3A_112 step %scan3A_113  : i32 {
      %get3A = arith.index_cast %scan3A_206 : i32 to index
      %get3A_207 = arith.constant 0 : index
      %get3A_208 = tpu.vector_load %arg13[%get3A, %get3A_207] {strides = array<i32>} : memref<128x16xf32, #tpu.memory_space<vmem>>, vector<1x16xf32>,
      %get3A_209 = vector.shape_cast %get3A_208 : vector<1x16xf32> to vector<16xf32>
      %get3A_210 = arith.index_cast %scan3A_206 : i32 to index
      %get3A_211 = arith.constant 0 : index
      %get3A_212 = tpu.vector_load %arg18[%get3A_210, %get3A_211] {strides = array<i32>} : memref<128x16xf32, #tpu.memory_space<vmem>>, vector<1x16xf32>,
      %get3A_213 = vector.shape_cast %get3A_212 : vector<1x16xf32> to vector<16xf32>
      %mul3A_214 = arith.mulf %get3A_209, %get3A_213 : vector<16xf32>
      %get3A_215 = arith.index_cast %scan3A_206 : i32 to index
      %get3A_216 = arith.constant 0 : index
      %get3A_217 = tpu.vector_load %arg17[%get3A_215, %get3A_216] {strides = array<i32>} : memref<128x16xf32, #tpu.memory_space<vmem>>, vector<1x16xf32>,
      %get3A_218 = vector.shape_cast %get3A_217 : vector<1x16xf32> to vector<16xf32>
      %add3A_219 = arith.addf %mul3A_214, %get3A_218 : vector<16xf32>
      %swap3A = arith.index_cast %scan3A_206 : i32 to index
      %swap3A_220 = arith.constant 0 : index
      %swap3A_221 = tpu.vector_load %arg15[%swap3A, %swap3A_220] {strides = array<i32>} : memref<128x16xf32, #tpu.memory_space<vmem>>, vector<1x16xf32>,
      %swap3A_222 = vector.shape_cast %swap3A_221 : vector<1x16xf32> to vector<16xf32>
      %swap3A_223 = vector.shape_cast %add3A_219 : vector<16xf32> to vector<1x16xf32>
      tpu.vector_store %arg15[%swap3A, %swap3A_220], %swap3A_223 {strides = array<i32>} : memref<128x16xf32, #tpu.memory_space<vmem>>, vector<1x16xf32>,
    }
    %scan3A_114 = arith.constant 128 : i32
    "tpu.region"() ({
      %run_scoped3A_206 = tpu.sem_alloc : memref<!tpu.dma_semaphore, #tpu.memory_space<semaphore_mem>>
      %dma_start3A_207 = arith.constant 0 : i32
      %dma_start3A_208 = tpu.memref_slice %arg9[%add3A_105, %dma_start3A_207] : memref<10240x16xf32, #tpu.memory_space<vmem_shared>> -> memref<128x16xf32, #tpu.memory_space<vmem_shared>>
      %dma_start3A_209 = arith.constant 0 : i32
      %dma_start3A_210 = tpu.memref_slice %arg9[%add3A_105, %dma_start3A_209] : memref<10240x16xf32, #tpu.memory_space<vmem_shared>> -> memref<128x16xf32, #tpu.memory_space<vmem_shared>>
      tpu.enqueue_dma source(%arg15 : memref<128x16xf32, #tpu.memory_space<vmem>>) target(%dma_start3A_210 : memref<128x16xf32, #tpu.memory_space<vmem_shared>>) target_semaphore(%run_scoped3A_206 : memref<!tpu.dma_semaphore, #tpu.memory_space<semaphore_mem>>)
      %dma_wait3A_211 = arith.constant 0 : i32
      %dma_wait3A_212 = tpu.memref_slice %arg9[%add3A_105, %dma_wait3A_211] : memref<10240x16xf32, #tpu.memory_space<vmem_shared>> -> memref<128x16xf32, #tpu.memory_space<vmem_shared>>
      %dma_wait3A_213 = arith.constant 0 : i32
      %dma_wait3A_214 = tpu.memref_slice %arg9[%add3A_105, %dma_wait3A_213] : memref<10240x16xf32, #tpu.memory_space<vmem_shared>> -> memref<128x16xf32, #tpu.memory_space<vmem_shared>>
      tpu.wait_dma2 semaphore(%run_scoped3A_206 : memref<!tpu.dma_semaphore, #tpu.memory_space<semaphore_mem>>) src(%arg15 : memref<128x16xf32, #tpu.memory_space<vmem>>) dst(%dma_wait3A_214 : memref<128x16xf32, #tpu.memory_space<vmem_shared>>)
      tpu.yield
    }) : () -> ()
    %mul3A_115 = arith.constant 640 : i32
    %mul3A_116 = arith.muli %arg1, %mul3A_115 : i32
    %add3A_117 = arith.constant 512 : i32
    %add3A_118 = arith.addi %mul3A_116, %add3A_117 : i32
    "tpu.region"() ({
      %run_scoped3A_206 = tpu.sem_alloc : memref<!tpu.dma_semaphore, #tpu.memory_space<semaphore_mem>>
      %dma_start3A_207 = arith.constant 0 : i32
      %dma_start3A_208 = tpu.memref_slice %arg9[%add3A_118, %dma_start3A_207] : memref<10240x16xf32, #tpu.memory_space<vmem_shared>> -> memref<128x16xf32, #tpu.memory_space<vmem_shared>>
      %dma_start3A_209 = arith.constant 0 : i32
      %dma_start3A_210 = tpu.memref_slice %arg9[%add3A_118, %dma_start3A_209] : memref<10240x16xf32, #tpu.memory_space<vmem_shared>> -> memref<128x16xf32, #tpu.memory_space<vmem_shared>>
      tpu.enqueue_dma source(%dma_start3A_210 : memref<128x16xf32, #tpu.memory_space<vmem_shared>>) target(%arg13 : memref<128x16xf32, #tpu.memory_space<vmem>>) target_semaphore(%run_scoped3A_206 : memref<!tpu.dma_semaphore, #tpu.memory_space<semaphore_mem>>)
      %dma_wait3A_211 = arith.constant 0 : i32
      %dma_wait3A_212 = tpu.memref_slice %arg9[%add3A_118, %dma_wait3A_211] : memref<10240x16xf32, #tpu.memory_space<vmem_shared>> -> memref<128x16xf32, #tpu.memory_space<vmem_shared>>
      %dma_wait3A_213 = arith.constant 0 : i32
      %dma_wait3A_214 = tpu.memref_slice %arg9[%add3A_118, %dma_wait3A_213] : memref<10240x16xf32, #tpu.memory_space<vmem_shared>> -> memref<128x16xf32, #tpu.memory_space<vmem_shared>>
      tpu.wait_dma2 semaphore(%run_scoped3A_206 : memref<!tpu.dma_semaphore, #tpu.memory_space<semaphore_mem>>) src(%dma_wait3A_214 : memref<128x16xf32, #tpu.memory_space<vmem_shared>>) dst(%arg13 : memref<128x16xf32, #tpu.memory_space<vmem>>)
      tpu.yield
    }) : () -> ()
    %mul3A_119 = arith.constant 10240 : i32
    %mul3A_120 = arith.muli %arg0, %mul3A_119 : i32
    %add3A_121 = arith.addi %mul3A_120, %add3A_118 : i32
    "tpu.region"() ({
      %run_scoped3A_206 = tpu.sem_alloc : memref<!tpu.dma_semaphore, #tpu.memory_space<semaphore_mem>>
      %dma_start3A_207 = arith.constant 0 : i32
      %dma_start3A_208 = tpu.memref_slice %arg3[%add3A_121, %dma_start3A_207] : memref<20480x16xf32, #tpu.memory_space<hbm>> -> memref<128x16xf32, #tpu.memory_space<hbm>>
      %dma_start3A_209 = arith.constant 0 : i32
      %dma_start3A_210 = tpu.memref_slice %arg3[%add3A_121, %dma_start3A_209] : memref<20480x16xf32, #tpu.memory_space<hbm>> -> memref<128x16xf32, #tpu.memory_space<hbm>>
      tpu.enqueue_dma source(%dma_start3A_210 : memref<128x16xf32, #tpu.memory_space<hbm>>) target(%arg17 : memref<128x16xf32, #tpu.memory_space<vmem>>) target_semaphore(%run_scoped3A_206 : memref<!tpu.dma_semaphore, #tpu.memory_space<semaphore_mem>>)
      %dma_wait3A_211 = arith.constant 0 : i32
      %dma_wait3A_212 = tpu.memref_slice %arg3[%add3A_121, %dma_wait3A_211] : memref<20480x16xf32, #tpu.memory_space<hbm>> -> memref<128x16xf32, #tpu.memory_space<hbm>>
      %dma_wait3A_213 = arith.constant 0 : i32
      %dma_wait3A_214 = tpu.memref_slice %arg3[%add3A_121, %dma_wait3A_213] : memref<20480x16xf32, #tpu.memory_space<hbm>> -> memref<128x16xf32, #tpu.memory_space<hbm>>
      tpu.wait_dma2 semaphore(%run_scoped3A_206 : memref<!tpu.dma_semaphore, #tpu.memory_space<semaphore_mem>>) src(%dma_wait3A_214 : memref<128x16xf32, #tpu.memory_space<hbm>>) dst(%arg17 : memref<128x16xf32, #tpu.memory_space<vmem>>)
      tpu.yield
    }) : () -> ()
    "tpu.region"() ({
      %run_scoped3A_206 = tpu.sem_alloc : memref<!tpu.dma_semaphore, #tpu.memory_space<semaphore_mem>>
      %dma_start3A_207 = arith.constant 0 : i32
      %dma_start3A_208 = tpu.memref_slice %arg4[%add3A_118, %dma_start3A_207] : memref<10240x16xf32, #tpu.memory_space<hbm>> -> memref<128x16xf32, #tpu.memory_space<hbm>>
      %dma_start3A_209 = arith.constant 0 : i32
      %dma_start3A_210 = tpu.memref_slice %arg4[%add3A_118, %dma_start3A_209] : memref<10240x16xf32, #tpu.memory_space<hbm>> -> memref<128x16xf32, #tpu.memory_space<hbm>>
      tpu.enqueue_dma source(%dma_start3A_210 : memref<128x16xf32, #tpu.memory_space<hbm>>) target(%arg18 : memref<128x16xf32, #tpu.memory_space<vmem>>) target_semaphore(%run_scoped3A_206 : memref<!tpu.dma_semaphore, #tpu.memory_space<semaphore_mem>>)
      %dma_wait3A_211 = arith.constant 0 : i32
      %dma_wait3A_212 = tpu.memref_slice %arg4[%add3A_118, %dma_wait3A_211] : memref<10240x16xf32, #tpu.memory_space<hbm>> -> memref<128x16xf32, #tpu.memory_space<hbm>>
      %dma_wait3A_213 = arith.constant 0 : i32
      %dma_wait3A_214 = tpu.memref_slice %arg4[%add3A_118, %dma_wait3A_213] : memref<10240x16xf32, #tpu.memory_space<hbm>> -> memref<128x16xf32, #tpu.memory_space<hbm>>
      tpu.wait_dma2 semaphore(%run_scoped3A_206 : memref<!tpu.dma_semaphore, #tpu.memory_space<semaphore_mem>>) src(%dma_wait3A_214 : memref<128x16xf32, #tpu.memory_space<hbm>>) dst(%arg18 : memref<128x16xf32, #tpu.memory_space<vmem>>)
      tpu.yield
    }) : () -> ()
    %scan3A_122 = arith.constant 0 : i32
    %scan3A_123 = arith.constant 0 : i32
    %scan3A_124 = arith.constant 128 : i32
    %scan3A_125 = arith.addi %scan3A_123, %scan3A_124 : i32
    %scan3A_126 = arith.constant 1 : i32
    scf.for %scan3A_206 = %scan3A_123 to %scan3A_125 step %scan3A_126  : i32 {
      %get3A = arith.index_cast %scan3A_206 : i32 to index
      %get3A_207 = arith.constant 0 : index
      %get3A_208 = tpu.vector_load %arg13[%get3A, %get3A_207] {strides = array<i32>} : memref<128x16xf32, #tpu.memory_space<vmem>>, vector<1x16xf32>,
      %get3A_209 = vector.shape_cast %get3A_208 : vector<1x16xf32> to vector<16xf32>
      %get3A_210 = arith.index_cast %scan3A_206 : i32 to index
      %get3A_211 = arith.constant 0 : index
      %get3A_212 = tpu.vector_load %arg18[%get3A_210, %get3A_211] {strides = array<i32>} : memref<128x16xf32, #tpu.memory_space<vmem>>, vector<1x16xf32>,
      %get3A_213 = vector.shape_cast %get3A_212 : vector<1x16xf32> to vector<16xf32>
      %mul3A_214 = arith.mulf %get3A_209, %get3A_213 : vector<16xf32>
      %get3A_215 = arith.index_cast %scan3A_206 : i32 to index
      %get3A_216 = arith.constant 0 : index
      %get3A_217 = tpu.vector_load %arg17[%get3A_215, %get3A_216] {strides = array<i32>} : memref<128x16xf32, #tpu.memory_space<vmem>>, vector<1x16xf32>,
      %get3A_218 = vector.shape_cast %get3A_217 : vector<1x16xf32> to vector<16xf32>
      %add3A_219 = arith.addf %mul3A_214, %get3A_218 : vector<16xf32>
      %swap3A = arith.index_cast %scan3A_206 : i32 to index
      %swap3A_220 = arith.constant 0 : index
      %swap3A_221 = tpu.vector_load %arg15[%swap3A, %swap3A_220] {strides = array<i32>} : memref<128x16xf32, #tpu.memory_space<vmem>>, vector<1x16xf32>,
      %swap3A_222 = vector.shape_cast %swap3A_221 : vector<1x16xf32> to vector<16xf32>
      %swap3A_223 = vector.shape_cast %add3A_219 : vector<16xf32> to vector<1x16xf32>
      tpu.vector_store %arg15[%swap3A, %swap3A_220], %swap3A_223 {strides = array<i32>} : memref<128x16xf32, #tpu.memory_space<vmem>>, vector<1x16xf32>,
    }
    %scan3A_127 = arith.constant 128 : i32
    "tpu.region"() ({
      %run_scoped3A_206 = tpu.sem_alloc : memref<!tpu.dma_semaphore, #tpu.memory_space<semaphore_mem>>
      %dma_start3A_207 = arith.constant 0 : i32
      %dma_start3A_208 = tpu.memref_slice %arg9[%add3A_118, %dma_start3A_207] : memref<10240x16xf32, #tpu.memory_space<vmem_shared>> -> memref<128x16xf32, #tpu.memory_space<vmem_shared>>
      %dma_start3A_209 = arith.constant 0 : i32
      %dma_start3A_210 = tpu.memref_slice %arg9[%add3A_118, %dma_start3A_209] : memref<10240x16xf32, #tpu.memory_space<vmem_shared>> -> memref<128x16xf32, #tpu.memory_space<vmem_shared>>
      tpu.enqueue_dma source(%arg15 : memref<128x16xf32, #tpu.memory_space<vmem>>) target(%dma_start3A_210 : memref<128x16xf32, #tpu.memory_space<vmem_shared>>) target_semaphore(%run_scoped3A_206 : memref<!tpu.dma_semaphore, #tpu.memory_space<semaphore_mem>>)
      %dma_wait3A_211 = arith.constant 0 : i32
      %dma_wait3A_212 = tpu.memref_slice %arg9[%add3A_118, %dma_wait3A_211] : memref<10240x16xf32, #tpu.memory_space<vmem_shared>> -> memref<128x16xf32, #tpu.memory_space<vmem_shared>>
      %dma_wait3A_213 = arith.constant 0 : i32
      %dma_wait3A_214 = tpu.memref_slice %arg9[%add3A_118, %dma_wait3A_213] : memref<10240x16xf32, #tpu.memory_space<vmem_shared>> -> memref<128x16xf32, #tpu.memory_space<vmem_shared>>
      tpu.wait_dma2 semaphore(%run_scoped3A_206 : memref<!tpu.dma_semaphore, #tpu.memory_space<semaphore_mem>>) src(%arg15 : memref<128x16xf32, #tpu.memory_space<vmem>>) dst(%dma_wait3A_214 : memref<128x16xf32, #tpu.memory_space<vmem_shared>>)
      tpu.yield
    }) : () -> ()
    %barrier3A_128 = arith.constant 0 : index
    tpu.barrier barrier_id(%barrier3A_128)
    %dma_start3A_129 = arith.constant 0 : i32
    %dma_start3A_130 = arith.constant 0 : i32
    %dma_start3A_131 = tpu.memref_slice %arg12[%dma_start3A_129, %dma_start3A_130] : memref<160x128xi32, #tpu.memory_space<vmem>> -> memref<1x128xi32, #tpu.memory_space<vmem>>
    %dma_start3A_132 = tpu.memref_squeeze %dma_start3A_131 : memref<1x128xi32, #tpu.memory_space<vmem>> -> memref<128xi32, #tpu.memory_space<vmem>>
    %dma_start3A_133 = arith.constant 0 : i32
    %dma_start3A_134 = arith.constant 0 : i32
    %dma_start3A_135 = tpu.memref_slice %arg9[%dma_start3A_133, %dma_start3A_134] : memref<10240x16xf32, #tpu.memory_space<vmem_shared>> -> memref<10240x16xf32, #tpu.memory_space<vmem_shared>>
    tpu.enqueue_indirect_dma source(%dma_start3A_135 : memref<10240x16xf32, #tpu.memory_space<vmem_shared>>) target(%arg15 : memref<128x16xf32, #tpu.memory_space<vmem>>) offsets(%dma_start3A_132 : memref<128xi32, #tpu.memory_space<vmem>>) semaphore(%arg19 : memref<!tpu.dma_semaphore, #tpu.memory_space<semaphore_mem>>)
    %dma_start3A_136 = arith.constant 1 : i32
    %dma_start3A_137 = arith.constant 0 : i32
    %dma_start3A_138 = tpu.memref_slice %arg12[%dma_start3A_136, %dma_start3A_137] : memref<160x128xi32, #tpu.memory_space<vmem>> -> memref<1x128xi32, #tpu.memory_space<vmem>>
    %dma_start3A_139 = tpu.memref_squeeze %dma_start3A_138 : memref<1x128xi32, #tpu.memory_space<vmem>> -> memref<128xi32, #tpu.memory_space<vmem>>
    %dma_start3A_140 = arith.constant 0 : i32
    %dma_start3A_141 = arith.constant 0 : i32
    %dma_start3A_142 = tpu.memref_slice %arg9[%dma_start3A_140, %dma_start3A_141] : memref<10240x16xf32, #tpu.memory_space<vmem_shared>> -> memref<10240x16xf32, #tpu.memory_space<vmem_shared>>
    tpu.enqueue_indirect_dma source(%dma_start3A_142 : memref<10240x16xf32, #tpu.memory_space<vmem_shared>>) target(%arg16 : memref<128x16xf32, #tpu.memory_space<vmem>>) offsets(%dma_start3A_139 : memref<128xi32, #tpu.memory_space<vmem>>) semaphore(%arg20 : memref<!tpu.dma_semaphore, #tpu.memory_space<semaphore_mem>>)
    %dma_wait3A_143 = arith.constant 0 : i32
    %dma_wait3A_144 = arith.constant 0 : i32
    %dma_wait3A_145 = tpu.memref_slice %arg12[%dma_wait3A_143, %dma_wait3A_144] : memref<160x128xi32, #tpu.memory_space<vmem>> -> memref<1x128xi32, #tpu.memory_space<vmem>>
    %dma_wait3A_146 = tpu.memref_squeeze %dma_wait3A_145 : memref<1x128xi32, #tpu.memory_space<vmem>> -> memref<128xi32, #tpu.memory_space<vmem>>
    %dma_wait3A_147 = arith.constant 0 : i32
    %dma_wait3A_148 = arith.constant 0 : i32
    %dma_wait3A_149 = tpu.memref_slice %arg9[%dma_wait3A_147, %dma_wait3A_148] : memref<10240x16xf32, #tpu.memory_space<vmem_shared>> -> memref<10240x16xf32, #tpu.memory_space<vmem_shared>>
    tpu.wait_indirect_dma semaphore(%arg19 : memref<!tpu.dma_semaphore, #tpu.memory_space<semaphore_mem>>) src(%dma_wait3A_149 : memref<10240x16xf32, #tpu.memory_space<vmem_shared>>) dst(%arg15 : memref<128x16xf32, #tpu.memory_space<vmem>>)
    %mul3A_150 = arith.constant 327680 : i32
    %mul3A_151 = arith.muli %arg0, %mul3A_150 : i32
    %mul3A_152 = arith.constant 20480 : i32
    %mul3A_153 = arith.muli %arg1, %mul3A_152 : i32
    %add3A_154 = arith.addi %mul3A_151, %mul3A_153 : i32
    %add3A_155 = arith.constant 0 : i32
    %add3A_156 = arith.addi %add3A_154, %add3A_155 : i32
    %dma_start3A_157 = arith.constant 0 : i32
    %dma_start3A_158 = tpu.memref_slice %arg8[%add3A_156, %dma_start3A_157] : memref<655360x16xf32, #tpu.memory_space<hbm>> -> memref<128x16xf32, #tpu.memory_space<hbm>>
    %dma_start3A_159 = arith.constant 0 : i32
    %dma_start3A_160 = tpu.memref_slice %arg8[%add3A_156, %dma_start3A_159] : memref<655360x16xf32, #tpu.memory_space<hbm>> -> memref<128x16xf32, #tpu.memory_space<hbm>>
    tpu.enqueue_dma source(%arg15 : memref<128x16xf32, #tpu.memory_space<vmem>>) target(%dma_start3A_160 : memref<128x16xf32, #tpu.memory_space<hbm>>) target_semaphore(%arg21 : memref<!tpu.dma_semaphore, #tpu.memory_space<semaphore_mem>>)
    %scan3A_161 = arith.constant 0 : i32
    %scan3A_162 = arith.constant 79 : i32
    %scan3A_163 = arith.addi %scan3A_161, %scan3A_162 : i32
    %scan3A_164 = arith.constant 1 : i32
    scf.for %scan3A_206 = %scan3A_161 to %scan3A_163 step %scan3A_164  : i32 {
      %mul3A_207 = arith.constant 2 : i32
      %mul3A_208 = arith.muli %scan3A_206, %mul3A_207 : i32
      %add3A_209 = arith.constant 1 : i32
      %add3A_210 = arith.addi %add3A_209, %mul3A_208 : i32
      %sub3A = arith.constant 1 : i32
      %sub3A_211 = arith.subi %add3A_210, %sub3A : i32
      %mul3A_212 = arith.constant 327680 : i32
      %mul3A_213 = arith.muli %arg0, %mul3A_212 : i32
      %mul3A_214 = arith.constant 20480 : i32
      %mul3A_215 = arith.muli %arg1, %mul3A_214 : i32
      %add3A_216 = arith.addi %mul3A_213, %mul3A_215 : i32
      %mul3A_217 = arith.constant 128 : i32
      %mul3A_218 = arith.muli %sub3A_211, %mul3A_217 : i32
      %add3A_219 = arith.addi %add3A_216, %mul3A_218 : i32
      %dma_wait3A_220 = arith.constant 0 : i32
      %dma_wait3A_221 = tpu.memref_slice %arg8[%add3A_219, %dma_wait3A_220] : memref<655360x16xf32, #tpu.memory_space<hbm>> -> memref<128x16xf32, #tpu.memory_space<hbm>>
      %dma_wait3A_222 = arith.constant 0 : i32
      %dma_wait3A_223 = tpu.memref_slice %arg8[%add3A_219, %dma_wait3A_222] : memref<655360x16xf32, #tpu.memory_space<hbm>> -> memref<128x16xf32, #tpu.memory_space<hbm>>
      tpu.wait_dma2 semaphore(%arg21 : memref<!tpu.dma_semaphore, #tpu.memory_space<semaphore_mem>>) src(%arg15 : memref<128x16xf32, #tpu.memory_space<vmem>>) dst(%dma_wait3A_223 : memref<128x16xf32, #tpu.memory_space<hbm>>)
      %add3A_224 = arith.constant 1 : i32
      %add3A_225 = arith.addi %add3A_210, %add3A_224 : i32
      %dma_start3A_226 = arith.constant 0 : i32
      %dma_start3A_227 = tpu.memref_slice %arg12[%add3A_225, %dma_start3A_226] : memref<160x128xi32, #tpu.memory_space<vmem>> -> memref<1x128xi32, #tpu.memory_space<vmem>>
      %dma_start3A_228 = tpu.memref_squeeze %dma_start3A_227 : memref<1x128xi32, #tpu.memory_space<vmem>> -> memref<128xi32, #tpu.memory_space<vmem>>
      %dma_start3A_229 = arith.constant 0 : i32
      %dma_start3A_230 = arith.constant 0 : i32
      %dma_start3A_231 = tpu.memref_slice %arg9[%dma_start3A_229, %dma_start3A_230] : memref<10240x16xf32, #tpu.memory_space<vmem_shared>> -> memref<10240x16xf32, #tpu.memory_space<vmem_shared>>
      tpu.enqueue_indirect_dma source(%dma_start3A_231 : memref<10240x16xf32, #tpu.memory_space<vmem_shared>>) target(%arg15 : memref<128x16xf32, #tpu.memory_space<vmem>>) offsets(%dma_start3A_228 : memref<128xi32, #tpu.memory_space<vmem>>) semaphore(%arg19 : memref<!tpu.dma_semaphore, #tpu.memory_space<semaphore_mem>>)
      %dma_wait3A_232 = arith.constant 0 : i32
      %dma_wait3A_233 = tpu.memref_slice %arg12[%add3A_210, %dma_wait3A_232] : memref<160x128xi32, #tpu.memory_space<vmem>> -> memref<1x128xi32, #tpu.memory_space<vmem>>
      %dma_wait3A_234 = tpu.memref_squeeze %dma_wait3A_233 : memref<1x128xi32, #tpu.memory_space<vmem>> -> memref<128xi32, #tpu.memory_space<vmem>>
      %dma_wait3A_235 = arith.constant 0 : i32
      %dma_wait3A_236 = arith.constant 0 : i32
      %dma_wait3A_237 = tpu.memref_slice %arg9[%dma_wait3A_235, %dma_wait3A_236] : memref<10240x16xf32, #tpu.memory_space<vmem_shared>> -> memref<10240x16xf32, #tpu.memory_space<vmem_shared>>
      tpu.wait_indirect_dma semaphore(%arg20 : memref<!tpu.dma_semaphore, #tpu.memory_space<semaphore_mem>>) src(%dma_wait3A_237 : memref<10240x16xf32, #tpu.memory_space<vmem_shared>>) dst(%arg16 : memref<128x16xf32, #tpu.memory_space<vmem>>)
      %mul3A_238 = arith.constant 327680 : i32
      %mul3A_239 = arith.muli %arg0, %mul3A_238 : i32
      %mul3A_240 = arith.constant 20480 : i32
      %mul3A_241 = arith.muli %arg1, %mul3A_240 : i32
      %add3A_242 = arith.addi %mul3A_239, %mul3A_241 : i32
      %mul3A_243 = arith.constant 128 : i32
      %mul3A_244 = arith.muli %add3A_210, %mul3A_243 : i32
      %add3A_245 = arith.addi %add3A_242, %mul3A_244 : i32
      %dma_start3A_246 = arith.constant 0 : i32
      %dma_start3A_247 = tpu.memref_slice %arg8[%add3A_245, %dma_start3A_246] : memref<655360x16xf32, #tpu.memory_space<hbm>> -> memref<128x16xf32, #tpu.memory_space<hbm>>
      %dma_start3A_248 = arith.constant 0 : i32
      %dma_start3A_249 = tpu.memref_slice %arg8[%add3A_245, %dma_start3A_248] : memref<655360x16xf32, #tpu.memory_space<hbm>> -> memref<128x16xf32, #tpu.memory_space<hbm>>
      tpu.enqueue_dma source(%arg16 : memref<128x16xf32, #tpu.memory_space<vmem>>) target(%dma_start3A_249 : memref<128x16xf32, #tpu.memory_space<hbm>>) target_semaphore(%arg22 : memref<!tpu.dma_semaphore, #tpu.memory_space<semaphore_mem>>)
      %mul3A_250 = arith.constant 327680 : i32
      %mul3A_251 = arith.muli %arg0, %mul3A_250 : i32
      %mul3A_252 = arith.constant 20480 : i32
      %mul3A_253 = arith.muli %arg1, %mul3A_252 : i32
      %add3A_254 = arith.addi %mul3A_251, %mul3A_253 : i32
      %mul3A_255 = arith.constant 128 : i32
      %mul3A_256 = arith.muli %add3A_210, %mul3A_255 : i32
      %add3A_257 = arith.addi %add3A_254, %mul3A_256 : i32
      %dma_wait3A_258 = arith.constant 0 : i32
      %dma_wait3A_259 = tpu.memref_slice %arg8[%add3A_257, %dma_wait3A_258] : memref<655360x16xf32, #tpu.memory_space<hbm>> -> memref<128x16xf32, #tpu.memory_space<hbm>>
      %dma_wait3A_260 = arith.constant 0 : i32
      %dma_wait3A_261 = tpu.memref_slice %arg8[%add3A_257, %dma_wait3A_260] : memref<655360x16xf32, #tpu.memory_space<hbm>> -> memref<128x16xf32, #tpu.memory_space<hbm>>
      tpu.wait_dma2 semaphore(%arg22 : memref<!tpu.dma_semaphore, #tpu.memory_space<semaphore_mem>>) src(%arg16 : memref<128x16xf32, #tpu.memory_space<vmem>>) dst(%dma_wait3A_261 : memref<128x16xf32, #tpu.memory_space<hbm>>)
      %add3A_262 = arith.constant 2 : i32
      %add3A_263 = arith.addi %add3A_210, %add3A_262 : i32
      %dma_start3A_264 = arith.constant 0 : i32
      %dma_start3A_265 = tpu.memref_slice %arg12[%add3A_263, %dma_start3A_264] : memref<160x128xi32, #tpu.memory_space<vmem>> -> memref<1x128xi32, #tpu.memory_space<vmem>>
      %dma_start3A_266 = tpu.memref_squeeze %dma_start3A_265 : memref<1x128xi32, #tpu.memory_space<vmem>> -> memref<128xi32, #tpu.memory_space<vmem>>
      %dma_start3A_267 = arith.constant 0 : i32
      %dma_start3A_268 = arith.constant 0 : i32
      %dma_start3A_269 = tpu.memref_slice %arg9[%dma_start3A_267, %dma_start3A_268] : memref<10240x16xf32, #tpu.memory_space<vmem_shared>> -> memref<10240x16xf32, #tpu.memory_space<vmem_shared>>
      tpu.enqueue_indirect_dma source(%dma_start3A_269 : memref<10240x16xf32, #tpu.memory_space<vmem_shared>>) target(%arg16 : memref<128x16xf32, #tpu.memory_space<vmem>>) offsets(%dma_start3A_266 : memref<128xi32, #tpu.memory_space<vmem>>) semaphore(%arg20 : memref<!tpu.dma_semaphore, #tpu.memory_space<semaphore_mem>>)
      %add3A_270 = arith.constant 1 : i32
      %add3A_271 = arith.addi %add3A_210, %add3A_270 : i32
      %dma_wait3A_272 = arith.constant 0 : i32
      %dma_wait3A_273 = tpu.memref_slice %arg12[%add3A_271, %dma_wait3A_272] : memref<160x128xi32, #tpu.memory_space<vmem>> -> memref<1x128xi32, #tpu.memory_space<vmem>>
      %dma_wait3A_274 = tpu.memref_squeeze %dma_wait3A_273 : memref<1x128xi32, #tpu.memory_space<vmem>> -> memref<128xi32, #tpu.memory_space<vmem>>
      %dma_wait3A_275 = arith.constant 0 : i32
      %dma_wait3A_276 = arith.constant 0 : i32
      %dma_wait3A_277 = tpu.memref_slice %arg9[%dma_wait3A_275, %dma_wait3A_276] : memref<10240x16xf32, #tpu.memory_space<vmem_shared>> -> memref<10240x16xf32, #tpu.memory_space<vmem_shared>>
      tpu.wait_indirect_dma semaphore(%arg19 : memref<!tpu.dma_semaphore, #tpu.memory_space<semaphore_mem>>) src(%dma_wait3A_277 : memref<10240x16xf32, #tpu.memory_space<vmem_shared>>) dst(%arg15 : memref<128x16xf32, #tpu.memory_space<vmem>>)
      %add3A_278 = arith.constant 1 : i32
      %add3A_279 = arith.addi %add3A_210, %add3A_278 : i32
      %mul3A_280 = arith.constant 327680 : i32
      %mul3A_281 = arith.muli %arg0, %mul3A_280 : i32
      %mul3A_282 = arith.constant 20480 : i32
      %mul3A_283 = arith.muli %arg1, %mul3A_282 : i32
      %add3A_284 = arith.addi %mul3A_281, %mul3A_283 : i32
      %mul3A_285 = arith.constant 128 : i32
      %mul3A_286 = arith.muli %add3A_279, %mul3A_285 : i32
      %add3A_287 = arith.addi %add3A_284, %mul3A_286 : i32
      %dma_start3A_288 = arith.constant 0 : i32
      %dma_start3A_289 = tpu.memref_slice %arg8[%add3A_287, %dma_start3A_288] : memref<655360x16xf32, #tpu.memory_space<hbm>> -> memref<128x16xf32, #tpu.memory_space<hbm>>
      %dma_start3A_290 = arith.constant 0 : i32
      %dma_start3A_291 = tpu.memref_slice %arg8[%add3A_287, %dma_start3A_290] : memref<655360x16xf32, #tpu.memory_space<hbm>> -> memref<128x16xf32, #tpu.memory_space<hbm>>
      tpu.enqueue_dma source(%arg15 : memref<128x16xf32, #tpu.memory_space<vmem>>) target(%dma_start3A_291 : memref<128x16xf32, #tpu.memory_space<hbm>>) target_semaphore(%arg21 : memref<!tpu.dma_semaphore, #tpu.memory_space<semaphore_mem>>)
    }
    %scan3A_165 = arith.constant 79 : i32
    %mul3A_166 = arith.constant 327680 : i32
    %mul3A_167 = arith.muli %arg0, %mul3A_166 : i32
    %mul3A_168 = arith.constant 20480 : i32
    %mul3A_169 = arith.muli %arg1, %mul3A_168 : i32
    %add3A_170 = arith.addi %mul3A_167, %mul3A_169 : i32
    %add3A_171 = arith.constant 20224 : i32
    %add3A_172 = arith.addi %add3A_170, %add3A_171 : i32
    %dma_wait3A_173 = arith.constant 0 : i32
    %dma_wait3A_174 = tpu.memref_slice %arg8[%add3A_172, %dma_wait3A_173] : memref<655360x16xf32, #tpu.memory_space<hbm>> -> memref<128x16xf32, #tpu.memory_space<hbm>>
    %dma_wait3A_175 = arith.constant 0 : i32
    %dma_wait3A_176 = tpu.memref_slice %arg8[%add3A_172, %dma_wait3A_175] : memref<655360x16xf32, #tpu.memory_space<hbm>> -> memref<128x16xf32, #tpu.memory_space<hbm>>
    tpu.wait_dma2 semaphore(%arg21 : memref<!tpu.dma_semaphore, #tpu.memory_space<semaphore_mem>>) src(%arg15 : memref<128x16xf32, #tpu.memory_space<vmem>>) dst(%dma_wait3A_176 : memref<128x16xf32, #tpu.memory_space<hbm>>)
    %dma_wait3A_177 = arith.constant 159 : i32
    %dma_wait3A_178 = arith.constant 0 : i32
    %dma_wait3A_179 = tpu.memref_slice %arg12[%dma_wait3A_177, %dma_wait3A_178] : memref<160x128xi32, #tpu.memory_space<vmem>> -> memref<1x128xi32, #tpu.memory_space<vmem>>
    %dma_wait3A_180 = tpu.memref_squeeze %dma_wait3A_179 : memref<1x128xi32, #tpu.memory_space<vmem>> -> memref<128xi32, #tpu.memory_space<vmem>>
    %dma_wait3A_181 = arith.constant 0 : i32
    %dma_wait3A_182 = arith.constant 0 : i32
    %dma_wait3A_183 = tpu.memref_slice %arg9[%dma_wait3A_181, %dma_wait3A_182] : memref<10240x16xf32, #tpu.memory_space<vmem_shared>> -> memref<10240x16xf32, #tpu.memory_space<vmem_shared>>
    tpu.wait_indirect_dma semaphore(%arg20 : memref<!tpu.dma_semaphore, #tpu.memory_space<semaphore_mem>>) src(%dma_wait3A_183 : memref<10240x16xf32, #tpu.memory_space<vmem_shared>>) dst(%arg16 : memref<128x16xf32, #tpu.memory_space<vmem>>)
    %mul3A_184 = arith.constant 327680 : i32
    %mul3A_185 = arith.muli %arg0, %mul3A_184 : i32
    %mul3A_186 = arith.constant 20480 : i32
    %mul3A_187 = arith.muli %arg1, %mul3A_186 : i32
    %add3A_188 = arith.addi %mul3A_185, %mul3A_187 : i32
    %add3A_189 = arith.constant 20352 : i32
    %add3A_190 = arith.addi %add3A_188, %add3A_189 : i32
    %dma_start3A_191 = arith.constant 0 : i32
    %dma_start3A_192 = tpu.memref_slice %arg8[%add3A_190, %dma_start3A_191] : memref<655360x16xf32, #tpu.memory_space<hbm>> -> memref<128x16xf32, #tpu.memory_space<hbm>>
    %dma_start3A_193 = arith.constant 0 : i32
    %dma_start3A_194 = tpu.memref_slice %arg8[%add3A_190, %dma_start3A_193] : memref<655360x16xf32, #tpu.memory_space<hbm>> -> memref<128x16xf32, #tpu.memory_space<hbm>>
    tpu.enqueue_dma source(%arg16 : memref<128x16xf32, #tpu.memory_space<vmem>>) target(%dma_start3A_194 : memref<128x16xf32, #tpu.memory_space<hbm>>) target_semaphore(%arg22 : memref<!tpu.dma_semaphore, #tpu.memory_space<semaphore_mem>>)
    %mul3A_195 = arith.constant 327680 : i32
    %mul3A_196 = arith.muli %arg0, %mul3A_195 : i32
    %mul3A_197 = arith.constant 20480 : i32
    %mul3A_198 = arith.muli %arg1, %mul3A_197 : i32
    %add3A_199 = arith.addi %mul3A_196, %mul3A_198 : i32
    %add3A_200 = arith.constant 20352 : i32
    %add3A_201 = arith.addi %add3A_199, %add3A_200 : i32
    %dma_wait3A_202 = arith.constant 0 : i32
    %dma_wait3A_203 = tpu.memref_slice %arg8[%add3A_201, %dma_wait3A_202] : memref<655360x16xf32, #tpu.memory_space<hbm>> -> memref<128x16xf32, #tpu.memory_space<hbm>>
    %dma_wait3A_204 = arith.constant 0 : i32
    %dma_wait3A_205 = tpu.memref_slice %arg8[%add3A_201, %dma_wait3A_204] : memref<655360x16xf32, #tpu.memory_space<hbm>> -> memref<128x16xf32, #tpu.memory_space<hbm>>
    tpu.wait_dma2 semaphore(%arg22 : memref<!tpu.dma_semaphore, #tpu.memory_space<semaphore_mem>>) src(%arg16 : memref<128x16xf32, #tpu.memory_space<vmem>>) dst(%dma_wait3A_205 : memref<128x16xf32, #tpu.memory_space<hbm>>)
    return
  }
}

module attributes {stable_mosaic.version = 14 : i64} {
  func.func @body(%arg0: i32, %arg1: memref<2000x128xf32, #tpu.memory_space<vmem>>, %arg2: memref<128x32xf32, #tpu.memory_space<vmem>>, %arg3: memref<128x32xf32, #tpu.memory_space<vmem>>, %arg4: memref<1x32xf32, #tpu.memory_space<vmem>>, %arg5: memref<2000x32xf32, #tpu.memory_space<vmem>>, %arg6: memref<2000x32xf32, #tpu.memory_space<vmem>>) attributes {dimension_semantics = [#tpu.dimension_semantics<arbitrary>], iteration_bounds = array<i64: 5>, scalar_prefetch = 0 : i64, scratch_operands = 0 : i64, tpu.core_type = #tpu.core_type<tc>, window_params = [{transform_indices = @transform_0, window_bounds = array<i64: 2000, 128>}, {pipeline_mode = #tpu.pipeline_mode<synchronous>, transform_indices = @transform_1, window_bounds = array<i64: 128, 32>}, {pipeline_mode = #tpu.pipeline_mode<synchronous>, transform_indices = @transform_2, window_bounds = array<i64: 128, 32>}, {pipeline_mode = #tpu.pipeline_mode<synchronous>, transform_indices = @transform_3, window_bounds = array<i64: 1, 32>}, {transform_indices = @transform_4, window_bounds = array<i64: 2000, 32>}, {transform_indices = @transform_5, window_bounds = array<i64: 2000, 32>}]} {
    %get3A = arith.constant 0 : index
    %get3A_0 = arith.constant 0 : index
    %get3A_1 = vector.load %arg1[%get3A, %get3A_0] : memref<2000x128xf32, #tpu.memory_space<vmem>>, vector<2000x128xf32>
    %get3A_2 = arith.constant 0 : index
    %get3A_3 = arith.constant 0 : index
    %get3A_4 = vector.load %arg2[%get3A_2, %get3A_3] : memref<128x32xf32, #tpu.memory_space<vmem>>, vector<128x32xf32>
    %dot_general3A = arith.constant dense<0.000000e+00> : vector<2000x32xf32>
    %dot_general3A_5 = tpu.matmul %get3A_1, %get3A_4, %dot_general3A {dimension_numbers = #tpu.dot_dimension_numbers<[1], [0], [0], [1], [0, 0, 1, 1], [], []>, transpose_lhs_hint = false} : vector<2000x128xf32>, vector<128x32xf32>, vector<2000x32xf32> -> vector<2000x32xf32>
    %swap3A = arith.constant 0 : index
    %swap3A_6 = arith.constant 0 : index
    %swap3A_7 = vector.load %arg5[%swap3A, %swap3A_6] : memref<2000x32xf32, #tpu.memory_space<vmem>>, vector<2000x32xf32>
    tpu.vector_store %arg5[%swap3A, %swap3A_6], %dot_general3A_5 {strides = array<i32>} : memref<2000x32xf32, #tpu.memory_space<vmem>>, vector<2000x32xf32>,
    %get3A_8 = arith.constant 0 : index
    %get3A_9 = arith.constant 0 : index
    %get3A_10 = vector.load %arg3[%get3A_8, %get3A_9] : memref<128x32xf32, #tpu.memory_space<vmem>>, vector<128x32xf32>
    %dot_general3A_11 = arith.constant dense<0.000000e+00> : vector<2000x32xf32>
    %dot_general3A_12 = tpu.matmul %get3A_1, %get3A_10, %dot_general3A_11 {dimension_numbers = #tpu.dot_dimension_numbers<[1], [0], [0], [1], [0, 0, 1, 1], [], []>, transpose_lhs_hint = false} : vector<2000x128xf32>, vector<128x32xf32>, vector<2000x32xf32> -> vector<2000x32xf32>
    %get3A_13 = arith.constant 0 : index
    %get3A_14 = arith.constant 0 : index
    %get3A_15 = vector.load %arg4[%get3A_13, %get3A_14] : memref<1x32xf32, #tpu.memory_space<vmem>>, vector<1x32xf32>
    %add3A = vector.broadcast %get3A_15 : vector<1x32xf32> to vector<2000x32xf32>
    %add3A_16 = arith.addf %dot_general3A_12, %add3A : vector<2000x32xf32>
    %swap3A_17 = arith.constant 0 : index
    %swap3A_18 = arith.constant 0 : index
    %swap3A_19 = vector.load %arg6[%swap3A_17, %swap3A_18] : memref<2000x32xf32, #tpu.memory_space<vmem>>, vector<2000x32xf32>
    tpu.vector_store %arg6[%swap3A_17, %swap3A_18], %add3A_16 {strides = array<i32>} : memref<2000x32xf32, #tpu.memory_space<vmem>>, vector<2000x32xf32>,
    return
  }
  func.func @transform_0(%arg0: i32) -> (i32, i32) {
    %c0_i32 = arith.constant 0 : i32
    %c0_i32_0 = arith.constant 0 : i32
    return %arg0, %c0_i32 : i32, i32
  }
  func.func @transform_1(%arg0: i32) -> (i32, i32) {
    %c0_i32 = arith.constant 0 : i32
    %c0_i32_0 = arith.constant 0 : i32
    %c0_i32_1 = arith.constant 0 : i32
    return %c0_i32, %c0_i32_0 : i32, i32
  }
  func.func @transform_2(%arg0: i32) -> (i32, i32) {
    %c0_i32 = arith.constant 0 : i32
    %c0_i32_0 = arith.constant 0 : i32
    %c0_i32_1 = arith.constant 0 : i32
    return %c0_i32, %c0_i32_0 : i32, i32
  }
  func.func @transform_3(%arg0: i32) -> (i32, i32) {
    %c0_i32 = arith.constant 0 : i32
    %c0_i32_0 = arith.constant 0 : i32
    %c0_i32_1 = arith.constant 0 : i32
    return %c0_i32, %c0_i32_0 : i32, i32
  }
  func.func @transform_4(%arg0: i32) -> (i32, i32) {
    %c0_i32 = arith.constant 0 : i32
    %c0_i32_0 = arith.constant 0 : i32
    return %arg0, %c0_i32 : i32, i32
  }
  func.func @transform_5(%arg0: i32) -> (i32, i32) {
    %c0_i32 = arith.constant 0 : i32
    %c0_i32_0 = arith.constant 0 : i32
    return %arg0, %c0_i32 : i32, i32
  }
}

module attributes {stable_mosaic.version = 14 : i64} {
  func.func @body(%arg0: i32, %arg1: i32, %arg2: memref<2048x32xf32, #tpu.memory_space<vmem>>, %arg3: memref<2048x32xf32, #tpu.memory_space<vmem>>, %arg4: memref<2048x16xf32, #tpu.memory_space<vmem>>, %arg5: memref<2048x16xf32, #tpu.memory_space<vmem>>, %arg6: memref<2048x32xf32, #tpu.memory_space<vmem>>, %arg7: memref<32x16xf32, #tpu.memory_space<vmem>>, %arg8: memref<32x16xf32, #tpu.memory_space<vmem>>, %arg9: memref<16x16xf32, #tpu.memory_space<vmem>>, %arg10: memref<1x16xf32, #tpu.memory_space<vmem>>, %arg11: memref<1x16xf32, #tpu.memory_space<vmem>>, %arg12: memref<1x2048x16xf32, #tpu.memory_space<vmem>>, %arg13: memref<1x2048x16xf32, #tpu.memory_space<vmem>>, %arg14: memref<2048x16xf32, #tpu.memory_space<vmem>>) attributes {dimension_semantics = [#tpu.dimension_semantics<arbitrary>, #tpu.dimension_semantics<arbitrary>], iteration_bounds = array<i64: 2, 5>, scalar_prefetch = 0 : i64, scratch_operands = 0 : i64, tpu.core_type = #tpu.core_type<tc>, window_params = [{transform_indices = @transform_0, window_bounds = array<i64: 2048, 32>}, {transform_indices = @transform_1, window_bounds = array<i64: 2048, 32>}, {transform_indices = @transform_2, window_bounds = array<i64: 2048, 16>}, {transform_indices = @transform_3, window_bounds = array<i64: 2048, 16>}, {transform_indices = @transform_4, window_bounds = array<i64: 2048, 32>}, {pipeline_mode = #tpu.pipeline_mode<synchronous>, transform_indices = @transform_5, window_bounds = array<i64: 32, 16>}, {pipeline_mode = #tpu.pipeline_mode<synchronous>, transform_indices = @transform_6, window_bounds = array<i64: 32, 16>}, {transform_indices = @transform_7, window_bounds = array<i64: 16, 16>}, {pipeline_mode = #tpu.pipeline_mode<synchronous>, transform_indices = @transform_8, window_bounds = array<i64: 1, 16>}, {pipeline_mode = #tpu.pipeline_mode<synchronous>, transform_indices = @transform_9, window_bounds = array<i64: 1, 16>}, {transform_indices = @transform_10, window_bounds = array<i64: 1, 2048, 16>}, {transform_indices = @transform_11, window_bounds = array<i64: 1, 2048, 16>}, {transform_indices = @transform_12, window_bounds = array<i64: 2048, 16>}]} {
    %get3A = arith.constant 0 : index
    %get3A_0 = arith.constant 0 : index
    %get3A_1 = vector.load %arg4[%get3A, %get3A_0] : memref<2048x16xf32, #tpu.memory_space<vmem>>, vector<2048x16xf32>
    %get3A_2 = arith.constant 0 : index
    %get3A_3 = arith.constant 0 : index
    %get3A_4 = vector.load %arg5[%get3A_2, %get3A_3] : memref<2048x16xf32, #tpu.memory_space<vmem>>, vector<2048x16xf32>
    %add3A = arith.addf %get3A_1, %get3A_4 : vector<2048x16xf32>
    %max3A = arith.constant 1.000000e+00 : f32
    %max3A_5 = vector.broadcast %max3A : f32 to vector<2048x16xf32>
    %max3A_6 = arith.maximumf %add3A, %max3A_5 : vector<2048x16xf32>
    %div3A = arith.constant 1.000000e+00 : f32
    %div3A_7 = vector.broadcast %div3A : f32 to vector<2048x16xf32>
    %div3A_8 = arith.divf %div3A_7, %max3A_6 : vector<2048x16xf32>
    %get3A_9 = arith.constant 0 : index
    %get3A_10 = arith.constant 0 : index
    %get3A_11 = vector.load %arg2[%get3A_9, %get3A_10] : memref<2048x32xf32, #tpu.memory_space<vmem>>, vector<2048x32xf32>
    %get3A_12 = arith.constant 0 : index
    %get3A_13 = arith.constant 0 : index
    %get3A_14 = vector.load %arg3[%get3A_12, %get3A_13] : memref<2048x32xf32, #tpu.memory_space<vmem>>, vector<2048x32xf32>
    %add3A_15 = arith.addf %get3A_11, %get3A_14 : vector<2048x32xf32>
    %slice3A = vector.extract_strided_slice %div3A_8 {offsets = [0, 0], sizes = [2048, 1], strides = [1, 1]} : vector<2048x16xf32> to vector<2048x1xf32>
    %mul3A = vector.broadcast %slice3A : vector<2048x1xf32> to vector<2048x32xf32>
    %mul3A_16 = arith.mulf %add3A_15, %mul3A : vector<2048x32xf32>
    %get3A_17 = arith.constant 0 : index
    %get3A_18 = arith.constant 0 : index
    %get3A_19 = vector.load %arg6[%get3A_17, %get3A_18] : memref<2048x32xf32, #tpu.memory_space<vmem>>, vector<2048x32xf32>
    %add3A_20 = arith.addf %mul3A_16, %get3A_19 : vector<2048x32xf32>
    %max3A_21 = arith.constant 0.000000e+00 : f32
    %max3A_22 = vector.broadcast %max3A_21 : f32 to vector<2048x32xf32>
    %max3A_23 = arith.maximumf %add3A_20, %max3A_22 : vector<2048x32xf32>
    %get3A_24 = arith.constant 0 : index
    %get3A_25 = arith.constant 0 : index
    %get3A_26 = vector.load %arg9[%get3A_24, %get3A_25] : memref<16x16xf32, #tpu.memory_space<vmem>>, vector<16x16xf32>
    %convert_element_type3A = arith.sitofp %arg0 : i32 to f32
    %sub3A = arith.constant 1.000000e+00 : f32
    %sub3A_27 = arith.subf %sub3A, %convert_element_type3A : f32
    %get3A_28 = arith.constant 0 : index
    %get3A_29 = arith.constant 0 : index
    %get3A_30 = vector.load %arg7[%get3A_28, %get3A_29] : memref<32x16xf32, #tpu.memory_space<vmem>>, vector<32x16xf32>
    %dot_general3A = arith.constant dense<0.000000e+00> : vector<32x16xf32>
    %dot_general3A_31 = tpu.matmul %get3A_30, %get3A_26, %dot_general3A {dimension_numbers = #tpu.dot_dimension_numbers<[1], [0], [0], [1], [0, 0, 1, 1], [], []>, transpose_lhs_hint = false} : vector<32x16xf32>, vector<16x16xf32>, vector<32x16xf32> -> vector<32x16xf32>
    %dot_general3A_32 = arith.constant dense<0.000000e+00> : vector<2048x16xf32>
    %dot_general3A_33 = tpu.matmul %max3A_23, %dot_general3A_31, %dot_general3A_32 {dimension_numbers = #tpu.dot_dimension_numbers<[1], [0], [0], [1], [0, 0, 1, 1], [], []>, transpose_lhs_hint = false} : vector<2048x32xf32>, vector<32x16xf32>, vector<2048x16xf32> -> vector<2048x16xf32>
    %swap3A = arith.constant 0 : index
    %swap3A_34 = arith.constant 0 : index
    %swap3A_35 = arith.constant 0 : index
    %swap3A_36 = vector.load %arg12[%swap3A, %swap3A_34, %swap3A_35] : memref<1x2048x16xf32, #tpu.memory_space<vmem>>, vector<1x2048x16xf32>
    %swap3A_37 = vector.shape_cast %swap3A_36 : vector<1x2048x16xf32> to vector<2048x16xf32>
    %swap3A_38 = vector.shape_cast %dot_general3A_33 : vector<2048x16xf32> to vector<1x2048x16xf32>
    tpu.vector_store %arg12[%swap3A, %swap3A_34, %swap3A_35], %swap3A_38 {strides = array<i32>} : memref<1x2048x16xf32, #tpu.memory_space<vmem>>, vector<1x2048x16xf32>,
    %get3A_39 = arith.constant 0 : index
    %get3A_40 = arith.constant 0 : index
    %get3A_41 = vector.load %arg8[%get3A_39, %get3A_40] : memref<32x16xf32, #tpu.memory_space<vmem>>, vector<32x16xf32>
    %dot_general3A_42 = arith.constant dense<0.000000e+00> : vector<32x16xf32>
    %dot_general3A_43 = tpu.matmul %get3A_41, %get3A_26, %dot_general3A_42 {dimension_numbers = #tpu.dot_dimension_numbers<[1], [0], [0], [1], [0, 0, 1, 1], [], []>, transpose_lhs_hint = false} : vector<32x16xf32>, vector<16x16xf32>, vector<32x16xf32> -> vector<32x16xf32>
    %dot_general3A_44 = arith.constant dense<0.000000e+00> : vector<2048x16xf32>
    %dot_general3A_45 = tpu.matmul %max3A_23, %dot_general3A_43, %dot_general3A_44 {dimension_numbers = #tpu.dot_dimension_numbers<[1], [0], [0], [1], [0, 0, 1, 1], [], []>, transpose_lhs_hint = false} : vector<2048x32xf32>, vector<32x16xf32>, vector<2048x16xf32> -> vector<2048x16xf32>
    %get3A_46 = arith.constant 0 : index
    %get3A_47 = arith.constant 0 : index
    %get3A_48 = vector.load %arg10[%get3A_46, %get3A_47] : memref<1x16xf32, #tpu.memory_space<vmem>>, vector<1x16xf32>
    %dot_general3A_49 = arith.constant dense<0.000000e+00> : vector<1x16xf32>
    %dot_general3A_50 = tpu.matmul %get3A_48, %get3A_26, %dot_general3A_49 {dimension_numbers = #tpu.dot_dimension_numbers<[1], [0], [0], [1], [0, 0, 1, 1], [], []>, transpose_lhs_hint = false} : vector<1x16xf32>, vector<16x16xf32>, vector<1x16xf32> -> vector<1x16xf32>
    %add3A_51 = vector.broadcast %dot_general3A_50 : vector<1x16xf32> to vector<2048x16xf32>
    %add3A_52 = arith.addf %dot_general3A_45, %add3A_51 : vector<2048x16xf32>
    %get3A_53 = arith.constant 0 : index
    %get3A_54 = arith.constant 0 : index
    %get3A_55 = vector.load %arg11[%get3A_53, %get3A_54] : memref<1x16xf32, #tpu.memory_space<vmem>>, vector<1x16xf32>
    %mul3A_56 = vector.broadcast %sub3A_27 : f32 to vector<1x16xf32>
    %mul3A_57 = arith.mulf %get3A_55, %mul3A_56 : vector<1x16xf32>
    %add3A_58 = vector.broadcast %mul3A_57 : vector<1x16xf32> to vector<2048x16xf32>
    %add3A_59 = arith.addf %add3A_52, %add3A_58 : vector<2048x16xf32>
    %swap3A_60 = arith.constant 0 : index
    %swap3A_61 = arith.constant 0 : index
    %swap3A_62 = arith.constant 0 : index
    %swap3A_63 = vector.load %arg13[%swap3A_60, %swap3A_61, %swap3A_62] : memref<1x2048x16xf32, #tpu.memory_space<vmem>>, vector<1x2048x16xf32>
    %swap3A_64 = vector.shape_cast %swap3A_63 : vector<1x2048x16xf32> to vector<2048x16xf32>
    %swap3A_65 = vector.shape_cast %add3A_59 : vector<2048x16xf32> to vector<1x2048x16xf32>
    tpu.vector_store %arg13[%swap3A_60, %swap3A_61, %swap3A_62], %swap3A_65 {strides = array<i32>} : memref<1x2048x16xf32, #tpu.memory_space<vmem>>, vector<1x2048x16xf32>,
    %swap3A_66 = arith.constant 0 : index
    %swap3A_67 = arith.constant 0 : index
    %swap3A_68 = vector.load %arg14[%swap3A_66, %swap3A_67] : memref<2048x16xf32, #tpu.memory_space<vmem>>, vector<2048x16xf32>
    tpu.vector_store %arg14[%swap3A_66, %swap3A_67], %div3A_8 {strides = array<i32>} : memref<2048x16xf32, #tpu.memory_space<vmem>>, vector<2048x16xf32>,
    return
  }
  func.func @transform_0(%arg0: i32, %arg1: i32) -> (i32, i32) {
    %c0_i32 = arith.constant 0 : i32
    %c0_i32_0 = arith.constant 0 : i32
    return %arg1, %c0_i32 : i32, i32
  }
  func.func @transform_1(%arg0: i32, %arg1: i32) -> (i32, i32) {
    %add3A = arith.constant 5 : i32
    %add3A_0 = arith.addi %arg1, %add3A : i32
    %c0_i32 = arith.constant 0 : i32
    %c0_i32_1 = arith.constant 0 : i32
    return %add3A_0, %c0_i32 : i32, i32
  }
  func.func @transform_2(%arg0: i32, %arg1: i32) -> (i32, i32) {
    %c0_i32 = arith.constant 0 : i32
    %c0_i32_0 = arith.constant 0 : i32
    return %arg1, %c0_i32 : i32, i32
  }
  func.func @transform_3(%arg0: i32, %arg1: i32) -> (i32, i32) {
    %add3A = arith.constant 5 : i32
    %add3A_0 = arith.addi %arg1, %add3A : i32
    %c0_i32 = arith.constant 0 : i32
    %c0_i32_1 = arith.constant 0 : i32
    return %add3A_0, %c0_i32 : i32, i32
  }
  func.func @transform_4(%arg0: i32, %arg1: i32) -> (i32, i32) {
    %c0_i32 = arith.constant 0 : i32
    %c0_i32_0 = arith.constant 0 : i32
    return %arg1, %c0_i32 : i32, i32
  }
  func.func @transform_5(%arg0: i32, %arg1: i32) -> (i32, i32) {
    %c0_i32 = arith.constant 0 : i32
    %c0_i32_0 = arith.constant 0 : i32
    %c0_i32_1 = arith.constant 0 : i32
    return %c0_i32, %c0_i32_0 : i32, i32
  }
  func.func @transform_6(%arg0: i32, %arg1: i32) -> (i32, i32) {
    %c0_i32 = arith.constant 0 : i32
    %c0_i32_0 = arith.constant 0 : i32
    %c0_i32_1 = arith.constant 0 : i32
    return %c0_i32, %c0_i32_0 : i32, i32
  }
  func.func @transform_7(%arg0: i32, %arg1: i32) -> (i32, i32) {
    %c0_i32 = arith.constant 0 : i32
    %c0_i32_0 = arith.constant 0 : i32
    return %arg0, %c0_i32 : i32, i32
  }
  func.func @transform_8(%arg0: i32, %arg1: i32) -> (i32, i32) {
    %c0_i32 = arith.constant 0 : i32
    %c0_i32_0 = arith.constant 0 : i32
    %c0_i32_1 = arith.constant 0 : i32
    return %c0_i32, %c0_i32_0 : i32, i32
  }
  func.func @transform_9(%arg0: i32, %arg1: i32) -> (i32, i32) {
    %c0_i32 = arith.constant 0 : i32
    %c0_i32_0 = arith.constant 0 : i32
    %c0_i32_1 = arith.constant 0 : i32
    return %c0_i32, %c0_i32_0 : i32, i32
  }
  func.func @transform_10(%arg0: i32, %arg1: i32) -> (i32, i32, i32) {
    %c0_i32 = arith.constant 0 : i32
    %c0_i32_0 = arith.constant 0 : i32
    return %arg0, %arg1, %c0_i32 : i32, i32, i32
  }
  func.func @transform_11(%arg0: i32, %arg1: i32) -> (i32, i32, i32) {
    %c0_i32 = arith.constant 0 : i32
    %c0_i32_0 = arith.constant 0 : i32
    return %arg0, %arg1, %c0_i32 : i32, i32, i32
  }
  func.func @transform_12(%arg0: i32, %arg1: i32) -> (i32, i32) {
    %c0_i32 = arith.constant 0 : i32
    %c0_i32_0 = arith.constant 0 : i32
    return %arg1, %c0_i32 : i32, i32
  }
}

module attributes {stable_mosaic.version = 14 : i64} {
  func.func @body(%arg0: i32, %arg1: memref<4096x128xf32, #tpu.memory_space<vmem>>, %arg2: memref<4096x128xf32, #tpu.memory_space<vmem>>, %arg3: memref<1x128xf32, #tpu.memory_space<vmem>>, %arg4: memref<128x8xf32, #tpu.memory_space<vmem>>, %arg5: memref<1x1xf32, #tpu.memory_space<vmem>>, %arg6: memref<4096x8xf32, #tpu.memory_space<vmem>>) attributes {dimension_semantics = [#tpu.dimension_semantics<arbitrary>], iteration_bounds = array<i64: 10>, scalar_prefetch = 0 : i64, scratch_operands = 0 : i64, tpu.core_type = #tpu.core_type<tc>, window_params = [{transform_indices = @transform_0, window_bounds = array<i64: 4096, 128>}, {transform_indices = @transform_1, window_bounds = array<i64: 4096, 128>}, {pipeline_mode = #tpu.pipeline_mode<synchronous>, transform_indices = @transform_2, window_bounds = array<i64: 1, 128>}, {pipeline_mode = #tpu.pipeline_mode<synchronous>, transform_indices = @transform_3, window_bounds = array<i64: 128, 8>}, {pipeline_mode = #tpu.pipeline_mode<synchronous>, transform_indices = @transform_4, window_bounds = array<i64: 1, 1>}, {transform_indices = @transform_5, window_bounds = array<i64: 4096, 8>}]} {
    %get3A = arith.constant 0 : index
    %get3A_0 = arith.constant 0 : index
    %get3A_1 = vector.load %arg1[%get3A, %get3A_0] : memref<4096x128xf32, #tpu.memory_space<vmem>>, vector<4096x128xf32>
    %get3A_2 = arith.constant 0 : index
    %get3A_3 = arith.constant 0 : index
    %get3A_4 = vector.load %arg2[%get3A_2, %get3A_3] : memref<4096x128xf32, #tpu.memory_space<vmem>>, vector<4096x128xf32>
    %add3A = arith.addf %get3A_1, %get3A_4 : vector<4096x128xf32>
    %max3A = arith.constant 0.000000e+00 : f32
    %max3A_5 = vector.broadcast %max3A : f32 to vector<4096x128xf32>
    %max3A_6 = arith.maximumf %add3A, %max3A_5 : vector<4096x128xf32>
    %get3A_7 = arith.constant 0 : index
    %get3A_8 = arith.constant 0 : index
    %get3A_9 = vector.load %arg3[%get3A_7, %get3A_8] : memref<1x128xf32, #tpu.memory_space<vmem>>, vector<1x128xf32>
    %mul3A = vector.broadcast %get3A_9 : vector<1x128xf32> to vector<4096x128xf32>
    %mul3A_10 = arith.mulf %max3A_6, %mul3A : vector<4096x128xf32>
    %get3A_11 = arith.constant 0 : index
    %get3A_12 = arith.constant 0 : index
    %get3A_13 = vector.load %arg4[%get3A_11, %get3A_12] : memref<128x8xf32, #tpu.memory_space<vmem>>, vector<128x8xf32>
    %dot_general3A = arith.constant dense<0.000000e+00> : vector<4096x8xf32>
    %dot_general3A_14 = tpu.matmul %mul3A_10, %get3A_13, %dot_general3A {dimension_numbers = #tpu.dot_dimension_numbers<[1], [0], [0], [1], [0, 0, 1, 1], [], []>, precision = #tpu.contract_precision<fp32>, transpose_lhs_hint = false} : vector<4096x128xf32>, vector<128x8xf32>, vector<4096x8xf32> -> vector<4096x8xf32>
    %get3A_15 = arith.constant 0 : index
    %get3A_16 = arith.constant 0 : index
    %get3A_17 = vector.load %arg5[%get3A_15, %get3A_16] : memref<1x1xf32, #tpu.memory_space<vmem>>, vector<1x1xf32>
    %get3A_18 = vector.extract %get3A_17[0, 0] : f32 from vector<1x1xf32>
    %add3A_19 = vector.broadcast %get3A_18 : f32 to vector<4096x8xf32>
    %add3A_20 = arith.addf %dot_general3A_14, %add3A_19 : vector<4096x8xf32>
    %swap3A = arith.constant 0 : index
    %swap3A_21 = arith.constant 0 : index
    %swap3A_22 = vector.load %arg6[%swap3A, %swap3A_21] : memref<4096x8xf32, #tpu.memory_space<vmem>>, vector<4096x8xf32>
    tpu.vector_store %arg6[%swap3A, %swap3A_21], %add3A_20 {strides = array<i32>} : memref<4096x8xf32, #tpu.memory_space<vmem>>, vector<4096x8xf32>,
    return
  }
  func.func @transform_0(%arg0: i32) -> (i32, i32) {
    %c0_i32 = arith.constant 0 : i32
    %c0_i32_0 = arith.constant 0 : i32
    return %arg0, %c0_i32 : i32, i32
  }
  func.func @transform_1(%arg0: i32) -> (i32, i32) {
    %add3A = arith.constant 10 : i32
    %add3A_0 = arith.addi %arg0, %add3A : i32
    %c0_i32 = arith.constant 0 : i32
    %c0_i32_1 = arith.constant 0 : i32
    return %add3A_0, %c0_i32 : i32, i32
  }
  func.func @transform_2(%arg0: i32) -> (i32, i32) {
    %c0_i32 = arith.constant 0 : i32
    %c0_i32_0 = arith.constant 0 : i32
    %c0_i32_1 = arith.constant 0 : i32
    return %c0_i32, %c0_i32_0 : i32, i32
  }
  func.func @transform_3(%arg0: i32) -> (i32, i32) {
    %c0_i32 = arith.constant 0 : i32
    %c0_i32_0 = arith.constant 0 : i32
    %c0_i32_1 = arith.constant 0 : i32
    return %c0_i32, %c0_i32_0 : i32, i32
  }
  func.func @transform_4(%arg0: i32) -> (i32, i32) {
    %c0_i32 = arith.constant 0 : i32
    %c0_i32_0 = arith.constant 0 : i32
    %c0_i32_1 = arith.constant 0 : i32
    return %c0_i32, %c0_i32_0 : i32, i32
  }
  func.func @transform_5(%arg0: i32) -> (i32, i32) {
    %c0_i32 = arith.constant 0 : i32
    %c0_i32_0 = arith.constant 0 : i32
    return %arg0, %c0_i32 : i32, i32
  }
}

</mosaic_0001>

<sc_bundles>
// kernel: kernel.10.cloned.1.call-start
scs
__scs_entry_jumppad:
0x0: {  	(pc) =	sbr.rel $0x88, $3  }
0x1: {  	(tag) =	ssettag $0x0;
	lr =	simm.s32 $0x1  }
0x2: {  	[smem:$0x3F95] =	sst lr;
	_ =	strace $0xD0000000  }
0x3: {  	_ = 	snop  }
0x4: {  	_ = 	snop  }
0x5: {  	_ = 	snop  }
0x6: {  	_ = 	snop  }
0x7: {  	_ = 	snop  }
__scs_overlays_trampoline_lowered:
0x8: {  	[smem:$0x3FA4] =	sst s0  }
0x9: {  	[smem:$0x3FA5] =	sst s1  }
0xa: {  	[smem:$0x3FA6] =	sst s2  }
0xb: {  	[smem:$0x3FA7] =	sst s3  }
0xc: {  	[smem:$0x3FA8] =	sst s4  }
0xd: {  	[smem:$0x3FA9] =	sst s5  }
0xe: {  	[smem:$0x3FAA] =	sst s6  }
0xf: {  	[smem:$0x3FAB] =	sst s7  }
0x10: {  	[smem:$0x3FAC] =	sst s8  }
0x11: {  	[smem:$0x3FAD] =	sst s9;
	s0 =	simm.s32 @!p0 $0x0  }
0x12: {  	s1 =	sld [smem:$0x3F93];
	s0 =	simm.s32 @p0 $0x1  }
0x13: {  	[smem:$0x3FAE] =	sst s0;
	s0 =	simm.s32 @!p1 $0x0  }
0x14: {  	s2 =	sld [smem:$0x3F92];
	s0 =	simm.s32 @p1 $0x1  }
0x15: {  	[smem:$0x3FAF] =	sst s0;
	s0 =	simm.s32 @!p2 $0x0  }
0x16: {  	s3 =	sld [smem:$0x3FDB];
	s0 =	simm.s32 @p2 $0x1  }
0x17: {  	s4 =	simm.s32 $0x1BF5;
	[smem:$0x3FB1] =	sst s0  }
0x18: {  	s0 =	sld [smem:$0x3F94];
	_ =	swait.ge [sflag:s4], $0x0  }
0x19: {  	s7 =	sld [smem:$0x3F95]  }
0x1a: {  	s8 =	sadd.s32 $0xFFFFE003, lr  }
0x1b: {  	s9 =	sadd.s32 $0xFFFFFEF7, lr;
	s5 =	simm.s32 $0xFFFFFFFF;
	p2 =	slt.u32 s8, $0xFFFFF086  }
0x1c: {  	p1 =	slt.u32 s9, $0xF7A;
	s5 =	simm.s32 @!p2 $0x0  }
0x1d: {  	s5 =	simm.s32 @p1 $0x1;
	p0 =	seq.s32 s7, s2  }
0x1e: {  	s7 =	smul.u32 @!p0 $0xF7A, s2;
	p2 =	seq.s32 @!p0 s5, $0x0  }
0x1f: {  	s9 =	smul.u32 $0xF7A, s1;
	s8 =	simm.s32 @!p0 $0x1BF5;
	p2 =	por !p2, p0  }
0x20: {  	[sflag:s8] =	ssyncset.s32 @!p0 $0xFFFFF086;
	s6 =	sadd.s32 @!p0 s3, s7;
	s7 =	simm.s32 @!p0 $0x108  }
0x21: {  	s3 =	sadd.s32 s3, s9;
	s6 =	sadd.s32 @!p0 $0x88, s6;
	s7 =	simm.s32 @p2 $0x1082  }
0x22: {  	[simem:s7], [sflag:s8] =	dma.local @!p0 [hbm:s6], $0xF7A  }
0x23: {  	s9 =	sor.u32 $0xD0000000, s2;
	s6 =	simm.s32 $0x108;
	_ =	swait.ge @!p0 [sflag:s8], $0x0  }
0x24: {  	s3 =	sadd.s32 $0x88, s3;
	s6 =	simm.s32 @!p1 $0x1082;
	[sflag:s4] =	ssyncset.s32 $0xFFFFF086  }
0x25: {  	[simem:s6], [sflag:s4] =	dma.local [hbm:s3], $0xF7A  }
0x26: {  	[smem:$0x3F95] =	sst s1;
	(tag) =	ssettag s2;
	_ =	strace s9  }
0x27: {  	s1 =	sld [smem:$0x3FA5]  }
0x28: {  	s2 =	sld [smem:$0x3FA6]  }
0x29: {  	s4 =	sld [smem:$0x3FA8]  }
0x2a: {  	p0 =	seq.s32 s5, $0x0;
	s5 =	sld [smem:$0x3FA9]  }
0x2b: {  	s6 =	sld [smem:$0x3FAA]  }
0x2c: {  	s7 =	sld [smem:$0x3FAB]  }
0x2d: {  	s3 =	simm.s32 $0x108;
	s8 =	sld [smem:$0x3FAC]  }
0x2e: {  	s3 =	simm.s32 @!p0 $0x1082;
	s9 =	sld [smem:$0x3FAD]  }
0x2f: {  	lr =	sadd.s32 s0, s3;
	s0 =	sld [smem:$0x3FA4]  }
0x30: {  	s3 =	sld [smem:$0x3FA7]  }
0x31: {  	[smem:$0x3FB0] =	sst s10  }
0x32: {  	s10 =	sld [smem:$0x3FAE];
	_ =	sdelay $0x3  }
0x33: {  	p0 =	seq.s32 s10, $0x1;
	s10 =	sld [smem:$0x3FB0];
	_ =	sdelay $0x3  }
0x34: {  	[smem:$0x3FB0] =	sst s10  }
0x35: {  	s10 =	sld [smem:$0x3FAF];
	_ =	sdelay $0x3  }
0x36: {  	p1 =	seq.s32 s10, $0x1;
	s10 =	sld [smem:$0x3FB0];
	_ =	sdelay $0x3  }
0x37: {  	[smem:$0x3FB0] =	sst s10  }
0x38: {  	s10 =	sld [smem:$0x3FB1]  }
0x39: {  	_ = 	snop;
	(pc) =	sbr.ind lr, $3  }
0x3a: {  	_ = 	snop  }
0x3b: {  	_ = 	snop  }
0x3c: {  	p2 =	seq.s32 s10, $0x1;
	s10 =	sld [smem:$0x3FB0]  }
0x3d: {  	_ =	shalt  }
0x3e: {  	_ =	shalt  }
0x3f: {  	_ =	shalt  }
0x40: {  	_ =	shalt  }
0x41: {  	_ =	shalt  }
0x42: {  	_ =	shalt  }
0x43: {  	_ =	shalt  }
0x44: {  	_ =	shalt  }
0x45: {  	_ =	shalt  }
0x46: {  	_ =	shalt  }
0x47: {  	_ =	shalt  }
0x48: {  	_ =	shalt  }
0x49: {  	_ =	shalt  }
0x4a: {  	_ =	shalt  }
0x4b: {  	_ =	shalt  }
0x4c: {  	_ =	shalt  }
0x4d: {  	_ =	shalt  }
0x4e: {  	_ =	shalt  }
0x4f: {  	_ =	shalt  }
0x50: {  	_ =	shalt  }
0x51: {  	_ =	shalt  }
0x52: {  	_ =	shalt  }
0x53: {  	_ =	shalt  }
0x54: {  	_ =	shalt  }
0x55: {  	_ =	shalt  }
0x56: {  	_ =	shalt  }
0x57: {  	_ =	shalt  }
0x58: {  	_ =	shalt  }
0x59: {  	_ =	shalt  }
0x5a: {  	_ =	shalt  }
0x5b: {  	_ =	shalt  }
0x5c: {  	_ =	shalt  }
0x5d: {  	_ =	shalt  }
0x5e: {  	_ =	shalt  }
0x5f: {  	_ =	shalt  }
0x60: {  	_ =	shalt  }
0x61: {  	_ =	shalt  }
0x62: {  	_ =	shalt  }
0x63: {  	_ =	shalt  }
0x64: {  	_ =	shalt  }
0x65: {  	_ =	shalt  }
0x66: {  	_ =	shalt  }
0x67: {  	_ =	shalt  }
0x68: {  	_ =	shalt  }
0x69: {  	_ =	shalt  }
0x6a: {  	_ =	shalt  }
0x6b: {  	_ =	shalt  }
0x6c: {  	_ =	shalt  }
0x6d: {  	_ =	shalt  }
0x6e: {  	_ =	shalt  }
0x6f: {  	_ =	shalt  }
0x70: {  	_ =	shalt  }
0x71: {  	_ =	shalt  }
0x72: {  	_ =	shalt  }
0x73: {  	_ =	shalt  }
0x74: {  	_ =	shalt  }
0x75: {  	_ =	shalt  }
0x76: {  	_ =	shalt  }
0x77: {  	_ =	shalt  }
0x78: {  	_ =	shalt  }
0x79: {  	_ =	shalt  }
0x7a: {  	_ =	shalt  }
0x7b: {  	_ =	shalt  }
0x7c: {  	_ =	shalt  }
0x7d: {  	_ =	shalt  }
0x7e: {  	_ =	shalt  }
0x7f: {  	_ =	shalt  }
0x80: {  	_ =	shalt  }
0x81: {  	_ =	shalt  }
0x82: {  	_ =	shalt  }
0x83: {  	_ =	shalt  }
0x84: {  	_ =	shalt  }
0x85: {  	_ =	shalt  }
0x86: {  	_ =	shalt  }
0x87: {  	_ =	shalt  }
.Lfunc_end0:
.L_simem_size_0:
called_computation.1_lowered:
.L_overlay_start_0:
0x88: {  	s2 =	sld [smem:$0x3FD9]  }
0x89: {  	s3 =	sld [smem:$0x3FFE];
	_ =	sdelay $0x1  }
0x8a: {  	s1 =	srdreg.scid  }
0x8b: {  	s0 =	sand.u32 $0x1, s1  }
0x8c: {  	s17 =	sshll.u32 s0, $0xA;
	s2 =	sadd.s32 s3, s2  }
0x8d: {  	s2 =	sadd.s32 s2, s17  }
0x8e: {  	[smem:$0x3FBC] =	sst s2  }
0x8f: {  	_ = 	snop  }
0x90: {  	s2 =	sld [smem:$0x3FD0];
	(tm) =	ssettm $0x1  }
0x91: {  	s18 =	sld [smem:$0x3FFB];
	_ =	sdelay $0x3  }
0x92: {  	_ =	strace s18  }
0x93: {  	s3 =	sld [smem:$0x3FFC];
	_ =	sdelay $0x3  }
0x94: {  	_ =	strace s3  }
0x95: {  	s3 =	sld [smem:$0x3FFD];
	_ =	sdelay $0x3  }
0x96: {  	_ =	strace s3  }
0x97: {  	_ =	strace $0x8FFFFFFF  }
0x98: {  	s19 =	sld [smem:$0x3FDB];
	_ =	sdelay $0x1  }
0x99: {  	s4 =	simm.s32 $_scs_section_size  }
0x9a: {  	s5 =	simm.s32 $_size__tile_overlayer_lowered;
	s6 =	simm.s32 $_tile_overlayer_lowered  }
0x9b: {  	s22 =	simm.s32 $0x1BFF;
	s21 =	sshll.u32 s6, $0x1;
	s3 =	sadd.s32 s4, s19  }
0x9c: {  	s7 =	simm.s32 $0x0;
	s20 =	sshll.u32 s5, $0x1;
	s5 =	sadd.s32 s21, s3  }
0x9d: {  	[timem:s7], [sflag:s22] =	dma.local [hbm:s5], s20  }
0x9e: {  	_ =	swait.ge [sflag:s22], s20  }
0x9f: {  	s4 =	ssub.s32 $0x0, s20;
	[sflag:s22] =	ssyncset.done $0x0  }
0xa0: {  	[sflag:s22] =	ssyncadd.s32 s4;
	_ =	sdelay $0x1  }
0xa1: {  	s23 =	simm.s32 $0x1B8B  }
0xa2: {  	_ =	swait.ge [sflag:s23], $0x1  }
0xa3: {  	[sflag:s23] =	ssyncset.done $0x0  }
0xa4: {  	s25 =	simm.s32 $0x1B8E;
	s24 =	sld [smem:$0x3FFE];
	[sflag:s23] =	ssyncadd.s32 $0xFFFFFFFF  }
0xa5: {  	s26 =	simm.s32 $execute0_lowered;
	[smem:$0x3FD2] =	sst s25  }
0xa6: {  	s5 =	sshll.u32 s26, $0x1;
	_ =	strace $0x80000049;
	[dreg:$0x1] =	wrdreg $0xFFFFFFFF  }
0xa7: {  	s28 =	simm.s32 $_size_execute0_lowered;
	s3 =	sadd.s32 s3, s5;
	[dreg:$0x0] =	wrdreg $0x0  }
0xa8: {  	s5 =	sshll.u32 s28, $0x1;
	[dreg:$0x2] =	wrdreg s3  }
0xa9: {  	[dreg:$0x3] =	wrdreg s5  }
0xaa: {  	[dreg:$0x4] =	wrdreg $0xC0  }
0xab: {  	_ =	task [dreg:s7], $0x5FFFF  }
0xac: {  	[dreg:$0x1] =	wrdreg $0xFFFFFFFF  }
0xad: {  	[dreg:$0x0] =	wrdreg $0x60  }
0xae: {  	[dreg:$0x2] =	wrdreg s24  }
0xaf: {  	[dreg:$0x3] =	wrdreg s2  }
0xb0: {  	[dreg:$0x4] =	wrdreg $0x0  }
0xb1: {  	[dreg:$0x5] =	wrdreg $0x9  }
0xb2: {  	_ =	task.clear_ibuf [dreg:s7], $0x6FFFF;
	_ =	strace $0x90000049  }
0xb3: {  	s29 =	simm.s32 $0x9;
	_ =	strace $0x8000004B  }
0xb4: {  	_ =	swait.ge [sflag:s29], $0x1  }
0xb5: {  	[sflag:s29] =	ssyncadd.s32 $0xFFFFFFFF  }
0xb6: {  	_ =	strace $0x9000004B  }
0xb7: {  	_ =	sfence  }
0xb8: {  	s30 =	sld [smem:$0x0];
	_ =	sdelay $0x2  }
0xb9: {  	s31 =	sshll.u32 s1, $0xD;
	s1 =	sshrl.u32 s1, $0x2  }
0xba: {  	s3 =	sand.u32 $0x4000, s31;
	s1 =	sadd.s32 s1, s30  }
0xbb: {  	s0 =	sor.u32 s3, s0;
	s1 =	sshll.u32 s1, $0x11  }
0xbc: {  	s0 =	sor.u32 s1, s0  }
0xbd: {  	s0 =	sadd.s32 $0x8F2B, s0  }
0xbe: {  	[sflag:s0] =	ssyncadd.remote.s32 $0x1  }
0xbf: {  	_ =	sfence.sel $0xFFFF  }
0xc0: {  	[dreg:$0x0] =	wrdreg $0xFFFFFFFF;
	(pc) =	sbr.abs _section_cstart, $3  }
0xc1: {  	[dreg:$0x1] =	wrdreg $0xFFFFFFFF  }
0xc2: {  	_ =	task.clear_ibuf [dreg:s7], $0x2FFFF;
	_ =	strace $0x9FFFFFFF  }
0xc3: {  	(tm) =	ssettm $0x7FFFFFFF  }
tec
execute0_lowered:
.L_overlay_start_1:
0x0: {  	(tag) =	ssettag $0x1  }
0x1: {  	s0 =	rddreg [dreg:$0x0]  }
0x2: {  	s1 =	rddreg [dreg:$0x1];
	s3 =	srdreg.scid  }
0x3: {  	s2 =	rddreg [dreg:$0x2];
	s19 =	stileid.u32  }
0x4: {  	s28 =	simm.s32 $0x11800;
	s29 =	simm.s32 $0x5;
	s6 =	smul.u32 $0x5000, s19  }
0x5: {  	s31 =	simm.s32 $0x12000;
	s4 =	sand.u32 $0x1, s3;
	s9 =	smul.u32 $0x280, s19  }
0x6: {  	s3 =	simm.s32 $0x0;
	s10 =	sadd.s32 $0x16200, s0;
	s11 =	smul.u32 $0x2800, s19  }
0x7: {  	s5 =	sshll.u32 s4, $0x4;
	[smem:$0x7FF] =	sst s3;
	s7 =	ssub.s32 $0x2, s4  }
0x8: {  	s16 =	smul.u32 $0x2800, s4;
	s5 =	sor.u32 s19, s5;
	_ =	strace $0x8000004A  }
0x9: {  	s8 =	sshrl.u32 s7, $0x1;
	s12 =	sadd.s32 $0x80, s9;
	s13 =	sadd.s32 $0x100, s9  }
0xa: {  	s17 =	sadd.s32 $0x180, s9;
	s18 =	sadd.s32 $0x200, s9;
	s14 =	sshrl.u32 s11, $0x3  }
0xb: {  	s5 =	smul.u32 $0xA00, s5;
	s7 =	ssub.s32 s7, s8;
	s9 =	sadd.s32 s9, s16  }
0xc: {  	s15 =	sadd.s32 s16, s12;
	s20 =	sadd.s32 s1, s14;
	s22 =	sshll.u32 s12, $0x1  }
0xd: {  	s23 =	sadd.s32 s16, s13;
	s25 =	sadd.s32 s16, s17;
	s26 =	sshll.u32 s13, $0x1  }
0xe: {  	s8 =	sadd.s32 s16, s18;
	s16 =	sshll.u32 s18, $0x1;
	s9 =	sshll.u32 s9, $0x1  }
0xf: {  	[dreg:$0x5] =	wrdreg s20;
	s21 =	sshll.u32 s15, $0x1;
	s24 =	sshll.u32 s23, $0x1  }
0x10: {  	s14 =	sshll.u32 s25, $0x1;
	s8 =	sshll.u32 s8, $0x1;
	s15 =	smul.u32 $0x50000, s4  }
0x11: {  	s20 =	sshrl.u32 s6, $0x3;
	s4 =	smul.u32 $0xA0000, s4;
	s23 =	sshll.u32 s17, $0x4  }
0x12: {  	s25 =	smul.u32 $0xA000, s19;
	s9 =	sadd.s32 s10, s9;
	s30 =	sadd.s32 s10, s14  }
0x13: {  	s14 =	sshll.u32 s17, $0x1;
	s8 =	sadd.s32 s10, s8;
	[dreg:$0x4] =	wrdreg s9  }
0x14: {  	s5 =	sadd.s32 s5, s0;
	s19 =	sadd.s32 s23, s2;
	[dreg:$0xa] =	wrdreg s30  }
0x15: {  	s9 =	sadd.s32 s10, s21;
	[dreg:$0xc] =	wrdreg s8;
	s6 =	sadd.s32 s6, s15  }
0x16: {  	s15 =	sadd.s32 s11, s2;
	s21 =	sshll.u32 s12, $0x4;
	s30 =	sadd.s32 $0x34200, s5  }
0x17: {  	s8 =	simm.s32 $0x12800;
	s11 =	simm.s32 $0x4;
	[dreg:$0x6] =	wrdreg s9  }
0x18: {  	s12 =	simm.s32 $0x0;
	s9 =	sadd.s32 s1, s22;
	[dreg:$0x10] =	wrdreg s30  }
0x19: {  	s22 =	sshll.u32 s13, $0x4;
	s6 =	sshll.u32 s6, $0x1;
	[dreg:$0x7] =	wrdreg s9  }
0x1a: {  	s9 =	sadd.s32 s10, s24;
	s24 =	sshll.u32 s18, $0x4;
	s18 =	sadd.s32 s22, s2  }
0x1b: {  	s10 =	simm.s32 $0x3;
	[dreg:$0x8] =	wrdreg s9;
	s9 =	sadd.s32 s1, s26  }
0x1c: {  	s26 =	sadd.s32 $0x48200, s5;
	s5 =	simm.s32 $0x2;
	[dreg:$0x9] =	wrdreg s9  }
0x1d: {  	s9 =	sadd.s32 s1, s14;
	s1 =	sadd.s32 s1, s16;
	[dreg:$0xe] =	wrdreg s26  }
0x1e: {  	s14 =	sadd.s32 $0xC200, s0;
	s16 =	sadd.s32 s21, s2;
	[dreg:$0xb] =	wrdreg s9  }
0x1f: {  	[dreg:$0xd] =	wrdreg s1;
	s1 =	sadd.s32 s20, s0;
	s0 =	sadd.s32 $0x5C200, s0  }
0x20: {  	s20 =	sadd.s32 s24, s2;
	s24 =	smax.u32 s7, $0x1;
	s7 =	simm.s32 $0x14000  }
0x21: {  	s9 =	simm.s32 $0x13000;
	s17 =	sadd.s32 s0, s6;
	s0 =	sadd.s32 s4, s0  }
0x22: {  	s1 =	sadd.s32 $0x2200, s1;
	s4 =	simm.s32 $0x1;
	s6 =	simm.s32 $0x13800  }
0x23: {  	s0 =	sadd.s32 s25, s0;
	[dreg:$0xf] =	wrdreg s1;
	s26 =	sadd.s32 $0x9F00, s17  }
0x24: {  	v0 =	vimm.f32 $0.0e+00;
	s1 =	simm.s32 $0x80;
	s25 =	sadd.s32 $0x100, s0;
	s0 =	simm.s32 $0xC800  }
.LBB2_1:
0x25: {  	s13 =	simm.s32 $0x40;
	s21 =	simm.s32 $0x0  }
.LBB2_2:
0x26: {  	p0 =	sne.s32 s13, $0x1FC0;
	[tilespmem:s21+$0x11800] =	vst v0;
	s21 =	smov.u32 s13;
	s13 =	sadd.s32 $0x40, s13  }
.Ltmp0:
0x27: {  	(pc) =	sbr.rel @p0 .LBB2_2-.Ltmp0, $2  }
0x28: {  	_ =	sdelay $0x2  }
0x29: {  	s21 =	sshra.s32 s21, $0x2  }
0x2a: {  	[tilespmem:s21+$0x11800] =	vst v0  }
0x2b: {  	[spmem:s15] =	stream.linear.scatter [tilespmem:s28], [sflag:$0x5], $0x800, $0x38;
	[tilespmem:$0x14800] =	vst v63  }
0x2c: {  	_ =	swait.ge [sflag:s29], $0x800  }
0x2d: {  	[sflag:s29] =	ssyncset.done $0x0  }
0x2e: {  	[sflag:s29] =	ssyncadd.s32 $0xFFFFF800  }
0x2f: {  	[spmem:s16] =	stream.linear.scatter [tilespmem:s28], [sflag:$0x5], $0x800, $0x38;
	[tilespmem:$0x14800] =	vst v63  }
0x30: {  	_ =	swait.ge [sflag:s29], $0x800  }
0x31: {  	[sflag:s29] =	ssyncset.done $0x0  }
0x32: {  	[sflag:s29] =	ssyncadd.s32 $0xFFFFF800  }
0x33: {  	[spmem:s18] =	stream.linear.scatter [tilespmem:s28], [sflag:$0x5], $0x800, $0x38;
	[tilespmem:$0x14800] =	vst v63  }
0x34: {  	_ =	swait.ge [sflag:s29], $0x800  }
0x35: {  	[sflag:s29] =	ssyncset.done $0x0  }
0x36: {  	[sflag:s29] =	ssyncadd.s32 $0xFFFFF800  }
0x37: {  	[spmem:s19] =	stream.linear.scatter [tilespmem:s28], [sflag:$0x5], $0x800, $0x38;
	[tilespmem:$0x14800] =	vst v63  }
0x38: {  	_ =	swait.ge [sflag:s29], $0x800  }
0x39: {  	[sflag:s29] =	ssyncset.done $0x0  }
0x3a: {  	[sflag:s29] =	ssyncadd.s32 $0xFFFFF800  }
0x3b: {  	[spmem:s20] =	stream.linear.scatter [tilespmem:s28], [sflag:$0x5], $0x800, $0x38;
	[tilespmem:$0x14800] =	vst v63  }
0x3c: {  	_ =	swait.ge [sflag:s29], $0x800  }
0x3d: {  	s13 =	simm.s32 $0x0;
	[sflag:s29] =	ssyncset.done $0x0  }
0x3e: {  	s22 =	simm.s32 $0x2800;
	s23 =	rddreg [dreg:$0xe];
	[sflag:s29] =	ssyncadd.s32 $0xFFFFF800  }
0x3f: {  	[tilespmem:s22], [sflag:$0x5] =	stream.linear.gather [hbm4b:s23+s13], $0x5000, $0x38;
	[tilespmem:$0x14800] =	vst v63  }
0x40: {  	_ =	swait.ge [sflag:s29], $0x5000  }
0x41: {  	[sflag:s29] =	ssyncset.done $0x0  }
0x42: {  	s23 =	simm.s32 $0x7800;
	s30 =	rddreg [dreg:$0xf];
	[sflag:s29] =	ssyncadd.s32 $0xFFFFB000  }
0x43: {  	[tilespmem:s23], [sflag:$0x5] =	stream.linear.gather [hbm4b:s30+s13], $0x5000, $0x38;
	[tilespmem:$0x14800] =	vst v63  }
0x44: {  	_ =	swait.ge [sflag:s29], $0x5000  }
0x45: {  	[sflag:s29] =	ssyncset.done $0x0  }
0x46: {  	s30 =	rddreg [dreg:$0x10];
	[sflag:s29] =	ssyncadd.s32 $0xFFFFB000  }
0x47: {  	[tilespmem:s0], [sflag:$0x5] =	stream.linear.gather [hbm4b:s30+s13], $0x5000, $0x38;
	[tilespmem:$0x14800] =	vst v63  }
0x48: {  	_ =	swait.ge [sflag:s29], $0x5000  }
0x49: {  	[sflag:s29] =	ssyncset.done $0x0  }
0x4a: {  	[sflag:s29] =	ssyncadd.s32 $0xFFFFB000  }
0x4b: {  	[bflag:$0x0] =	sbarrier.arrive $0xFFFF  }
0x4c: {  	[tilespmem:s28], [sflag:$0x1] =	stream.indirect.gather [hbm4b:s14+s1], $0x10, s22, s1, $0xb8;
	[tilespmem:$0x14800] =	vst v63  }
0x4d: {  	s21 =	simm.s32 $0x2880  }
0x4e: {  	[tilespmem:s31], [sflag:$0x2] =	stream.indirect.gather [hbm4b:s14+s1], $0x10, s21, s1, $0xb8;
	[tilespmem:$0x14800] =	vst v63  }
0x4f: {  	_ =	swait.ge [sflag:s4], $0x800  }
0x50: {  	[sflag:s4] =	ssyncset.done $0x0  }
0x51: {  	s22 =	simm.s32 $0x7800;
	[sflag:s4] =	ssyncadd.s32 $0xFFFFF800  }
0x52: {  	[spmem:s2] =	stream.indirect.scatter.add.f32 [tilespmem:s28], [sflag:$0x5], $0x10, s22, s1, $0xb8;
	[tilespmem:$0x14800] =	vst v63  }
0x53: {  	_ =	swait.ge [sflag:s29], $0x800  }
0x54: {  	[sflag:s29] =	ssyncset.done $0x0  }
0x55: {  	s23 =	simm.s32 $0x2900;
	[sflag:s29] =	ssyncadd.s32 $0xFFFFF800  }
0x56: {  	[tilespmem:s28], [sflag:$0x1] =	stream.indirect.gather [hbm4b:s14+s1], $0x10, s23, s1, $0xb8;
	[tilespmem:$0x14800] =	vst v63  }
0x57: {  	_ =	swait.ge [sflag:s5], $0x800  }
0x58: {  	[sflag:s5] =	ssyncset.done $0x0  }
0x59: {  	s30 =	simm.s32 $0x7880;
	[sflag:s5] =	ssyncadd.s32 $0xFFFFF800  }
0x5a: {  	[spmem:s2] =	stream.indirect.scatter.add.f32 [tilespmem:s31], [sflag:$0x5], $0x10, s30, s1, $0xb8;
	[tilespmem:$0x14800] =	vst v63  }
0x5b: {  	_ =	swait.ge [sflag:s29], $0x800  }
0x5c: {  	s13 =	simm.s32 $0x100;
	s21 =	simm.s32 $0x800;
	[sflag:s29] =	ssyncset.done $0x0  }
.LBB2_4:
0x5d: {  	s30 =	sadd.s32 $0x2880, s13  }
0x5e: {  	[sflag:s29] =	ssyncadd.s32 $0xFFFFF800;
	s22 =	smov.u32 s21;
	s23 =	sadd.s32 $0x400, s21  }
0x5f: {  	[tilespmem:s31], [sflag:$0x2] =	stream.indirect.gather [hbm4b:s14+s1], $0x10, s30, s1, $0xb8;
	[tilespmem:$0x14800] =	vst v63  }
0x60: {  	p0 =	sne.s32 s21, $0x13800;
	_ =	swait.ge [sflag:s4], $0x800  }
0x61: {  	[sflag:s4] =	ssyncset.done $0x0  }
0x62: {  	s21 =	sadd.s32 $0x7800, s13;
	[sflag:s4] =	ssyncadd.s32 $0xFFFFF800  }
0x63: {  	[spmem:s2] =	stream.indirect.scatter.add.f32 [tilespmem:s28], [sflag:$0x5], $0x10, s21, s1, $0xb8;
	[tilespmem:$0x14800] =	vst v63  }
0x64: {  	_ =	swait.ge [sflag:s29], $0x800  }
0x65: {  	[sflag:s29] =	ssyncset.done $0x0  }
0x66: {  	s21 =	sadd.s32 $0x2900, s13;
	[sflag:s29] =	ssyncadd.s32 $0xFFFFF800  }
0x67: {  	[tilespmem:s28], [sflag:$0x1] =	stream.indirect.gather [hbm4b:s14+s1], $0x10, s21, s1, $0xb8;
	[tilespmem:$0x14800] =	vst v63  }
0x68: {  	_ =	swait.ge [sflag:s5], $0x800  }
.Ltmp1:
0x69: {  	[sflag:s5] =	ssyncset.done $0x0;
	(pc) =	sbr.rel @p0 .LBB2_4-.Ltmp1, $4  }
0x6a: {  	s13 =	sadd.s32 $0x7880, s13;
	[sflag:s5] =	ssyncadd.s32 $0xFFFFF800  }
0x6b: {  	[spmem:s2] =	stream.indirect.scatter.add.f32 [tilespmem:s31], [sflag:$0x5], $0x10, s13, s1, $0xb8;
	[tilespmem:$0x14800] =	vst v63  }
0x6c: {  	_ =	swait.ge [sflag:s29], $0x800  }
0x6d: {  	s21 =	smov.u32 s23;
	s13 =	sshra.s32 s22, $0x2;
	[sflag:s29] =	ssyncset.done $0x0  }
0x6e: {  	s21 =	sadd.s32 $0x2880, s13;
	[sflag:s29] =	ssyncadd.s32 $0xFFFFF800  }
0x6f: {  	[tilespmem:s31], [sflag:$0x2] =	stream.indirect.gather [hbm4b:s14+s1], $0x10, s21, s1, $0xb8;
	[tilespmem:$0x14800] =	vst v63  }
0x70: {  	_ =	swait.ge [sflag:s4], $0x800  }
0x71: {  	[sflag:s4] =	ssyncset.done $0x0  }
0x72: {  	s23 =	sadd.s32 $0x7800, s13;
	[sflag:s4] =	ssyncadd.s32 $0xFFFFF800  }
0x73: {  	[spmem:s2] =	stream.indirect.scatter.add.f32 [tilespmem:s28], [sflag:$0x5], $0x10, s23, s1, $0xb8;
	[tilespmem:$0x14800] =	vst v63  }
0x74: {  	_ =	swait.ge [sflag:s29], $0x800  }
0x75: {  	[sflag:s29] =	ssyncset.done $0x0  }
0x76: {  	s30 =	sadd.s32 $0x2900, s13;
	[sflag:s29] =	ssyncadd.s32 $0xFFFFF800  }
0x77: {  	[tilespmem:s28], [sflag:$0x1] =	stream.indirect.gather [hbm4b:s14+s1], $0x10, s30, s1, $0xb8;
	[tilespmem:$0x14800] =	vst v63  }
0x78: {  	_ =	swait.ge [sflag:s5], $0x800  }
0x79: {  	[sflag:s5] =	ssyncset.done $0x0  }
0x7a: {  	s22 =	sadd.s32 $0x7880, s13;
	[sflag:s5] =	ssyncadd.s32 $0xFFFFF800  }
0x7b: {  	[spmem:s2] =	stream.indirect.scatter.add.f32 [tilespmem:s31], [sflag:$0x5], $0x10, s22, s1, $0xb8;
	[tilespmem:$0x14800] =	vst v63  }
0x7c: {  	_ =	swait.ge [sflag:s29], $0x800  }
0x7d: {  	[sflag:s29] =	ssyncset.done $0x0  }
0x7e: {  	s23 =	simm.s32 $0x7780;
	[sflag:s29] =	ssyncadd.s32 $0xFFFFF800  }
0x7f: {  	[tilespmem:s31], [sflag:$0x2] =	stream.indirect.gather [hbm4b:s14+s1], $0x10, s23, s1, $0xb8;
	[tilespmem:$0x14800] =	vst v63  }
0x80: {  	_ =	swait.ge [sflag:s4], $0x800  }
0x81: {  	[sflag:s4] =	ssyncset.done $0x0  }
0x82: {  	s30 =	simm.s32 $0xC700;
	[sflag:s4] =	ssyncadd.s32 $0xFFFFF800  }
0x83: {  	[spmem:s2] =	stream.indirect.scatter.add.f32 [tilespmem:s28], [sflag:$0x5], $0x10, s30, s1, $0xb8;
	[tilespmem:$0x14800] =	vst v63  }
0x84: {  	_ =	swait.ge [sflag:s29], $0x800  }
0x85: {  	[sflag:s29] =	ssyncset.done $0x0  }
0x86: {  	[sflag:s29] =	ssyncadd.s32 $0xFFFFF800  }
0x87: {  	_ =	swait.ge [sflag:s5], $0x800  }
0x88: {  	[sflag:s5] =	ssyncset.done $0x0  }
0x89: {  	s21 =	simm.s32 $0xC780;
	[sflag:s5] =	ssyncadd.s32 $0xFFFFF800  }
0x8a: {  	[spmem:s2] =	stream.indirect.scatter.add.f32 [tilespmem:s31], [sflag:$0x5], $0x10, s21, s1, $0xb8;
	[tilespmem:$0x14800] =	vst v63  }
0x8b: {  	_ =	swait.ge [sflag:s29], $0x800  }
0x8c: {  	[sflag:s29] =	ssyncset.done $0x0  }
0x8d: {  	[sflag:s29] =	ssyncadd.s32 $0xFFFFF800  }
0x8e: {  	[bflag:$0x0] =	sbarrier.arrive $0xFFFF  }
0x8f: {  	[tilespmem:s28], [sflag:$0x5] =	stream.linear.gather [spmem:s15], $0x800, $0x38;
	[tilespmem:$0x14800] =	vst v63  }
0x90: {  	_ =	swait.ge [sflag:s29], $0x800  }
0x91: {  	[sflag:s29] =	ssyncset.done $0x0  }
0x92: {  	s22 =	simm.s32 $0x0;
	s23 =	rddreg [dreg:$0x4];
	[sflag:s29] =	ssyncadd.s32 $0xFFFFF800  }
0x93: {  	[tilespmem:s6], [sflag:$0x5] =	stream.linear.gather [hbm4b:s23+s22], $0x800, $0x38;
	[tilespmem:$0x14800] =	vst v63  }
0x94: {  	_ =	swait.ge [sflag:s29], $0x800  }
0x95: {  	[sflag:s29] =	ssyncset.done $0x0  }
0x96: {  	s30 =	rddreg [dreg:$0x5];
	[sflag:s29] =	ssyncadd.s32 $0xFFFFF800  }
0x97: {  	[tilespmem:s7], [sflag:$0x5] =	stream.linear.gather [hbm4b:s30+s22], $0x800, $0x38;
	[tilespmem:$0x14800] =	vst v63  }
0x98: {  	_ =	swait.ge [sflag:s29], $0x800  }
0x99: {  	[sflag:s29] =	ssyncset.done $0x0  }
0x9a: {  	s13 =	simm.s32 $0x0;
	[sflag:s29] =	ssyncadd.s32 $0xFFFFF800  }
0x9b: {  	v1 =	vld [tilespmem:s13+$0x11800]  }
0x9c: {  	v2 =	vld [tilespmem:s13+$0x14000];
	_ =	sdelay $0x1  }
0x9d: {  	v3 =	vld [tilespmem:s13+$0x13800]  }
0x9e: {  	s21 =	simm.s32 $0x40  }
.LBB2_6:
0x9f: {  	s22 =	sshra.s32 s21, $0x2;
	p0 =	sne.s32 s21, $0x1FC0  }
.Ltmp2:
0xa0: {  	s21 =	sadd.s32 $0x40, s21;
	v4 =	vmul.f32 v2, v1;
	v1 =	vld [tilespmem:s22+$0x11800];
	(pc) =	sbr.rel @p0 .LBB2_6-.Ltmp2, $4  }
0xa1: {  	v2 =	vld [tilespmem:s22+$0x14000]  }
0xa2: {  	v4 =	vadd.f32 v3, v4  }
0xa3: {  	v3 =	vld [tilespmem:s22+$0x13800]  }
0xa4: {  	[tilespmem:s13+$0x12800] =	vst v4;
	s13 =	smov.u32 s22  }
0xa5: {  	_ = 	snop  }
0xa6: {  	v1 =	vmul.f32 v2, v1;
	_ =	sdelay $0x1  }
0xa7: {  	v1 =	vadd.f32 v3, v1;
	_ =	sdelay $0x1  }
0xa8: {  	[tilespmem:s13+$0x12800] =	vst v1  }
0xa9: {  	[spmem:s15] =	stream.linear.scatter [tilespmem:s8], [sflag:$0x5], $0x800, $0x38;
	[tilespmem:$0x14800] =	vst v63  }
0xaa: {  	_ =	swait.ge [sflag:s29], $0x800  }
0xab: {  	[sflag:s29] =	ssyncset.done $0x0  }
0xac: {  	[sflag:s29] =	ssyncadd.s32 $0xFFFFF800  }
0xad: {  	[tilespmem:s28], [sflag:$0x5] =	stream.linear.gather [spmem:s16], $0x800, $0x38;
	[tilespmem:$0x14800] =	vst v63  }
0xae: {  	_ =	swait.ge [sflag:s29], $0x800  }
0xaf: {  	[sflag:s29] =	ssyncset.done $0x0  }
0xb0: {  	s23 =	simm.s32 $0x0;
	s21 =	rddreg [dreg:$0x6];
	[sflag:s29] =	ssyncadd.s32 $0xFFFFF800  }
0xb1: {  	[tilespmem:s6], [sflag:$0x5] =	stream.linear.gather [hbm4b:s21+s23], $0x800, $0x38;
	[tilespmem:$0x14800] =	vst v63  }
0xb2: {  	_ =	swait.ge [sflag:s29], $0x800  }
0xb3: {  	[sflag:s29] =	ssyncset.done $0x0  }
0xb4: {  	s30 =	rddreg [dreg:$0x7];
	[sflag:s29] =	ssyncadd.s32 $0xFFFFF800  }
0xb5: {  	[tilespmem:s7], [sflag:$0x5] =	stream.linear.gather [hbm4b:s30+s23], $0x800, $0x38;
	[tilespmem:$0x14800] =	vst v63  }
0xb6: {  	_ =	swait.ge [sflag:s29], $0x800  }
0xb7: {  	[sflag:s29] =	ssyncset.done $0x0  }
0xb8: {  	s13 =	simm.s32 $0x0;
	[sflag:s29] =	ssyncadd.s32 $0xFFFFF800  }
0xb9: {  	v1 =	vld [tilespmem:s13+$0x11800]  }
0xba: {  	v2 =	vld [tilespmem:s13+$0x14000];
	_ =	sdelay $0x1  }
0xbb: {  	v3 =	vld [tilespmem:s13+$0x13800]  }
0xbc: {  	s21 =	simm.s32 $0x40  }
.LBB2_8:
0xbd: {  	s22 =	sshra.s32 s21, $0x2;
	p0 =	sne.s32 s21, $0x1FC0  }
.Ltmp3:
0xbe: {  	s21 =	sadd.s32 $0x40, s21;
	v4 =	vmul.f32 v2, v1;
	v1 =	vld [tilespmem:s22+$0x11800];
	(pc) =	sbr.rel @p0 .LBB2_8-.Ltmp3, $4  }
0xbf: {  	v2 =	vld [tilespmem:s22+$0x14000]  }
0xc0: {  	v4 =	vadd.f32 v3, v4  }
0xc1: {  	v3 =	vld [tilespmem:s22+$0x13800]  }
0xc2: {  	[tilespmem:s13+$0x12800] =	vst v4;
	s13 =	smov.u32 s22  }
0xc3: {  	_ = 	snop  }
0xc4: {  	v1 =	vmul.f32 v2, v1;
	_ =	sdelay $0x1  }
0xc5: {  	v1 =	vadd.f32 v3, v1;
	_ =	sdelay $0x1  }
0xc6: {  	[tilespmem:s13+$0x12800] =	vst v1  }
0xc7: {  	[spmem:s16] =	stream.linear.scatter [tilespmem:s8], [sflag:$0x5], $0x800, $0x38;
	[tilespmem:$0x14800] =	vst v63  }
0xc8: {  	_ =	swait.ge [sflag:s29], $0x800  }
0xc9: {  	[sflag:s29] =	ssyncset.done $0x0  }
0xca: {  	[sflag:s29] =	ssyncadd.s32 $0xFFFFF800  }
0xcb: {  	[tilespmem:s28], [sflag:$0x5] =	stream.linear.gather [spmem:s18], $0x800, $0x38;
	[tilespmem:$0x14800] =	vst v63  }
0xcc: {  	_ =	swait.ge [sflag:s29], $0x800  }
0xcd: {  	[sflag:s29] =	ssyncset.done $0x0  }
0xce: {  	s23 =	simm.s32 $0x0;
	s21 =	rddreg [dreg:$0x8];
	[sflag:s29] =	ssyncadd.s32 $0xFFFFF800  }
0xcf: {  	[tilespmem:s6], [sflag:$0x5] =	stream.linear.gather [hbm4b:s21+s23], $0x800, $0x38;
	[tilespmem:$0x14800] =	vst v63  }
0xd0: {  	_ =	swait.ge [sflag:s29], $0x800  }
0xd1: {  	[sflag:s29] =	ssyncset.done $0x0  }
0xd2: {  	s30 =	rddreg [dreg:$0x9];
	[sflag:s29] =	ssyncadd.s32 $0xFFFFF800  }
0xd3: {  	[tilespmem:s7], [sflag:$0x5] =	stream.linear.gather [hbm4b:s30+s23], $0x800, $0x38;
	[tilespmem:$0x14800] =	vst v63  }
0xd4: {  	_ =	swait.ge [sflag:s29], $0x800  }
0xd5: {  	[sflag:s29] =	ssyncset.done $0x0  }
0xd6: {  	s13 =	simm.s32 $0x0;
	[sflag:s29] =	ssyncadd.s32 $0xFFFFF800  }
0xd7: {  	v1 =	vld [tilespmem:s13+$0x11800]  }
0xd8: {  	v2 =	vld [tilespmem:s13+$0x14000];
	_ =	sdelay $0x1  }
0xd9: {  	v3 =	vld [tilespmem:s13+$0x13800]  }
0xda: {  	s21 =	simm.s32 $0x40  }
.LBB2_10:
0xdb: {  	s22 =	sshra.s32 s21, $0x2;
	p0 =	sne.s32 s21, $0x1FC0  }
.Ltmp4:
0xdc: {  	s21 =	sadd.s32 $0x40, s21;
	v4 =	vmul.f32 v2, v1;
	v1 =	vld [tilespmem:s22+$0x11800];
	(pc) =	sbr.rel @p0 .LBB2_10-.Ltmp4, $4  }
0xdd: {  	v2 =	vld [tilespmem:s22+$0x14000]  }
0xde: {  	v4 =	vadd.f32 v3, v4  }
0xdf: {  	v3 =	vld [tilespmem:s22+$0x13800]  }
0xe0: {  	[tilespmem:s13+$0x12800] =	vst v4;
	s13 =	smov.u32 s22  }
0xe1: {  	_ = 	snop  }
0xe2: {  	v1 =	vmul.f32 v2, v1;
	_ =	sdelay $0x1  }
0xe3: {  	v1 =	vadd.f32 v3, v1;
	_ =	sdelay $0x1  }
0xe4: {  	[tilespmem:s13+$0x12800] =	vst v1  }
0xe5: {  	[spmem:s18] =	stream.linear.scatter [tilespmem:s8], [sflag:$0x5], $0x800, $0x38;
	[tilespmem:$0x14800] =	vst v63  }
0xe6: {  	_ =	swait.ge [sflag:s29], $0x800  }
0xe7: {  	[sflag:s29] =	ssyncset.done $0x0  }
0xe8: {  	[sflag:s29] =	ssyncadd.s32 $0xFFFFF800  }
0xe9: {  	[tilespmem:s28], [sflag:$0x5] =	stream.linear.gather [spmem:s19], $0x800, $0x38;
	[tilespmem:$0x14800] =	vst v63  }
0xea: {  	_ =	swait.ge [sflag:s29], $0x800  }
0xeb: {  	[sflag:s29] =	ssyncset.done $0x0  }
0xec: {  	s23 =	simm.s32 $0x0;
	s21 =	rddreg [dreg:$0xa];
	[sflag:s29] =	ssyncadd.s32 $0xFFFFF800  }
0xed: {  	[tilespmem:s6], [sflag:$0x5] =	stream.linear.gather [hbm4b:s21+s23], $0x800, $0x38;
	[tilespmem:$0x14800] =	vst v63  }
0xee: {  	_ =	swait.ge [sflag:s29], $0x800  }
0xef: {  	[sflag:s29] =	ssyncset.done $0x0  }
0xf0: {  	s30 =	rddreg [dreg:$0xb];
	[sflag:s29] =	ssyncadd.s32 $0xFFFFF800  }
0xf1: {  	[tilespmem:s7], [sflag:$0x5] =	stream.linear.gather [hbm4b:s30+s23], $0x800, $0x38;
	[tilespmem:$0x14800] =	vst v63  }
0xf2: {  	_ =	swait.ge [sflag:s29], $0x800  }
0xf3: {  	[sflag:s29] =	ssyncset.done $0x0  }
0xf4: {  	s13 =	simm.s32 $0x0;
	[sflag:s29] =	ssyncadd.s32 $0xFFFFF800  }
0xf5: {  	v1 =	vld [tilespmem:s13+$0x11800]  }
0xf6: {  	v2 =	vld [tilespmem:s13+$0x14000];
	_ =	sdelay $0x1  }
0xf7: {  	v3 =	vld [tilespmem:s13+$0x13800]  }
0xf8: {  	s21 =	simm.s32 $0x40  }
.LBB2_12:
0xf9: {  	s22 =	sshra.s32 s21, $0x2;
	p0 =	sne.s32 s21, $0x1FC0  }
.Ltmp5:
0xfa: {  	s21 =	sadd.s32 $0x40, s21;
	v4 =	vmul.f32 v2, v1;
	v1 =	vld [tilespmem:s22+$0x11800];
	(pc) =	sbr.rel @p0 .LBB2_12-.Ltmp5, $4  }
0xfb: {  	v2 =	vld [tilespmem:s22+$0x14000]  }
0xfc: {  	v4 =	vadd.f32 v3, v4  }
0xfd: {  	v3 =	vld [tilespmem:s22+$0x13800]  }
0xfe: {  	[tilespmem:s13+$0x12800] =	vst v4;
	s13 =	smov.u32 s22  }
0xff: {  	_ = 	snop  }
0x100: {  	v1 =	vmul.f32 v2, v1;
	_ =	sdelay $0x1  }
0x101: {  	v1 =	vadd.f32 v3, v1;
	_ =	sdelay $0x1  }
0x102: {  	[tilespmem:s13+$0x12800] =	vst v1  }
0x103: {  	[spmem:s19] =	stream.linear.scatter [tilespmem:s8], [sflag:$0x5], $0x800, $0x38;
	[tilespmem:$0x14800] =	vst v63  }
0x104: {  	_ =	swait.ge [sflag:s29], $0x800  }
0x105: {  	[sflag:s29] =	ssyncset.done $0x0  }
0x106: {  	[sflag:s29] =	ssyncadd.s32 $0xFFFFF800  }
0x107: {  	[tilespmem:s28], [sflag:$0x5] =	stream.linear.gather [spmem:s20], $0x800, $0x38;
	[tilespmem:$0x14800] =	vst v63  }
0x108: {  	_ =	swait.ge [sflag:s29], $0x800  }
0x109: {  	[sflag:s29] =	ssyncset.done $0x0  }
0x10a: {  	s23 =	simm.s32 $0x0;
	s21 =	rddreg [dreg:$0xc];
	[sflag:s29] =	ssyncadd.s32 $0xFFFFF800  }
0x10b: {  	[tilespmem:s6], [sflag:$0x5] =	stream.linear.gather [hbm4b:s21+s23], $0x800, $0x38;
	[tilespmem:$0x14800] =	vst v63  }
0x10c: {  	_ =	swait.ge [sflag:s29], $0x800  }
0x10d: {  	[sflag:s29] =	ssyncset.done $0x0  }
0x10e: {  	s30 =	rddreg [dreg:$0xd];
	[sflag:s29] =	ssyncadd.s32 $0xFFFFF800  }
0x10f: {  	[tilespmem:s7], [sflag:$0x5] =	stream.linear.gather [hbm4b:s30+s23], $0x800, $0x38;
	[tilespmem:$0x14800] =	vst v63  }
0x110: {  	_ =	swait.ge [sflag:s29], $0x800  }
0x111: {  	[sflag:s29] =	ssyncset.done $0x0  }
0x112: {  	s13 =	simm.s32 $0x0;
	[sflag:s29] =	ssyncadd.s32 $0xFFFFF800  }
0x113: {  	v1 =	vld [tilespmem:s13+$0x11800]  }
0x114: {  	v2 =	vld [tilespmem:s13+$0x14000];
	_ =	sdelay $0x1  }
0x115: {  	v3 =	vld [tilespmem:s13+$0x13800]  }
0x116: {  	s21 =	simm.s32 $0x40  }
.LBB2_14:
0x117: {  	s22 =	sshra.s32 s21, $0x2;
	p0 =	sne.s32 s21, $0x1FC0  }
.Ltmp6:
0x118: {  	s21 =	sadd.s32 $0x40, s21;
	v4 =	vmul.f32 v2, v1;
	v1 =	vld [tilespmem:s22+$0x11800];
	(pc) =	sbr.rel @p0 .LBB2_14-.Ltmp6, $4  }
0x119: {  	v2 =	vld [tilespmem:s22+$0x14000]  }
0x11a: {  	v4 =	vadd.f32 v3, v4  }
0x11b: {  	v3 =	vld [tilespmem:s22+$0x13800]  }
0x11c: {  	[tilespmem:s13+$0x12800] =	vst v4;
	s13 =	smov.u32 s22  }
0x11d: {  	_ = 	snop  }
0x11e: {  	v1 =	vmul.f32 v2, v1;
	_ =	sdelay $0x1  }
0x11f: {  	v1 =	vadd.f32 v3, v1;
	_ =	sdelay $0x1  }
0x120: {  	[tilespmem:s13+$0x12800] =	vst v1  }
0x121: {  	[spmem:s20] =	stream.linear.scatter [tilespmem:s8], [sflag:$0x5], $0x800, $0x38;
	[tilespmem:$0x14800] =	vst v63  }
0x122: {  	_ =	swait.ge [sflag:s29], $0x800  }
0x123: {  	[sflag:s29] =	ssyncset.done $0x0  }
0x124: {  	[sflag:s29] =	ssyncadd.s32 $0xFFFFF800  }
0x125: {  	[bflag:$0x0] =	sbarrier.arrive $0xFFFF  }
0x126: {  	[tilespmem:s8], [sflag:$0x1] =	stream.indirect.gather [spmem:s2], $0x10, s0, s1, $0xb8;
	[tilespmem:$0x14800] =	vst v63  }
0x127: {  	s23 =	simm.s32 $0xC880  }
0x128: {  	[tilespmem:s9], [sflag:$0x2] =	stream.indirect.gather [spmem:s2], $0x10, s23, s1, $0xb8;
	[tilespmem:$0x14800] =	vst v63  }
0x129: {  	_ =	swait.ge [sflag:s4], $0x800  }
0x12a: {  	[sflag:s4] =	ssyncset.done $0x0  }
0x12b: {  	s21 =	simm.s32 $0x0;
	[sflag:s4] =	ssyncadd.s32 $0xFFFFF800  }
0x12c: {  	[hbm4b:s17+s21] =	stream.linear.scatter [tilespmem:s8], [sflag:$0x3], $0x800, $0x38;
	[tilespmem:$0x14800] =	vst v63  }
0x12d: {  	_ =	swait.ge [sflag:s10], $0x800  }
0x12e: {  	[sflag:s10] =	ssyncset.done $0x0  }
0x12f: {  	s22 =	simm.s32 $0xC900;
	[sflag:s10] =	ssyncadd.s32 $0xFFFFF800  }
0x130: {  	[tilespmem:s8], [sflag:$0x1] =	stream.indirect.gather [spmem:s2], $0x10, s22, s1, $0xb8;
	[tilespmem:$0x14800] =	vst v63  }
0x131: {  	_ =	swait.ge [sflag:s5], $0x800  }
0x132: {  	[sflag:s5] =	ssyncset.done $0x0  }
0x133: {  	[sflag:s5] =	ssyncadd.s32 $0xFFFFF800  }
0x134: {  	[hbm4b:s25+s3] =	stream.linear.scatter [tilespmem:s9], [sflag:$0x4], $0x800, $0x38;
	[tilespmem:$0x14800] =	vst v63  }
0x135: {  	_ =	swait.ge [sflag:s11], $0x800  }
0x136: {  	[sflag:s11] =	ssyncset.done $0x0  }
0x137: {  	s23 =	simm.s32 $0xC980;
	[sflag:s11] =	ssyncadd.s32 $0xFFFFF800  }
0x138: {  	[tilespmem:s9], [sflag:$0x2] =	stream.indirect.gather [spmem:s2], $0x10, s23, s1, $0xb8;
	[tilespmem:$0x14800] =	vst v63  }
0x139: {  	_ =	swait.ge [sflag:s4], $0x800  }
0x13a: {  	s30 =	sadd.s32 $0x100, s25;
	[sflag:s4] =	ssyncset.done $0x0  }
0x13b: {  	s13 =	simm.s32 $0x400;
	s21 =	sadd.s32 $0x200, s25;
	[sflag:s4] =	ssyncadd.s32 $0xFFFFF800  }
.LBB2_16:
0x13c: {  	[hbm4b:s30+s3] =	stream.linear.scatter [tilespmem:s8], [sflag:$0x3], $0x800, $0x38;
	[tilespmem:$0x14800] =	vst v63  }
0x13d: {  	s22 =	smov.u32 s13  }
0x13e: {  	p0 =	sne.s32 s13, $0x13800;
	s13 =	sadd.s32 $0x400, s13;
	_ =	swait.ge [sflag:s10], $0x800  }
0x13f: {  	s22 =	sshra.s32 s22, $0x2;
	[sflag:s10] =	ssyncset.done $0x0  }
0x140: {  	s23 =	sadd.s32 $0xC900, s22;
	[sflag:s10] =	ssyncadd.s32 $0xFFFFF800  }
0x141: {  	[tilespmem:s8], [sflag:$0x1] =	stream.indirect.gather [spmem:s2], $0x10, s23, s1, $0xb8;
	[tilespmem:$0x14800] =	vst v63  }
0x142: {  	_ =	swait.ge [sflag:s5], $0x800  }
0x143: {  	[sflag:s5] =	ssyncset.done $0x0  }
0x144: {  	[sflag:s5] =	ssyncadd.s32 $0xFFFFF800  }
0x145: {  	[hbm4b:s21+s3] =	stream.linear.scatter [tilespmem:s9], [sflag:$0x4], $0x800, $0x38;
	[tilespmem:$0x14800] =	vst v63  }
0x146: {  	_ =	swait.ge [sflag:s11], $0x800  }
0x147: {  	[sflag:s11] =	ssyncset.done $0x0  }
.Ltmp7:
0x148: {  	s22 =	sadd.s32 $0xC980, s22;
	[sflag:s11] =	ssyncadd.s32 $0xFFFFF800;
	(pc) =	sbr.rel @p0 .LBB2_16-.Ltmp7, $4  }
0x149: {  	[tilespmem:s9], [sflag:$0x2] =	stream.indirect.gather [spmem:s2], $0x10, s22, s1, $0xb8;
	[tilespmem:$0x14800] =	vst v63  }
0x14a: {  	_ =	swait.ge [sflag:s4], $0x800  }
0x14b: {  	[sflag:s4] =	ssyncset.done $0x0  }
0x14c: {  	s30 =	sadd.s32 $0x100, s21;
	s21 =	sadd.s32 $0x200, s21;
	[sflag:s4] =	ssyncadd.s32 $0xFFFFF800  }
0x14d: {  	[hbm4b:s30+s3] =	stream.linear.scatter [tilespmem:s8], [sflag:$0x3], $0x800, $0x38;
	[tilespmem:$0x14800] =	vst v63  }
0x14e: {  	_ =	swait.ge [sflag:s10], $0x800  }
0x14f: {  	[sflag:s10] =	ssyncset.done $0x0  }
0x150: {  	[sflag:s10] =	ssyncadd.s32 $0xFFFFF800  }
0x151: {  	s12 =	sadd.s32 $0x1, s12;
	_ =	swait.ge [sflag:s5], $0x800  }
0x152: {  	p0 =	sne.s32 s12, s24;
	[sflag:s5] =	ssyncset.done $0x0  }
.Ltmp8:
0x153: {  	[sflag:s5] =	ssyncadd.s32 $0xFFFFF800;
	(pc) =	sbr.rel @p0 .LBB2_1-.Ltmp8, $4  }
0x154: {  	[hbm4b:s26+s3] =	stream.linear.scatter [tilespmem:s9], [sflag:$0x4], $0x800, $0x38;
	[tilespmem:$0x14800] =	vst v63  }
0x155: {  	_ =	swait.ge [sflag:s11], $0x800  }
0x156: {  	[sflag:s11] =	ssyncset.done $0x0  }
0x157: {  	[sflag:s11] =	ssyncadd.s32 $0xFFFFF800  }
0x158: {  	_ =	sfence.sel $0x180000  }
0x159: {  	[bflag:$0x0] =	sbarrier.arrive $0xFFFF  }
0x15a: {  	_ =	strace $0x9000004A  }
0x15b: {  	s0 =	stileid.u32;
	[bflag:$0x2] =	sbarrier.arrive $0xFFFF  }
0x15c: {  	p0 =	sne.s32 s0, $0x0;
	s0 =	rddreg [dreg:$0x3]  }
0x15d: {  	s0 =	sadd.s32 @!p0 $0x100000, s0  }
0x15e: {  	[sflag:s0] =	ssyncadd.tile.s32 @!p0 $0x1;
	_ =	shalt  }
.Lfunc_end2:
_tile_overlayer_lowered:
.L_overlay_start_2:
0x15f: {  	(tag) =	ssettag $0x2  }
0x160: {  	s0 =	rddreg [dreg:$0x0];
	s2 =	stileid.u32  }
0x161: {  	s1 =	rddreg [dreg:$0x1];
	p0 =	sne.s32 s2, $0x0  }
0x162: {  	s3 =	rddreg [dreg:$0x2];
	[bflag:$0x3] =	sbarrier.arrive $0xFFFF;
	s2 =	simm.s32 @!p0 $0x1C05  }
0x163: {  	[timem:s3], [sflag:s2] =	dma.local @!p0 [hbm:s0], s1  }
0x164: {  	s0 =	simm.s32 @!p0 $0x5  }
0x165: {  	_ =	swait.ge @!p0 [sflag:s0], s1  }
0x166: {  	s1 =	ssub.s32 @!p0 $0x0, s1;
	[sflag:s0] =	ssyncset.done @!p0 $0x0  }
0x167: {  	[sflag:s0] =	ssyncadd.s32 @!p0 s1  }
0x168: {  	[bflag:$0x3] =	sbarrier.arrive $0xFFFF  }
0x169: {  	_ =	shalt  }

// kernel: kernel.7.cloned.1.call-start
scs
__scs_entry_jumppad:
0x0: {  	(pc) =	sbr.rel $0x88, $3  }
0x1: {  	(tag) =	ssettag $0x0;
	lr =	simm.s32 $0x1  }
0x2: {  	[smem:$0x3F95] =	sst lr;
	_ =	strace $0xD0000000  }
0x3: {  	_ = 	snop  }
0x4: {  	_ = 	snop  }
0x5: {  	_ = 	snop  }
0x6: {  	_ = 	snop  }
0x7: {  	_ = 	snop  }
__scs_overlays_trampoline_lowered:
0x8: {  	[smem:$0x3FA4] =	sst s0  }
0x9: {  	[smem:$0x3FA5] =	sst s1  }
0xa: {  	[smem:$0x3FA6] =	sst s2  }
0xb: {  	[smem:$0x3FA7] =	sst s3  }
0xc: {  	[smem:$0x3FA8] =	sst s4  }
0xd: {  	[smem:$0x3FA9] =	sst s5  }
0xe: {  	[smem:$0x3FAA] =	sst s6  }
0xf: {  	[smem:$0x3FAB] =	sst s7  }
0x10: {  	[smem:$0x3FAC] =	sst s8  }
0x11: {  	[smem:$0x3FAD] =	sst s9;
	s0 =	simm.s32 @!p0 $0x0  }
0x12: {  	s1 =	sld [smem:$0x3F93];
	s0 =	simm.s32 @p0 $0x1  }
0x13: {  	[smem:$0x3FAE] =	sst s0;
	s0 =	simm.s32 @!p1 $0x0  }
0x14: {  	s2 =	sld [smem:$0x3F92];
	s0 =	simm.s32 @p1 $0x1  }
0x15: {  	[smem:$0x3FAF] =	sst s0;
	s0 =	simm.s32 @!p2 $0x0  }
0x16: {  	s3 =	sld [smem:$0x3FDB];
	s0 =	simm.s32 @p2 $0x1  }
0x17: {  	s4 =	simm.s32 $0x1BF5;
	[smem:$0x3FB1] =	sst s0  }
0x18: {  	s0 =	sld [smem:$0x3F94];
	_ =	swait.ge [sflag:s4], $0x0  }
0x19: {  	s7 =	sld [smem:$0x3F95]  }
0x1a: {  	s8 =	sadd.s32 $0xFFFFE003, lr  }
0x1b: {  	s9 =	sadd.s32 $0xFFFFFEF7, lr;
	s5 =	simm.s32 $0xFFFFFFFF;
	p2 =	slt.u32 s8, $0xFFFFF086  }
0x1c: {  	p1 =	slt.u32 s9, $0xF7A;
	s5 =	simm.s32 @!p2 $0x0  }
0x1d: {  	s5 =	simm.s32 @p1 $0x1;
	p0 =	seq.s32 s7, s2  }
0x1e: {  	s7 =	smul.u32 @!p0 $0xF7A, s2;
	p2 =	seq.s32 @!p0 s5, $0x0  }
0x1f: {  	s9 =	smul.u32 $0xF7A, s1;
	s8 =	simm.s32 @!p0 $0x1BF5;
	p2 =	por !p2, p0  }
0x20: {  	[sflag:s8] =	ssyncset.s32 @!p0 $0xFFFFF086;
	s6 =	sadd.s32 @!p0 s3, s7;
	s7 =	simm.s32 @!p0 $0x108  }
0x21: {  	s3 =	sadd.s32 s3, s9;
	s6 =	sadd.s32 @!p0 $0x88, s6;
	s7 =	simm.s32 @p2 $0x1082  }
0x22: {  	[simem:s7], [sflag:s8] =	dma.local @!p0 [hbm:s6], $0xF7A  }
0x23: {  	s9 =	sor.u32 $0xD0000000, s2;
	s6 =	simm.s32 $0x108;
	_ =	swait.ge @!p0 [sflag:s8], $0x0  }
0x24: {  	s3 =	sadd.s32 $0x88, s3;
	s6 =	simm.s32 @!p1 $0x1082;
	[sflag:s4] =	ssyncset.s32 $0xFFFFF086  }
0x25: {  	[simem:s6], [sflag:s4] =	dma.local [hbm:s3], $0xF7A  }
0x26: {  	[smem:$0x3F95] =	sst s1;
	(tag) =	ssettag s2;
	_ =	strace s9  }
0x27: {  	s1 =	sld [smem:$0x3FA5]  }
0x28: {  	s2 =	sld [smem:$0x3FA6]  }
0x29: {  	s4 =	sld [smem:$0x3FA8]  }
0x2a: {  	p0 =	seq.s32 s5, $0x0;
	s5 =	sld [smem:$0x3FA9]  }
0x2b: {  	s6 =	sld [smem:$0x3FAA]  }
0x2c: {  	s7 =	sld [smem:$0x3FAB]  }
0x2d: {  	s3 =	simm.s32 $0x108;
	s8 =	sld [smem:$0x3FAC]  }
0x2e: {  	s3 =	simm.s32 @!p0 $0x1082;
	s9 =	sld [smem:$0x3FAD]  }
0x2f: {  	lr =	sadd.s32 s0, s3;
	s0 =	sld [smem:$0x3FA4]  }
0x30: {  	s3 =	sld [smem:$0x3FA7]  }
0x31: {  	[smem:$0x3FB0] =	sst s10  }
0x32: {  	s10 =	sld [smem:$0x3FAE];
	_ =	sdelay $0x3  }
0x33: {  	p0 =	seq.s32 s10, $0x1;
	s10 =	sld [smem:$0x3FB0];
	_ =	sdelay $0x3  }
0x34: {  	[smem:$0x3FB0] =	sst s10  }
0x35: {  	s10 =	sld [smem:$0x3FAF];
	_ =	sdelay $0x3  }
0x36: {  	p1 =	seq.s32 s10, $0x1;
	s10 =	sld [smem:$0x3FB0];
	_ =	sdelay $0x3  }
0x37: {  	[smem:$0x3FB0] =	sst s10  }
0x38: {  	s10 =	sld [smem:$0x3FB1]  }
0x39: {  	_ = 	snop;
	(pc) =	sbr.ind lr, $3  }
0x3a: {  	_ = 	snop  }
0x3b: {  	_ = 	snop  }
0x3c: {  	p2 =	seq.s32 s10, $0x1;
	s10 =	sld [smem:$0x3FB0]  }
0x3d: {  	_ =	shalt  }
0x3e: {  	_ =	shalt  }
0x3f: {  	_ =	shalt  }
0x40: {  	_ =	shalt  }
0x41: {  	_ =	shalt  }
0x42: {  	_ =	shalt  }
0x43: {  	_ =	shalt  }
0x44: {  	_ =	shalt  }
0x45: {  	_ =	shalt  }
0x46: {  	_ =	shalt  }
0x47: {  	_ =	shalt  }
0x48: {  	_ =	shalt  }
0x49: {  	_ =	shalt  }
0x4a: {  	_ =	shalt  }
0x4b: {  	_ =	shalt  }
0x4c: {  	_ =	shalt  }
0x4d: {  	_ =	shalt  }
0x4e: {  	_ =	shalt  }
0x4f: {  	_ =	shalt  }
0x50: {  	_ =	shalt  }
0x51: {  	_ =	shalt  }
0x52: {  	_ =	shalt  }
0x53: {  	_ =	shalt  }
0x54: {  	_ =	shalt  }
0x55: {  	_ =	shalt  }
0x56: {  	_ =	shalt  }
0x57: {  	_ =	shalt  }
0x58: {  	_ =	shalt  }
0x59: {  	_ =	shalt  }
0x5a: {  	_ =	shalt  }
0x5b: {  	_ =	shalt  }
0x5c: {  	_ =	shalt  }
0x5d: {  	_ =	shalt  }
0x5e: {  	_ =	shalt  }
0x5f: {  	_ =	shalt  }
0x60: {  	_ =	shalt  }
0x61: {  	_ =	shalt  }
0x62: {  	_ =	shalt  }
0x63: {  	_ =	shalt  }
0x64: {  	_ =	shalt  }
0x65: {  	_ =	shalt  }
0x66: {  	_ =	shalt  }
0x67: {  	_ =	shalt  }
0x68: {  	_ =	shalt  }
0x69: {  	_ =	shalt  }
0x6a: {  	_ =	shalt  }
0x6b: {  	_ =	shalt  }
0x6c: {  	_ =	shalt  }
0x6d: {  	_ =	shalt  }
0x6e: {  	_ =	shalt  }
0x6f: {  	_ =	shalt  }
0x70: {  	_ =	shalt  }
0x71: {  	_ =	shalt  }
0x72: {  	_ =	shalt  }
0x73: {  	_ =	shalt  }
0x74: {  	_ =	shalt  }
0x75: {  	_ =	shalt  }
0x76: {  	_ =	shalt  }
0x77: {  	_ =	shalt  }
0x78: {  	_ =	shalt  }
0x79: {  	_ =	shalt  }
0x7a: {  	_ =	shalt  }
0x7b: {  	_ =	shalt  }
0x7c: {  	_ =	shalt  }
0x7d: {  	_ =	shalt  }
0x7e: {  	_ =	shalt  }
0x7f: {  	_ =	shalt  }
0x80: {  	_ =	shalt  }
0x81: {  	_ =	shalt  }
0x82: {  	_ =	shalt  }
0x83: {  	_ =	shalt  }
0x84: {  	_ =	shalt  }
0x85: {  	_ =	shalt  }
0x86: {  	_ =	shalt  }
0x87: {  	_ =	shalt  }
.Lfunc_end0:
.L_simem_size_0:
called_computation_lowered:
.L_overlay_start_0:
0x88: {  	s2 =	sld [smem:$0x3FD9]  }
0x89: {  	s3 =	sld [smem:$0x3FFE];
	_ =	sdelay $0x1  }
0x8a: {  	s1 =	srdreg.scid  }
0x8b: {  	s0 =	sand.u32 $0x1, s1  }
0x8c: {  	s17 =	sshll.u32 s0, $0xA;
	s2 =	sadd.s32 s3, s2  }
0x8d: {  	s2 =	sadd.s32 s2, s17  }
0x8e: {  	[smem:$0x3FBC] =	sst s2  }
0x8f: {  	_ = 	snop  }
0x90: {  	s2 =	sld [smem:$0x3FD0];
	(tm) =	ssettm $0x1  }
0x91: {  	s18 =	sld [smem:$0x3FFB];
	_ =	sdelay $0x3  }
0x92: {  	_ =	strace s18  }
0x93: {  	s3 =	sld [smem:$0x3FFC];
	_ =	sdelay $0x3  }
0x94: {  	_ =	strace s3  }
0x95: {  	s3 =	sld [smem:$0x3FFD];
	_ =	sdelay $0x3  }
0x96: {  	_ =	strace s3  }
0x97: {  	_ =	strace $0x8FFFFFFF  }
0x98: {  	s19 =	sld [smem:$0x3FDB];
	_ =	sdelay $0x1  }
0x99: {  	s4 =	simm.s32 $_scs_section_size  }
0x9a: {  	s5 =	simm.s32 $_size__tile_overlayer_lowered;
	s6 =	simm.s32 $_tile_overlayer_lowered  }
0x9b: {  	s22 =	simm.s32 $0x1BFF;
	s21 =	sshll.u32 s6, $0x1;
	s3 =	sadd.s32 s4, s19  }
0x9c: {  	s7 =	simm.s32 $0x0;
	s20 =	sshll.u32 s5, $0x1;
	s5 =	sadd.s32 s21, s3  }
0x9d: {  	[timem:s7], [sflag:s22] =	dma.local [hbm:s5], s20  }
0x9e: {  	_ =	swait.ge [sflag:s22], s20  }
0x9f: {  	s4 =	ssub.s32 $0x0, s20;
	[sflag:s22] =	ssyncset.done $0x0  }
0xa0: {  	[sflag:s22] =	ssyncadd.s32 s4;
	_ =	sdelay $0x1  }
0xa1: {  	s23 =	simm.s32 $0x1B8B  }
0xa2: {  	_ =	swait.ge [sflag:s23], $0x1  }
0xa3: {  	[sflag:s23] =	ssyncset.done $0x0  }
0xa4: {  	s25 =	simm.s32 $0x1B8E;
	s24 =	sld [smem:$0x3FFE];
	[sflag:s23] =	ssyncadd.s32 $0xFFFFFFFF  }
0xa5: {  	s26 =	simm.s32 $execute0_lowered;
	[smem:$0x3FD2] =	sst s25  }
0xa6: {  	s5 =	sshll.u32 s26, $0x1;
	_ =	strace $0x80000046;
	[dreg:$0x1] =	wrdreg $0xFFFFFFFF  }
0xa7: {  	s28 =	simm.s32 $_size_execute0_lowered;
	s3 =	sadd.s32 s3, s5;
	[dreg:$0x0] =	wrdreg $0x0  }
0xa8: {  	s5 =	sshll.u32 s28, $0x1;
	[dreg:$0x2] =	wrdreg s3  }
0xa9: {  	[dreg:$0x3] =	wrdreg s5  }
0xaa: {  	[dreg:$0x4] =	wrdreg $0xC0  }
0xab: {  	_ =	task [dreg:s7], $0x5FFFF  }
0xac: {  	[dreg:$0x1] =	wrdreg $0xFFFFFFFF  }
0xad: {  	[dreg:$0x0] =	wrdreg $0x60  }
0xae: {  	[dreg:$0x2] =	wrdreg s2  }
0xaf: {  	[dreg:$0x3] =	wrdreg s24  }
0xb0: {  	[dreg:$0x4] =	wrdreg $0x0  }
0xb1: {  	[dreg:$0x5] =	wrdreg $0xC0000  }
0xb2: {  	[dreg:$0x6] =	wrdreg $0x9  }
0xb3: {  	_ =	task.clear_ibuf [dreg:s7], $0x7FFFF;
	_ =	strace $0x90000046  }
0xb4: {  	s29 =	simm.s32 $0x9;
	_ =	strace $0x80000048  }
0xb5: {  	_ =	swait.ge [sflag:s29], $0x1  }
0xb6: {  	[sflag:s29] =	ssyncadd.s32 $0xFFFFFFFF  }
0xb7: {  	_ =	strace $0x90000048  }
0xb8: {  	_ =	sfence  }
0xb9: {  	s30 =	sld [smem:$0x0];
	_ =	sdelay $0x2  }
0xba: {  	s31 =	sshll.u32 s1, $0xD;
	s1 =	sshrl.u32 s1, $0x2  }
0xbb: {  	s3 =	sand.u32 $0x4000, s31;
	s1 =	sadd.s32 s1, s30  }
0xbc: {  	s0 =	sor.u32 s3, s0;
	s1 =	sshll.u32 s1, $0x11  }
0xbd: {  	s0 =	sor.u32 s1, s0  }
0xbe: {  	s0 =	sadd.s32 $0x8F2B, s0  }
0xbf: {  	[sflag:s0] =	ssyncadd.remote.s32 $0x1  }
0xc0: {  	_ =	sfence.sel $0xFFFF  }
0xc1: {  	[dreg:$0x0] =	wrdreg $0xFFFFFFFF;
	(pc) =	sbr.abs _section_cstart, $3  }
0xc2: {  	[dreg:$0x1] =	wrdreg $0xFFFFFFFF  }
0xc3: {  	_ =	task.clear_ibuf [dreg:s7], $0x2FFFF;
	_ =	strace $0x9FFFFFFF  }
0xc4: {  	(tm) =	ssettm $0x7FFFFFFF  }
0xc5: {  	_ =	shalt  }
tec
execute0_lowered:
.L_overlay_start_1:
0x0: {  	(tag) =	ssettag $0x1  }
0x1: {  	s1 =	rddreg [dreg:$0x0]  }
0x2: {  	s6 =	rddreg [dreg:$0x1]  }
0x3: {  	s0 =	srdreg.scid;
	s3 =	rddreg [dreg:$0x2]  }
0x4: {  	s12 =	stileid.u32;
	s4 =	rddreg [dreg:$0x3];
	s5 =	simm.s32 $0x0  }
0x5: {  	s28 =	simm.s32 $0x6000;
	s29 =	simm.s32 $0x1;
	s7 =	smul.u32 $0x280, s12  }
0x6: {  	s30 =	simm.s32 $0x2;
	s0 =	sand.u32 $0x1, s0;
	s10 =	smul.u32 $0x14000, s12  }
0x7: {  	s2 =	sshll.u32 s12, $0x1;
	[smem:$0x7FF] =	sst s5;
	s12 =	smul.u32 $0xA000, s12  }
0x8: {  	s2 =	sor.u32 s0, s2;
	s8 =	smul.u32 $0x2800, s0;
	s0 =	ssub.s32 $0x2, s0  }
0x9: {  	_ =	strace $0x80000047;
	s2 =	smul.u32 $0x500, s2;
	s20 =	sshrl.u32 s0, $0x1  }
0xa: {  	s21 =	sshrl.u32 s10, $0x2;
	s22 =	sadd.s32 $0x80, s7;
	s13 =	sadd.s32 $0x100, s7  }
0xb: {  	s14 =	sadd.s32 $0x180, s7;
	s12 =	sshrl.u32 s12, $0x2;
	s8 =	sadd.s32 s7, s8  }
0xc: {  	s0 =	ssub.s32 s0, s20;
	s23 =	sshll.u32 s22, $0x5;
	s24 =	sshll.u32 s13, $0x5  }
0xd: {  	s11 =	sshll.u32 s14, $0x5;
	s7 =	sadd.s32 $0x200, s7;
	s15 =	sshll.u32 s22, $0x4  }
0xe: {  	s13 =	sshll.u32 s13, $0x4;
	s14 =	sshll.u32 s14, $0x4;
	s22 =	simm.s32 $0x4  }
0xf: {  	s2 =	sadd.s32 s2, s6;
	s9 =	sshll.u32 s8, $0x2;
	s8 =	sshll.u32 s8, $0x1  }
0x10: {  	s25 =	sadd.s32 s11, s3;
	s26 =	sshll.u32 s7, $0x5;
	s11 =	sadd.s32 s12, s4  }
0x11: {  	s12 =	sadd.s32 s15, s4;
	s7 =	sshll.u32 s7, $0x4;
	s13 =	sadd.s32 s13, s4  }
0x12: {  	s14 =	sadd.s32 s14, s4;
	s20 =	smax.u32 s0, $0x1;
	s0 =	simm.s32 $0xBF80  }
0x13: {  	s18 =	sadd.s32 s9, s6;
	s8 =	sadd.s32 s8, s6;
	s6 =	sadd.s32 s21, s3  }
0x14: {  	s9 =	sadd.s32 s23, s3;
	[dreg:$0x7] =	wrdreg s25;
	s31 =	sadd.s32 s26, s3  }
0x15: {  	s15 =	sadd.s32 s7, s4;
	s16 =	sadd.s32 $0xC200, s2;
	s17 =	sadd.s32 $0x2200, s2  }
0x16: {  	s21 =	simm.s32 $0x5000;
	s23 =	simm.s32 $0xE800;
	s26 =	simm.s32 $0x80  }
0x17: {  	s2 =	simm.s32 $0xBF00;
	s25 =	simm.s32 $0x3;
	[dreg:$0x5] =	wrdreg s9  }
0x18: {  	s9 =	sadd.s32 s24, s3;
	[dreg:$0x8] =	wrdreg s31;
	s18 =	sadd.s32 $0x16200, s18  }
0x19: {  	v0 =	vimm.f32 $0.0e+00;
	v1 =	vimm.f32 $1.000000000e+00;
	s19 =	sadd.s32 $0x2A200, s8;
	s24 =	simm.s32 $0x7000;
	[dreg:$0x6] =	wrdreg s9  }
.LBB2_1:
0x1a: {  	s7 =	simm.s32 $0x80;
	s8 =	simm.s32 $0x0  }
.LBB2_2:
0x1b: {  	p0 =	sne.s32 s7, $0x3F80;
	[tilespmem:s8+$0x5000] =	vst v0;
	s31 =	smov.u32 s7;
	s7 =	sadd.s32 $0x80, s7  }
.Ltmp0:
0x1c: {  	[tilespmem:s8+$0x5010] =	vst v0;
	(pc) =	sbr.rel @p0 .LBB2_2-.Ltmp0, $2  }
0x1d: {  	_ =	sdelay $0x2  }
0x1e: {  	s8 =	sshra.s32 s31, $0x2  }
0x1f: {  	[tilespmem:s8+$0x5000] =	vst v0  }
0x20: {  	[tilespmem:s8+$0x5010] =	vst v0  }
0x21: {  	[spmem:s6] =	stream.linear.scatter [tilespmem:s21], [sflag:$0x4], $0x1000, $0x38;
	[tilespmem:$0xF000] =	vst v63  }
0x22: {  	_ =	swait.ge [sflag:s22], $0x1000  }
0x23: {  	[sflag:s22] =	ssyncset.done $0x0  }
0x24: {  	s7 =	rddreg [dreg:$0x5];
	[sflag:s22] =	ssyncadd.s32 $0xFFFFF000  }
0x25: {  	[spmem:s7] =	stream.linear.scatter [tilespmem:s21], [sflag:$0x4], $0x1000, $0x38;
	[tilespmem:$0xF000] =	vst v63  }
0x26: {  	_ =	swait.ge [sflag:s22], $0x1000  }
0x27: {  	[sflag:s22] =	ssyncset.done $0x0  }
0x28: {  	s9 =	rddreg [dreg:$0x6];
	[sflag:s22] =	ssyncadd.s32 $0xFFFFF000  }
0x29: {  	[spmem:s9] =	stream.linear.scatter [tilespmem:s21], [sflag:$0x4], $0x1000, $0x38;
	[tilespmem:$0xF000] =	vst v63  }
0x2a: {  	_ =	swait.ge [sflag:s22], $0x1000  }
0x2b: {  	[sflag:s22] =	ssyncset.done $0x0  }
0x2c: {  	s10 =	rddreg [dreg:$0x7];
	[sflag:s22] =	ssyncadd.s32 $0xFFFFF000  }
0x2d: {  	[spmem:s10] =	stream.linear.scatter [tilespmem:s21], [sflag:$0x4], $0x1000, $0x38;
	[tilespmem:$0xF000] =	vst v63  }
0x2e: {  	_ =	swait.ge [sflag:s22], $0x1000  }
0x2f: {  	[sflag:s22] =	ssyncset.done $0x0  }
0x30: {  	s31 =	rddreg [dreg:$0x8];
	[sflag:s22] =	ssyncadd.s32 $0xFFFFF000  }
0x31: {  	[spmem:s31] =	stream.linear.scatter [tilespmem:s21], [sflag:$0x4], $0x1000, $0x38;
	[tilespmem:$0xF000] =	vst v63  }
0x32: {  	_ =	swait.ge [sflag:s22], $0x1000  }
0x33: {  	[sflag:s22] =	ssyncset.done $0x0  }
0x34: {  	s8 =	simm.s32 $0x0;
	s7 =	simm.s32 $0x40;
	[sflag:s22] =	ssyncadd.s32 $0xFFFFF000  }
.LBB2_4:
0x35: {  	p0 =	sne.s32 s7, $0x1FC0;
	[tilespmem:s8+$0xE800] =	vst v0;
	s8 =	smov.u32 s7;
	s7 =	sadd.s32 $0x40, s7  }
.Ltmp1:
0x36: {  	(pc) =	sbr.rel @p0 .LBB2_4-.Ltmp1, $2  }
0x37: {  	_ =	sdelay $0x2  }
0x38: {  	s8 =	sshra.s32 s8, $0x2  }
0x39: {  	[tilespmem:s8+$0xE800] =	vst v0  }
0x3a: {  	[spmem:s11] =	stream.linear.scatter [tilespmem:s23], [sflag:$0x4], $0x800, $0x38;
	[tilespmem:$0xF000] =	vst v63  }
0x3b: {  	_ =	swait.ge [sflag:s22], $0x800  }
0x3c: {  	[sflag:s22] =	ssyncset.done $0x0  }
0x3d: {  	[sflag:s22] =	ssyncadd.s32 $0xFFFFF800  }
0x3e: {  	[spmem:s12] =	stream.linear.scatter [tilespmem:s23], [sflag:$0x4], $0x800, $0x38;
	[tilespmem:$0xF000] =	vst v63  }
0x3f: {  	_ =	swait.ge [sflag:s22], $0x800  }
0x40: {  	[sflag:s22] =	ssyncset.done $0x0  }
0x41: {  	[sflag:s22] =	ssyncadd.s32 $0xFFFFF800  }
0x42: {  	[spmem:s13] =	stream.linear.scatter [tilespmem:s23], [sflag:$0x4], $0x800, $0x38;
	[tilespmem:$0xF000] =	vst v63  }
0x43: {  	_ =	swait.ge [sflag:s22], $0x800  }
0x44: {  	[sflag:s22] =	ssyncset.done $0x0  }
0x45: {  	[sflag:s22] =	ssyncadd.s32 $0xFFFFF800  }
0x46: {  	[spmem:s14] =	stream.linear.scatter [tilespmem:s23], [sflag:$0x4], $0x800, $0x38;
	[tilespmem:$0xF000] =	vst v63  }
0x47: {  	_ =	swait.ge [sflag:s22], $0x800  }
0x48: {  	[sflag:s22] =	ssyncset.done $0x0  }
0x49: {  	[sflag:s22] =	ssyncadd.s32 $0xFFFFF800  }
0x4a: {  	[spmem:s15] =	stream.linear.scatter [tilespmem:s23], [sflag:$0x4], $0x800, $0x38;
	[tilespmem:$0xF000] =	vst v63  }
0x4b: {  	_ =	swait.ge [sflag:s22], $0x800  }
0x4c: {  	[sflag:s22] =	ssyncset.done $0x0  }
0x4d: {  	s7 =	simm.s32 $0x40;
	s8 =	simm.s32 $0x0;
	[sflag:s22] =	ssyncadd.s32 $0xFFFFF800  }
.LBB2_6:
0x4e: {  	p0 =	sne.s32 s7, $0x1FC0;
	[tilespmem:s8+$0xE800] =	vst v1;
	s8 =	smov.u32 s7;
	s7 =	sadd.s32 $0x40, s7  }
.Ltmp2:
0x4f: {  	(pc) =	sbr.rel @p0 .LBB2_6-.Ltmp2, $2  }
0x50: {  	_ =	sdelay $0x2  }
0x51: {  	s8 =	sshra.s32 s8, $0x2  }
0x52: {  	[tilespmem:s8+$0xE800] =	vst v1;
	s7 =	simm.s32 $0x0  }
0x53: {  	[tilespmem:s24], [sflag:$0x4] =	stream.linear.gather [hbm4b:s16+s7], $0x2800, $0x38;
	[tilespmem:$0xF000] =	vst v63  }
0x54: {  	_ =	swait.ge [sflag:s22], $0x2800  }
0x55: {  	[sflag:s22] =	ssyncset.done $0x0  }
0x56: {  	s10 =	simm.s32 $0x9800;
	[sflag:s22] =	ssyncadd.s32 $0xFFFFD800  }
0x57: {  	[tilespmem:s10], [sflag:$0x4] =	stream.linear.gather [hbm4b:s17+s7], $0x2800, $0x38;
	[tilespmem:$0xF000] =	vst v63  }
0x58: {  	_ =	swait.ge [sflag:s22], $0x2800  }
0x59: {  	[sflag:s22] =	ssyncset.done $0x0  }
0x5a: {  	[sflag:s22] =	ssyncadd.s32 $0xFFFFD800  }
0x5b: {  	[bflag:$0x0] =	sbarrier.arrive $0xFFFF  }
0x5c: {  	[tilespmem:s21], [sflag:$0x1] =	stream.indirect.gather [hbm4b:s1+s26], $0x20, s24, s26, $0xb8;
	[tilespmem:$0xF000] =	vst v63  }
0x5d: {  	s8 =	simm.s32 $0x7080  }
0x5e: {  	[tilespmem:s28], [sflag:$0x2] =	stream.indirect.gather [hbm4b:s1+s26], $0x20, s8, s26, $0xb8;
	[tilespmem:$0xF000] =	vst v63  }
0x5f: {  	_ =	swait.ge [sflag:s29], $0x1000  }
0x60: {  	[sflag:s29] =	ssyncset.done $0x0  }
0x61: {  	s9 =	simm.s32 $0x9800;
	[sflag:s29] =	ssyncadd.s32 $0xFFFFF000  }
0x62: {  	[spmem:s3] =	stream.indirect.scatter.add.f32 [tilespmem:s21], [sflag:$0x4], $0x20, s9, s26, $0xb8;
	[tilespmem:$0xF000] =	vst v63  }
0x63: {  	_ =	swait.ge [sflag:s22], $0x1000  }
0x64: {  	[sflag:s22] =	ssyncset.done $0x0  }
0x65: {  	[sflag:s22] =	ssyncadd.s32 $0xFFFFF000  }
0x66: {  	[spmem:s4] =	stream.indirect.scatter.add.f32 [tilespmem:s23], [sflag:$0x3], $0x10, s9, s26, $0xb8;
	[tilespmem:$0xF000] =	vst v63  }
0x67: {  	s10 =	simm.s32 $0x7100  }
0x68: {  	[tilespmem:s21], [sflag:$0x1] =	stream.indirect.gather [hbm4b:s1+s26], $0x20, s10, s26, $0xb8;
	[tilespmem:$0xF000] =	vst v63  }
0x69: {  	_ =	swait.ge [sflag:s30], $0x1000  }
0x6a: {  	[sflag:s30] =	ssyncset.done $0x0  }
0x6b: {  	s7 =	simm.s32 $0x9880;
	[sflag:s30] =	ssyncadd.s32 $0xFFFFF000  }
0x6c: {  	[spmem:s3] =	stream.indirect.scatter.add.f32 [tilespmem:s28], [sflag:$0x4], $0x20, s7, s26, $0xb8;
	[tilespmem:$0xF000] =	vst v63  }
0x6d: {  	_ =	swait.ge [sflag:s22], $0x1000  }
0x6e: {  	[sflag:s22] =	ssyncset.done $0x0  }
0x6f: {  	s31 =	simm.s32 $0x100;
	s8 =	simm.s32 $0x800;
	[sflag:s22] =	ssyncadd.s32 $0xFFFFF000  }
.LBB2_8:
0x70: {  	[spmem:s4] =	stream.indirect.scatter.add.f32 [tilespmem:s23], [sflag:$0x3], $0x10, s7, s26, $0xb8;
	[tilespmem:$0xF000] =	vst v63  }
0x71: {  	s7 =	smov.u32 s8  }
0x72: {  	s10 =	sadd.s32 $0x400, s8;
	s9 =	sshra.s32 s7, $0x2;
	s7 =	sadd.s32 $0x7080, s31  }
0x73: {  	[tilespmem:s28], [sflag:$0x2] =	stream.indirect.gather [hbm4b:s1+s26], $0x20, s7, s26, $0xb8;
	[tilespmem:$0xF000] =	vst v63  }
0x74: {  	p0 =	sne.s32 s8, $0x9800;
	_ =	swait.ge [sflag:s29], $0x1000  }
0x75: {  	[sflag:s29] =	ssyncset.done $0x0  }
0x76: {  	s7 =	sadd.s32 $0x9800, s31;
	[sflag:s29] =	ssyncadd.s32 $0xFFFFF000  }
0x77: {  	[spmem:s3] =	stream.indirect.scatter.add.f32 [tilespmem:s21], [sflag:$0x4], $0x20, s7, s26, $0xb8;
	[tilespmem:$0xF000] =	vst v63  }
0x78: {  	_ =	swait.ge [sflag:s22], $0x1000  }
0x79: {  	[sflag:s22] =	ssyncset.done $0x0  }
0x7a: {  	[sflag:s22] =	ssyncadd.s32 $0xFFFFF000  }
0x7b: {  	[spmem:s4] =	stream.indirect.scatter.add.f32 [tilespmem:s23], [sflag:$0x3], $0x10, s7, s26, $0xb8;
	[tilespmem:$0xF000] =	vst v63  }
0x7c: {  	s7 =	sadd.s32 $0x7100, s31  }
0x7d: {  	[tilespmem:s21], [sflag:$0x1] =	stream.indirect.gather [hbm4b:s1+s26], $0x20, s7, s26, $0xb8;
	[tilespmem:$0xF000] =	vst v63  }
0x7e: {  	_ =	swait.ge [sflag:s30], $0x1000  }
0x7f: {  	[sflag:s30] =	ssyncset.done $0x0  }
.Ltmp3:
0x80: {  	s7 =	sadd.s32 $0x9880, s31;
	[sflag:s30] =	ssyncadd.s32 $0xFFFFF000;
	(pc) =	sbr.rel @p0 .LBB2_8-.Ltmp3, $4  }
0x81: {  	[spmem:s3] =	stream.indirect.scatter.add.f32 [tilespmem:s28], [sflag:$0x4], $0x20, s7, s26, $0xb8;
	[tilespmem:$0xF000] =	vst v63  }
0x82: {  	s31 =	smov.u32 s9;
	_ =	swait.ge [sflag:s22], $0x1000  }
0x83: {  	[sflag:s22] =	ssyncset.done $0x0  }
0x84: {  	s8 =	smov.u32 s10;
	[sflag:s22] =	ssyncadd.s32 $0xFFFFF000  }
0x85: {  	[spmem:s4] =	stream.indirect.scatter.add.f32 [tilespmem:s23], [sflag:$0x3], $0x10, s7, s26, $0xb8;
	[tilespmem:$0xF000] =	vst v63  }
0x86: {  	s10 =	sadd.s32 $0x7080, s31  }
0x87: {  	[tilespmem:s28], [sflag:$0x2] =	stream.indirect.gather [hbm4b:s1+s26], $0x20, s10, s26, $0xb8;
	[tilespmem:$0xF000] =	vst v63  }
0x88: {  	_ =	swait.ge [sflag:s29], $0x1000  }
0x89: {  	[sflag:s29] =	ssyncset.done $0x0  }
0x8a: {  	s8 =	sadd.s32 $0x9800, s31;
	[sflag:s29] =	ssyncadd.s32 $0xFFFFF000  }
0x8b: {  	[spmem:s3] =	stream.indirect.scatter.add.f32 [tilespmem:s21], [sflag:$0x4], $0x20, s8, s26, $0xb8;
	[tilespmem:$0xF000] =	vst v63  }
0x8c: {  	_ =	swait.ge [sflag:s22], $0x1000  }
0x8d: {  	[sflag:s22] =	ssyncset.done $0x0  }
0x8e: {  	[sflag:s22] =	ssyncadd.s32 $0xFFFFF000  }
0x8f: {  	[spmem:s4] =	stream.indirect.scatter.add.f32 [tilespmem:s23], [sflag:$0x3], $0x10, s8, s26, $0xb8;
	[tilespmem:$0xF000] =	vst v63  }
0x90: {  	s9 =	sadd.s32 $0x7100, s31  }
0x91: {  	[tilespmem:s21], [sflag:$0x1] =	stream.indirect.gather [hbm4b:s1+s26], $0x20, s9, s26, $0xb8;
	[tilespmem:$0xF000] =	vst v63  }
0x92: {  	_ =	swait.ge [sflag:s30], $0x1000  }
0x93: {  	[sflag:s30] =	ssyncset.done $0x0  }
0x94: {  	s10 =	sadd.s32 $0x9880, s31;
	[sflag:s30] =	ssyncadd.s32 $0xFFFFF000  }
0x95: {  	[spmem:s3] =	stream.indirect.scatter.add.f32 [tilespmem:s28], [sflag:$0x4], $0x20, s10, s26, $0xb8;
	[tilespmem:$0xF000] =	vst v63  }
0x96: {  	_ =	swait.ge [sflag:s22], $0x1000  }
0x97: {  	[sflag:s22] =	ssyncset.done $0x0  }
0x98: {  	[sflag:s22] =	ssyncadd.s32 $0xFFFFF000  }
0x99: {  	[spmem:s4] =	stream.indirect.scatter.add.f32 [tilespmem:s23], [sflag:$0x3], $0x10, s10, s26, $0xb8;
	[tilespmem:$0xF000] =	vst v63  }
0x9a: {  	s31 =	simm.s32 $0x9780  }
0x9b: {  	[tilespmem:s28], [sflag:$0x2] =	stream.indirect.gather [hbm4b:s1+s26], $0x20, s31, s26, $0xb8;
	[tilespmem:$0xF000] =	vst v63  }
0x9c: {  	_ =	swait.ge [sflag:s29], $0x1000  }
0x9d: {  	[sflag:s29] =	ssyncset.done $0x0  }
0x9e: {  	[sflag:s29] =	ssyncadd.s32 $0xFFFFF000  }
0x9f: {  	[spmem:s3] =	stream.indirect.scatter.add.f32 [tilespmem:s21], [sflag:$0x4], $0x20, s2, s26, $0xb8;
	[tilespmem:$0xF000] =	vst v63  }
0xa0: {  	_ =	swait.ge [sflag:s22], $0x1000  }
0xa1: {  	[sflag:s22] =	ssyncset.done $0x0  }
0xa2: {  	[sflag:s22] =	ssyncadd.s32 $0xFFFFF000  }
0xa3: {  	[spmem:s4] =	stream.indirect.scatter.add.f32 [tilespmem:s23], [sflag:$0x3], $0x10, s2, s26, $0xb8;
	[tilespmem:$0xF000] =	vst v63  }
0xa4: {  	_ =	swait.ge [sflag:s30], $0x1000  }
0xa5: {  	[sflag:s30] =	ssyncset.done $0x0  }
0xa6: {  	[sflag:s30] =	ssyncadd.s32 $0xFFFFF000  }
0xa7: {  	[spmem:s3] =	stream.indirect.scatter.add.f32 [tilespmem:s28], [sflag:$0x4], $0x20, s0, s26, $0xb8;
	[tilespmem:$0xF000] =	vst v63  }
0xa8: {  	_ =	swait.ge [sflag:s22], $0x1000  }
0xa9: {  	[sflag:s22] =	ssyncset.done $0x0  }
0xaa: {  	[sflag:s22] =	ssyncadd.s32 $0xFFFFF000  }
0xab: {  	[spmem:s4] =	stream.indirect.scatter.add.f32 [tilespmem:s23], [sflag:$0x3], $0x10, s0, s26, $0xb8;
	[tilespmem:$0xF000] =	vst v63  }
0xac: {  	_ =	swait.ge [sflag:s25], $0x800  }
0xad: {  	s7 =	simm.s32 $0x4F;
	[sflag:s25] =	ssyncset.done $0x0  }
.LBB2_10:
0xae: {  	p0 =	sne.s32 s7, $0x1;
	s7 =	sadd.s32 $0xFFFFFFFF, s7;
	[sflag:s25] =	ssyncadd.s32 $0xFFFFF800  }
.Ltmp4:
0xaf: {  	(pc) =	sbr.rel @p0 .LBB2_10-.Ltmp4, $3  }
0xb0: {  	_ =	sdelay $0x1  }
0xb1: {  	_ =	swait.ge [sflag:s25], $0x800  }
0xb2: {  	[sflag:s25] =	ssyncset.done $0x0  }
0xb3: {  	s7 =	stileid.u32  }
0xb4: {  	[sflag:s25] =	ssyncadd.s32 $0xFFFFF800;
	s7 =	sshll.u32 s7, $0x6  }
0xb5: {  	s8 =	sshrl.u32 s6, $0x3;
	[bflag:$0x0] =	sbarrier.arrive $0xFFFF;
	s7 =	sor.u32 $0x1C04, s7  }
0xb6: {  	[hbm:s18], [sflag:s7] =	dma.local [spmem:s8], $0xA00  }
0xb7: {  	s5 =	sadd.s32 $0x1, s5;
	_ =	swait.ge [sflag:s22], $0xA00  }
0xb8: {  	p0 =	sne.s32 s5, s20;
	[sflag:s22] =	ssyncset.done $0x0  }
.Ltmp5:
0xb9: {  	s31 =	sshrl.u32 s11, $0x3;
	[sflag:s22] =	ssyncadd.s32 $0xFFFFF600;
	(pc) =	sbr.rel @p0 .LBB2_1-.Ltmp5, $4  }
0xba: {  	[hbm:s19], [sflag:s7] =	dma.local [spmem:s31], $0x500  }
0xbb: {  	_ =	swait.ge [sflag:s22], $0x500  }
0xbc: {  	[sflag:s22] =	ssyncset.done $0x0  }
0xbd: {  	[sflag:s22] =	ssyncadd.s32 $0xFFFFFB00  }
0xbe: {  	_ =	sfence.sel $0x180000  }
0xbf: {  	[bflag:$0x0] =	sbarrier.arrive $0xFFFF  }
0xc0: {  	_ =	strace $0x90000047  }
0xc1: {  	s0 =	stileid.u32;
	[bflag:$0x2] =	sbarrier.arrive $0xFFFF  }
0xc2: {  	p0 =	sne.s32 s0, $0x0;
	s0 =	rddreg [dreg:$0x4]  }
0xc3: {  	s0 =	sadd.s32 @!p0 $0x100000, s0  }
0xc4: {  	[sflag:s0] =	ssyncadd.tile.s32 @!p0 $0x1;
	_ =	shalt  }
.Lfunc_end2:
_tile_overlayer_lowered:
.L_overlay_start_2:
0xc5: {  	(tag) =	ssettag $0x2  }
0xc6: {  	s0 =	rddreg [dreg:$0x0];
	s2 =	stileid.u32  }
0xc7: {  	s1 =	rddreg [dreg:$0x1];
	p0 =	sne.s32 s2, $0x0  }
0xc8: {  	s3 =	rddreg [dreg:$0x2];
	[bflag:$0x3] =	sbarrier.arrive $0xFFFF;
	s2 =	simm.s32 @!p0 $0x1C04  }
0xc9: {  	[timem:s3], [sflag:s2] =	dma.local @!p0 [hbm:s0], s1  }
0xca: {  	s0 =	simm.s32 @!p0 $0x4  }
0xcb: {  	_ =	swait.ge @!p0 [sflag:s0], s1  }
0xcc: {  	s1 =	ssub.s32 @!p0 $0x0, s1;
	[sflag:s0] =	ssyncset.done @!p0 $0x0  }
0xcd: {  	[sflag:s0] =	ssyncadd.s32 @!p0 s1  }
0xce: {  	[bflag:$0x3] =	sbarrier.arrive $0xFFFF  }
0xcf: {  	_ =	shalt  }

</sc_bundles>
